<compile_context>
chip_gen: v7x
topology: tpu7x:2x2x1
jax: 0.10.2.dev20260603
libtpu: 0.0.44.dev20260713+nightly
codegen_flags: <defaults>
</compile_context>

<pallas_src>
import functools

import jax
import jax.numpy as jnp
from jax import lax
from jax.experimental import pallas as pl
from jax.experimental.pallas import tpu as pltpu
from jax.experimental.pallas import tpu_sc as plsc

C = 80
Z_OUT, H_OUT, W_OUT = 1, 256, 256
N_OUT = Z_OUT * H_OUT * W_OUT
R = 1024
NRANGES = N_OUT // R
K = 128
NW = 32
RANGES_PER_W = NRANGES // NW
BOUNDS_PAD = 80


def _sc_body(depth_hbm, feat_hbm, rd_hbm, rf_hbm, rb_hbm, bounds_hbm, out_hbm,
             bounds_v,
             rd0, rd1, rd2, rf0, rf1, rf2, rb0, rb1, rb2,
             dg0, dg1, fg0, fg1, acc,
             si0, si1, si2, sd0, sd1, sf0, sf1):
    n_pts = rd_hbm.shape[0]
    off_max = n_pts - K
    rd_v = (rd0, rd1, rd2)
    rf_v = (rf0, rf1, rf2)
    rb_v = (rb0, rb1, rb2)
    dg_v = (dg0, dg1)
    fg_v = (fg0, fg1)
    si = (si0, si1, si2)
    sd = (sd0, sd1)
    sf = (sf0, sf1)

    def issue_idx(off, i):
        pltpu.async_copy(rd_hbm.at[pl.ds(off, K)], rd_v[i], si[i])
        pltpu.async_copy(rf_hbm.at[pl.ds(off, K)], rf_v[i], si[i])
        pltpu.async_copy(rb_hbm.at[pl.ds(off, K)], rb_v[i], si[i])

    def wait_idx(i):
        pltpu.make_async_copy(rd_hbm.at[pl.ds(0, K)], rd_v[i], si[i]).wait()
        pltpu.make_async_copy(rf_hbm.at[pl.ds(0, K)], rf_v[i], si[i]).wait()
        pltpu.make_async_copy(rb_hbm.at[pl.ds(0, K)], rb_v[i], si[i]).wait()

    def issue_gather(i3, i2):
        pltpu.async_copy(depth_hbm.at[rd_v[i3]], dg_v[i2], sd[i2])
        pltpu.async_copy(feat_hbm.at[rf_v[i3]], fg_v[i2], sf[i2])

    def wait_gather(i3, i2):
        pltpu.make_async_copy(depth_hbm.at[rd_v[i3]], dg_v[i2], sd[i2]).wait()
        pltpu.make_async_copy(feat_hbm.at[rf_v[i3]], fg_v[i2], sf[i2]).wait()

    wid = lax.axis_index("s") * 2 + lax.axis_index("c")
    pltpu.sync_copy(bounds_hbm, bounds_v)
    zero16 = jnp.zeros((16,), jnp.float32)

    def range_body(rg, _):
        j = wid * RANGES_PER_W + rg
        base = j * R
        sv = bounds_v[pl.ds(j, 16)]
        s = sv[0]
        e = sv[1]
        a = (s // 8) * 8
        nblk = (e - a + K - 1) // K

        @plsc.parallel_loop(0, R * C // 16, unroll=8)
        def zacc(i):
            acc[pl.ds(i * 16, 16)] = zero16

        def compute(off, u, i3, i2):
            fg = fg_v[i2]

            def grp(g, _):
                p16 = g * 16
                iota16 = lax.iota(jnp.int32, 16)
                bv16 = rb_v[i3][pl.ds(p16, 16)]
                wd16 = dg_v[i2][pl.ds(p16, 16)]
                pg16 = off + p16 + iota16
                ok = jnp.logical_and(
                    jnp.logical_and(pg16 < e, pg16 >= u), bv16 >= base)
                wv16 = jnp.where(ok, wd16, zero16)
                loc16 = jnp.clip(bv16 - base, 0, R - 1)
                prow = p16 + iota16
                bl = loc16 * C

                @plsc.parallel_loop(0, C, unroll=8)
                def step(m):
                    c_hi = m - jnp.bitwise_and(m, 15)
                    col = jnp.bitwise_and(iota16 + m, 15) + c_hi
                    v = wv16 * plsc.load_gather(fg, [prow, col])
                    plsc.addupdate_scatter(acc, [bl + col], v)
                return 0
            lax.fori_loop(0, K // 16, grp, 0)

        issue_idx(jnp.minimum(a, off_max), 0)
        issue_idx(jnp.minimum(a + K, off_max), 1)
        wait_idx(0)
        issue_gather(0, 0)

        def round_body(tr, _):
            t0 = tr * 6
            for k in range(6):
                t = t0 + k
                issue_idx(jnp.minimum(a + (t + 2) * K, off_max), (k + 2) % 3)
                wait_idx((k + 1) % 3)
                issue_gather((k + 1) % 3, (k + 1) % 2)
                wait_gather(k % 3, k % 2)
                u = a + t * K
                compute(jnp.minimum(u, off_max), u, k % 3, k % 2)
            return 0
        nround = (nblk + 5) // 6
        lax.fori_loop(0, nround, round_body, 0)
        wait_idx(1)
        wait_gather(0, 0)

        pltpu.sync_copy(acc, out_hbm.at[pl.ds(base * C, R * C)])
        return 0
    lax.fori_loop(0, RANGES_PER_W, range_body, 0)


@jax.jit
def _bev_pool(depth_flat, feat_flat, rd_p, rf_p, rb_p, bounds):
    call = functools.partial(
        pl.kernel,
        out_type=jax.ShapeDtypeStruct((N_OUT * C,), jnp.float32),
        mesh=plsc.VectorSubcoreMesh(core_axis_name="c", subcore_axis_name="s"),
        compiler_params=pltpu.CompilerParams(
            use_tc_tiling_on_sc=False, needs_layout_passes=False),
        scratch_types=[
            pltpu.VMEM((BOUNDS_PAD,), jnp.int32),
            pltpu.VMEM((K,), jnp.int32),
            pltpu.VMEM((K,), jnp.int32),
            pltpu.VMEM((K,), jnp.int32),
            pltpu.VMEM((K,), jnp.int32),
            pltpu.VMEM((K,), jnp.int32),
            pltpu.VMEM((K,), jnp.int32),
            pltpu.VMEM((K,), jnp.int32),
            pltpu.VMEM((K,), jnp.int32),
            pltpu.VMEM((K,), jnp.int32),
            pltpu.VMEM((K,), jnp.float32),
            pltpu.VMEM((K,), jnp.float32),
            pltpu.VMEM((K, C), jnp.float32),
            pltpu.VMEM((K, C), jnp.float32),
            pltpu.VMEM((R * C,), jnp.float32),
            pltpu.SemaphoreType.DMA,
            pltpu.SemaphoreType.DMA,
            pltpu.SemaphoreType.DMA,
            pltpu.SemaphoreType.DMA,
            pltpu.SemaphoreType.DMA,
            pltpu.SemaphoreType.DMA,
            pltpu.SemaphoreType.DMA,
        ],
    )(_sc_body)
    return call(depth_flat, feat_flat, rd_p, rf_p, rb_p, bounds)


def kernel(depth, feat, ranks_depth, ranks_feat, ranks_bev,
           interval_starts, interval_lengths):
    b = feat.shape[0]
    c = feat.shape[2]
    depth_flat = depth.reshape(-1)
    feat_flat = jnp.transpose(feat, (0, 1, 3, 4, 2)).reshape(-1, c)
    qs = jnp.arange(NRANGES + 1, dtype=jnp.int32) * R
    n_pts = ranks_bev.shape[0]
    lo = jnp.zeros((NRANGES + 1,), jnp.int32)
    hi = jnp.full((NRANGES + 1,), n_pts, jnp.int32)
    nsteps = max(1, (n_pts - 1).bit_length())
    for _ in range(nsteps):
        mid = (lo + hi) // 2
        pred = jnp.logical_and(mid < n_pts,
                               jnp.take(ranks_bev, mid, mode='clip') < qs)
        lo = jnp.where(pred, mid + 1, lo)
        hi = jnp.where(pred, hi, mid)
    bounds = lo
    bounds = jnp.concatenate(
        [bounds, jnp.zeros((BOUNDS_PAD - (NRANGES + 1),), jnp.int32)])
    out = _bev_pool(depth_flat, feat_flat, ranks_depth, ranks_feat,
                    ranks_bev, bounds)
    out = out.reshape(b, Z_OUT, H_OUT, W_OUT, c)
    return jnp.transpose(out, (0, 4, 1, 2, 3))

# --- scband reference (transcript-rebuilt; emitter-appended) ---
"""Pipeline reference for scband-bev-pool-v2-83021717832043 (READ-ONLY COPY).

The authoritative reference and input builder live on the scoring server;
editing this copy changes nothing except your own understanding.
"""

import jax, jax.numpy as jnp
import numpy as np

B, N, D, H, W, C = 1, 6, 88, 32, 88, 80
Z_OUT, H_OUT, W_OUT = 1, 256, 256
N_POINTS = 1000000
N_PILLARS = 60000


def setup_inputs(seed: int = 0) -> dict:
    key = jax.random.key(seed)
    ks = jax.random.split(key, 7)
    depth = jax.random.uniform(ks[0], (B, N, D, H, W), dtype=jnp.float32)
    feat = jax.random.normal(ks[1], (B, N, C, H, W), dtype=jnp.float32)
    ranks_depth = jax.random.randint(ks[2], (N_POINTS,), 0, B * N * D * H * W, dtype=jnp.int32)
    ranks_feat = jax.random.randint(ks[3], (N_POINTS,), 0, B * N * H * W, dtype=jnp.int32)
    ranks_bev = jnp.sort(jax.random.randint(ks[4], (N_POINTS,), 0, B * Z_OUT * H_OUT * W_OUT, dtype=jnp.int32))
    interval_starts = jnp.sort(jax.random.randint(ks[5], (N_PILLARS,), 0, N_POINTS, dtype=jnp.int32))
    interval_lengths = jax.random.randint(ks[6], (N_PILLARS,), 0, 32, dtype=jnp.int32)
    return {
        'depth': depth,
        'feat': feat,
        'ranks_depth': ranks_depth,
        'ranks_feat': ranks_feat,
        'ranks_bev': ranks_bev,
        'interval_starts': interval_starts,
        'interval_lengths': interval_lengths,
    }


def reference(depth, feat, ranks_depth, ranks_feat, ranks_bev, interval_starts, interval_lengths):
    # bev_feat_shape given as (z_out, h_out, w_out); b and c derived from feat,
    # matching the module's shape-normalization logic.
    b = feat.shape[0]
    c = feat.shape[2]
    bev_feat_shape = (b, Z_OUT, H_OUT, W_OUT, c)
    # Flatten depth over (b, n, d, h, w): one scalar weight per frustum point.
    depth_flat = depth.reshape(-1)
    # feat layout is (b, n, c, h, w); ranks_feat indexes the flattened (b, n, h, w)
    # spatial positions, keeping the channel vector intact.
    feat_flat = jnp.transpose(feat, (0, 1, 3, 4, 2)).reshape(-1, c)
    # Gather per-point depth weight and feature vector, multiply.
    w_pts = jnp.take(depth_flat, ranks_depth, axis=0)[:, None]
    f_pts = jnp.take(feat_flat, ranks_feat, axis=0)
    weighted = w_pts * f_pts
    # Scatter-add into the flattened BEV grid (interval_starts/lengths encode the
    # same grouping by ranks_bev used by the fused kernel; scatter-add is the
    # mathematically identical reduction).
    n_out = bev_feat_shape[0] * bev_feat_shape[1] * bev_feat_shape[2] * bev_feat_shape[3]
    out = jnp.zeros((n_out, c), dtype=weighted.dtype).at[ranks_bev].add(weighted)
    out = out.reshape(bev_feat_shape)
    # Return in (b, c, z_out, h_out, w_out) layout.
    return jnp.transpose(out, (0, 4, 1, 2, 3))

if __name__ == "__main__":
    import jax
    _d = setup_inputs()
    print(jax.jit(kernel)(*tuple(_d.values())))

</pallas_src>

<mosaic_0001>
#map = affine_map<(d0, d1) -> (0)>
#map1 = affine_map<(d0, d1) -> (0, 0)>
module attributes {stable_mosaic.version = 14 : i64} {
  func.func @_sc_body(%arg0: i32, %arg1: i32, %arg2: memref<1486848xf32, #tpu.memory_space<hbm>>, %arg3: memref<16896x80xf32, #tpu.memory_space<hbm>>, %arg4: memref<1000000xi32, #tpu.memory_space<hbm>>, %arg5: memref<1000000xi32, #tpu.memory_space<hbm>>, %arg6: memref<1000000xi32, #tpu.memory_space<hbm>>, %arg7: memref<80xi32, #tpu.memory_space<hbm>>, %arg8: memref<5242880xf32, #tpu.memory_space<hbm>>, %arg9: memref<80xi32, #tpu.memory_space<vmem>>, %arg10: memref<128xi32, #tpu.memory_space<vmem>>, %arg11: memref<128xi32, #tpu.memory_space<vmem>>, %arg12: memref<128xi32, #tpu.memory_space<vmem>>, %arg13: memref<128xi32, #tpu.memory_space<vmem>>, %arg14: memref<128xi32, #tpu.memory_space<vmem>>, %arg15: memref<128xi32, #tpu.memory_space<vmem>>, %arg16: memref<128xi32, #tpu.memory_space<vmem>>, %arg17: memref<128xi32, #tpu.memory_space<vmem>>, %arg18: memref<128xi32, #tpu.memory_space<vmem>>, %arg19: memref<128xf32, #tpu.memory_space<vmem>>, %arg20: memref<128xf32, #tpu.memory_space<vmem>>, %arg21: memref<128x80xf32, #tpu.memory_space<vmem>>, %arg22: memref<128x80xf32, #tpu.memory_space<vmem>>, %arg23: memref<81920xf32, #tpu.memory_space<vmem>>, %arg24: memref<!tpu.dma_semaphore, #tpu.memory_space<semaphore_mem>>, %arg25: memref<!tpu.dma_semaphore, #tpu.memory_space<semaphore_mem>>, %arg26: memref<!tpu.dma_semaphore, #tpu.memory_space<semaphore_mem>>, %arg27: memref<!tpu.dma_semaphore, #tpu.memory_space<semaphore_mem>>, %arg28: memref<!tpu.dma_semaphore, #tpu.memory_space<semaphore_mem>>, %arg29: memref<!tpu.dma_semaphore, #tpu.memory_space<semaphore_mem>>, %arg30: memref<!tpu.dma_semaphore, #tpu.memory_space<semaphore_mem>>) attributes {dimension_semantics = [#tpu.dimension_semantics<core_parallel>, #tpu.dimension_semantics<subcore_parallel>], iteration_bounds = array<i64: 2, 16>, scalar_prefetch = 0 : i64, scratch_operands = 22 : i64, tpu.core_type = #tpu.core_type<sc_vector_subcore>, window_params = [{transform_indices = #map}, {transform_indices = #map1}, {transform_indices = #map}, {transform_indices = #map}, {transform_indices = #map}, {transform_indices = #map}, {transform_indices = #map}]} {
    %mul3A = arith.constant 2 : i32
    %mul3A_0 = arith.muli %arg1, %mul3A : i32
    %add3A = arith.addi %mul3A_0, %arg0 : i32
    "tpu.region"() ({
      %run_scoped3A = tpu.sem_alloc : memref<!tpu.dma_semaphore, #tpu.memory_space<semaphore_mem>>
      tpu.enqueue_dma source(%arg7 : memref<80xi32, #tpu.memory_space<hbm>>) target(%arg9 : memref<80xi32, #tpu.memory_space<vmem>>) target_semaphore(%run_scoped3A : memref<!tpu.dma_semaphore, #tpu.memory_space<semaphore_mem>>)
      tpu.wait_dma2 semaphore(%run_scoped3A : memref<!tpu.dma_semaphore, #tpu.memory_space<semaphore_mem>>) src(%arg7 : memref<80xi32, #tpu.memory_space<hbm>>) dst(%arg9 : memref<80xi32, #tpu.memory_space<vmem>>)
      tpu.yield
    }) : () -> ()
    %broadcast_in_dim3A = arith.constant 0.000000e+00 : f32
    %broadcast_in_dim3A_1 = vector.broadcast %broadcast_in_dim3A : f32 to vector<16xf32>
    %scan3A = arith.constant 0 : i32
    %scan3A_2 = arith.constant 0 : i32
    %scan3A_3 = arith.constant 2 : i32
    %scan3A_4 = arith.addi %scan3A_2, %scan3A_3 : i32
    %scan3A_5 = arith.constant 1 : i32
    %scan3A_6 = scf.for %scan3A_8 = %scan3A_2 to %scan3A_4 step %scan3A_5 iter_args(%scan3A_9 = %scan3A) -> (i32)  : i32 {
      %mul3A_10 = arith.constant 2 : i32
      %mul3A_11 = arith.muli %add3A, %mul3A_10 : i32
      %add3A_12 = arith.addi %mul3A_11, %scan3A_8 : i32
      %mul3A_13 = arith.constant 1024 : i32
      %mul3A_14 = arith.muli %add3A_12, %mul3A_13 : i32
      %get3A = arith.index_cast %add3A_12 : i32 to index
      %get3A_15 = tpu.vector_load %arg9[%get3A] {strides = array<i32>} : memref<80xi32, #tpu.memory_space<vmem>>, vector<16xi32>,
      %slice3A = vector.extract_strided_slice %get3A_15 {offsets = [0], sizes = [1], strides = [1]} : vector<16xi32> to vector<1xi32>
      %squeeze3A = vector.extract %slice3A[0] : i32 from vector<1xi32>
      %slice3A_16 = vector.extract_strided_slice %get3A_15 {offsets = [1], sizes = [1], strides = [1]} : vector<16xi32> to vector<1xi32>
      %squeeze3A_17 = vector.extract %slice3A_16[0] : i32 from vector<1xi32>
      %jit3A = arith.constant 8 : i32
      %div3A = arith.divsi %squeeze3A, %jit3A : i32
      %sign3A = arith.constant 0 : i32
      %sign3A_18 = arith.cmpi sgt, %squeeze3A, %sign3A : i32
      %sign3A_19 = arith.extui %sign3A_18 : i1 to i32
      %sign3A_20 = arith.constant 0 : i32
      %sign3A_21 = arith.cmpi slt, %squeeze3A, %sign3A_20 : i32
      %sign3A_22 = arith.extui %sign3A_21 : i1 to i32
      %sign3A_23 = arith.subi %sign3A_19, %sign3A_22 : i32
      %sign3A_24 = arith.constant 0 : i32
      %sign3A_25 = arith.cmpi sgt, %jit3A, %sign3A_24 : i32
      %sign3A_26 = arith.extui %sign3A_25 : i1 to i32
      %sign3A_27 = arith.constant 0 : i32
      %sign3A_28 = arith.cmpi slt, %jit3A, %sign3A_27 : i32
      %sign3A_29 = arith.extui %sign3A_28 : i1 to i32
      %sign3A_30 = arith.subi %sign3A_26, %sign3A_29 : i32
      %ne3A = arith.cmpi ne, %sign3A_23, %sign3A_30 : i32
      %rem3A = arith.remsi %squeeze3A, %jit3A : i32
      %ne3A_31 = arith.constant 0 : i32
      %ne3A_32 = arith.cmpi ne, %rem3A, %ne3A_31 : i32
      %and3A = arith.andi %ne3A, %ne3A_32 : i1
      %sub3A = arith.constant 1 : i32
      %sub3A_33 = arith.subi %div3A, %sub3A : i32
      %select_n3A = arith.select %and3A, %sub3A_33, %div3A : i32
      %mul3A_34 = arith.constant 8 : i32
      %mul3A_35 = arith.muli %select_n3A, %mul3A_34 : i32
      %sub3A_36 = arith.subi %squeeze3A_17, %mul3A_35 : i32
      %add3A_37 = arith.constant 128 : i32
      %add3A_38 = arith.addi %sub3A_36, %add3A_37 : i32
      %sub3A_39 = arith.constant 1 : i32
      %sub3A_40 = arith.subi %add3A_38, %sub3A_39 : i32
      %jit3A_41 = arith.constant 128 : i32
      %div3A_42 = arith.divsi %sub3A_40, %jit3A_41 : i32
      %sign3A_43 = arith.constant 0 : i32
      %sign3A_44 = arith.cmpi sgt, %sub3A_40, %sign3A_43 : i32
      %sign3A_45 = arith.extui %sign3A_44 : i1 to i32
      %sign3A_46 = arith.constant 0 : i32
      %sign3A_47 = arith.cmpi slt, %sub3A_40, %sign3A_46 : i32
      %sign3A_48 = arith.extui %sign3A_47 : i1 to i32
      %sign3A_49 = arith.subi %sign3A_45, %sign3A_48 : i32
      %sign3A_50 = arith.constant 0 : i32
      %sign3A_51 = arith.cmpi sgt, %jit3A_41, %sign3A_50 : i32
      %sign3A_52 = arith.extui %sign3A_51 : i1 to i32
      %sign3A_53 = arith.constant 0 : i32
      %sign3A_54 = arith.cmpi slt, %jit3A_41, %sign3A_53 : i32
      %sign3A_55 = arith.extui %sign3A_54 : i1 to i32
      %sign3A_56 = arith.subi %sign3A_52, %sign3A_55 : i32
      %ne3A_57 = arith.cmpi ne, %sign3A_49, %sign3A_56 : i32
      %rem3A_58 = arith.remsi %sub3A_40, %jit3A_41 : i32
      %ne3A_59 = arith.constant 0 : i32
      %ne3A_60 = arith.cmpi ne, %rem3A_58, %ne3A_59 : i32
      %and3A_61 = arith.andi %ne3A_57, %ne3A_60 : i1
      %sub3A_62 = arith.constant 1 : i32
      %sub3A_63 = arith.subi %div3A_42, %sub3A_62 : i32
      %select_n3A_64 = arith.select %and3A_61, %sub3A_63, %div3A_42 : i32
      %parallel_loop3A = arith.constant 0 : i32
      %parallel_loop3A_65 = arith.constant 5120 : i32
      %parallel_loop3A_66 = arith.constant 1 : i32
      scf.for %parallel_loop3A_156 = %parallel_loop3A to %parallel_loop3A_65 step %parallel_loop3A_66  : i32 {
        %parallel_loop3A_157 = arith.constant 16 : i32
        %parallel_loop3A_158 = arith.muli %parallel_loop3A_156, %parallel_loop3A_157 : i32
        %parallel_loop3A_159 = arith.index_cast %parallel_loop3A_158 : i32 to index
        %parallel_loop3A_160 = tpu.vector_load %arg23[%parallel_loop3A_159] {strides = array<i32>} : memref<81920xf32, #tpu.memory_space<vmem>>, vector<16xf32>,
        tpu.vector_store %arg23[%parallel_loop3A_159], %broadcast_in_dim3A_1 {strides = array<i32>} : memref<81920xf32, #tpu.memory_space<vmem>>, vector<16xf32>,
      } {sc.loop_unroll_factor = 8 : i64, sc.parallel_access}
      %min3A = arith.constant 999872 : i32
      %min3A_67 = arith.minsi %mul3A_35, %min3A : i32
      %dma_start3A = tpu.memref_slice %arg4[%min3A_67] : memref<1000000xi32, #tpu.memory_space<hbm>> -> memref<128xi32, #tpu.memory_space<hbm>>
      %dma_start3A_68 = tpu.memref_slice %arg4[%min3A_67] : memref<1000000xi32, #tpu.memory_space<hbm>> -> memref<128xi32, #tpu.memory_space<hbm>>
      tpu.enqueue_dma source(%dma_start3A_68 : memref<128xi32, #tpu.memory_space<hbm>>) target(%arg10 : memref<128xi32, #tpu.memory_space<vmem>>) target_semaphore(%arg24 : memref<!tpu.dma_semaphore, #tpu.memory_space<semaphore_mem>>)
      %dma_start3A_69 = tpu.memref_slice %arg5[%min3A_67] : memref<1000000xi32, #tpu.memory_space<hbm>> -> memref<128xi32, #tpu.memory_space<hbm>>
      %dma_start3A_70 = tpu.memref_slice %arg5[%min3A_67] : memref<1000000xi32, #tpu.memory_space<hbm>> -> memref<128xi32, #tpu.memory_space<hbm>>
      tpu.enqueue_dma source(%dma_start3A_70 : memref<128xi32, #tpu.memory_space<hbm>>) target(%arg13 : memref<128xi32, #tpu.memory_space<vmem>>) target_semaphore(%arg24 : memref<!tpu.dma_semaphore, #tpu.memory_space<semaphore_mem>>)
      %dma_start3A_71 = tpu.memref_slice %arg6[%min3A_67] : memref<1000000xi32, #tpu.memory_space<hbm>> -> memref<128xi32, #tpu.memory_space<hbm>>
      %dma_start3A_72 = tpu.memref_slice %arg6[%min3A_67] : memref<1000000xi32, #tpu.memory_space<hbm>> -> memref<128xi32, #tpu.memory_space<hbm>>
      tpu.enqueue_dma source(%dma_start3A_72 : memref<128xi32, #tpu.memory_space<hbm>>) target(%arg16 : memref<128xi32, #tpu.memory_space<vmem>>) target_semaphore(%arg24 : memref<!tpu.dma_semaphore, #tpu.memory_space<semaphore_mem>>)
      %add3A_73 = arith.constant 128 : i32
      %add3A_74 = arith.addi %mul3A_35, %add3A_73 : i32
      %min3A_75 = arith.constant 999872 : i32
      %min3A_76 = arith.minsi %add3A_74, %min3A_75 : i32
      %dma_start3A_77 = tpu.memref_slice %arg4[%min3A_76] : memref<1000000xi32, #tpu.memory_space<hbm>> -> memref<128xi32, #tpu.memory_space<hbm>>
      %dma_start3A_78 = tpu.memref_slice %arg4[%min3A_76] : memref<1000000xi32, #tpu.memory_space<hbm>> -> memref<128xi32, #tpu.memory_space<hbm>>
      tpu.enqueue_dma source(%dma_start3A_78 : memref<128xi32, #tpu.memory_space<hbm>>) target(%arg11 : memref<128xi32, #tpu.memory_space<vmem>>) target_semaphore(%arg25 : memref<!tpu.dma_semaphore, #tpu.memory_space<semaphore_mem>>)
      %dma_start3A_79 = tpu.memref_slice %arg5[%min3A_76] : memref<1000000xi32, #tpu.memory_space<hbm>> -> memref<128xi32, #tpu.memory_space<hbm>>
      %dma_start3A_80 = tpu.memref_slice %arg5[%min3A_76] : memref<1000000xi32, #tpu.memory_space<hbm>> -> memref<128xi32, #tpu.memory_space<hbm>>
      tpu.enqueue_dma source(%dma_start3A_80 : memref<128xi32, #tpu.memory_space<hbm>>) target(%arg14 : memref<128xi32, #tpu.memory_space<vmem>>) target_semaphore(%arg25 : memref<!tpu.dma_semaphore, #tpu.memory_space<semaphore_mem>>)
      %dma_start3A_81 = tpu.memref_slice %arg6[%min3A_76] : memref<1000000xi32, #tpu.memory_space<hbm>> -> memref<128xi32, #tpu.memory_space<hbm>>
      %dma_start3A_82 = tpu.memref_slice %arg6[%min3A_76] : memref<1000000xi32, #tpu.memory_space<hbm>> -> memref<128xi32, #tpu.memory_space<hbm>>
      tpu.enqueue_dma source(%dma_start3A_82 : memref<128xi32, #tpu.memory_space<hbm>>) target(%arg17 : memref<128xi32, #tpu.memory_space<vmem>>) target_semaphore(%arg25 : memref<!tpu.dma_semaphore, #tpu.memory_space<semaphore_mem>>)
      %dma_wait3A = arith.constant 0 : i32
      %dma_wait3A_83 = tpu.memref_slice %arg4[%dma_wait3A] : memref<1000000xi32, #tpu.memory_space<hbm>> -> memref<128xi32, #tpu.memory_space<hbm>>
      %dma_wait3A_84 = arith.constant 0 : i32
      %dma_wait3A_85 = tpu.memref_slice %arg4[%dma_wait3A_84] : memref<1000000xi32, #tpu.memory_space<hbm>> -> memref<128xi32, #tpu.memory_space<hbm>>
      tpu.wait_dma2 semaphore(%arg24 : memref<!tpu.dma_semaphore, #tpu.memory_space<semaphore_mem>>) src(%dma_wait3A_85 : memref<128xi32, #tpu.memory_space<hbm>>) dst(%arg10 : memref<128xi32, #tpu.memory_space<vmem>>)
      %dma_wait3A_86 = arith.constant 0 : i32
      %dma_wait3A_87 = tpu.memref_slice %arg5[%dma_wait3A_86] : memref<1000000xi32, #tpu.memory_space<hbm>> -> memref<128xi32, #tpu.memory_space<hbm>>
      %dma_wait3A_88 = arith.constant 0 : i32
      %dma_wait3A_89 = tpu.memref_slice %arg5[%dma_wait3A_88] : memref<1000000xi32, #tpu.memory_space<hbm>> -> memref<128xi32, #tpu.memory_space<hbm>>
      tpu.wait_dma2 semaphore(%arg24 : memref<!tpu.dma_semaphore, #tpu.memory_space<semaphore_mem>>) src(%dma_wait3A_89 : memref<128xi32, #tpu.memory_space<hbm>>) dst(%arg13 : memref<128xi32, #tpu.memory_space<vmem>>)
      %dma_wait3A_90 = arith.constant 0 : i32
      %dma_wait3A_91 = tpu.memref_slice %arg6[%dma_wait3A_90] : memref<1000000xi32, #tpu.memory_space<hbm>> -> memref<128xi32, #tpu.memory_space<hbm>>
      %dma_wait3A_92 = arith.constant 0 : i32
      %dma_wait3A_93 = tpu.memref_slice %arg6[%dma_wait3A_92] : memref<1000000xi32, #tpu.memory_space<hbm>> -> memref<128xi32, #tpu.memory_space<hbm>>
      tpu.wait_dma2 semaphore(%arg24 : memref<!tpu.dma_semaphore, #tpu.memory_space<semaphore_mem>>) src(%dma_wait3A_93 : memref<128xi32, #tpu.memory_space<hbm>>) dst(%arg16 : memref<128xi32, #tpu.memory_space<vmem>>)
      %dma_start3A_94 = arith.constant 0 : i32
      %dma_start3A_95 = tpu.memref_slice %arg2[%dma_start3A_94] : memref<1486848xf32, #tpu.memory_space<hbm>> -> memref<1486848xf32, #tpu.memory_space<hbm>>
      tpu.enqueue_indirect_dma source(%dma_start3A_95 : memref<1486848xf32, #tpu.memory_space<hbm>>) target(%arg19 : memref<128xf32, #tpu.memory_space<vmem>>) offsets(%arg10 : memref<128xi32, #tpu.memory_space<vmem>>) semaphore(%arg27 : memref<!tpu.dma_semaphore, #tpu.memory_space<semaphore_mem>>)
      %dma_start3A_96 = arith.constant 0 : i32
      %dma_start3A_97 = arith.constant 0 : i32
      %dma_start3A_98 = tpu.memref_slice %arg3[%dma_start3A_96, %dma_start3A_97] : memref<16896x80xf32, #tpu.memory_space<hbm>> -> memref<16896x80xf32, #tpu.memory_space<hbm>>
      tpu.enqueue_indirect_dma source(%dma_start3A_98 : memref<16896x80xf32, #tpu.memory_space<hbm>>) target(%arg21 : memref<128x80xf32, #tpu.memory_space<vmem>>) offsets(%arg13 : memref<128xi32, #tpu.memory_space<vmem>>) semaphore(%arg29 : memref<!tpu.dma_semaphore, #tpu.memory_space<semaphore_mem>>)
      %add3A_99 = arith.constant 5 : i32
      %add3A_100 = arith.addi %select_n3A_64, %add3A_99 : i32
      %jit3A_101 = arith.constant 6 : i32
      %div3A_102 = arith.divsi %add3A_100, %jit3A_101 : i32
      %sign3A_103 = arith.constant 0 : i32
      %sign3A_104 = arith.cmpi sgt, %add3A_100, %sign3A_103 : i32
      %sign3A_105 = arith.extui %sign3A_104 : i1 to i32
      %sign3A_106 = arith.constant 0 : i32
      %sign3A_107 = arith.cmpi slt, %add3A_100, %sign3A_106 : i32
      %sign3A_108 = arith.extui %sign3A_107 : i1 to i32
      %sign3A_109 = arith.subi %sign3A_105, %sign3A_108 : i32
      %sign3A_110 = arith.constant 0 : i32
      %sign3A_111 = arith.cmpi sgt, %jit3A_101, %sign3A_110 : i32
      %sign3A_112 = arith.extui %sign3A_111 : i1 to i32
      %sign3A_113 = arith.constant 0 : i32
      %sign3A_114 = arith.cmpi slt, %jit3A_101, %sign3A_113 : i32
      %sign3A_115 = arith.extui %sign3A_114 : i1 to i32
      %sign3A_116 = arith.subi %sign3A_112, %sign3A_115 : i32
      %ne3A_117 = arith.cmpi ne, %sign3A_109, %sign3A_116 : i32
      %rem3A_118 = arith.remsi %add3A_100, %jit3A_101 : i32
      %ne3A_119 = arith.constant 0 : i32
      %ne3A_120 = arith.cmpi ne, %rem3A_118, %ne3A_119 : i32
      %and3A_121 = arith.andi %ne3A_117, %ne3A_120 : i1
      %sub3A_122 = arith.constant 1 : i32
      %sub3A_123 = arith.subi %div3A_102, %sub3A_122 : i32
      %select_n3A_124 = arith.select %and3A_121, %sub3A_123, %div3A_102 : i32
      %while3A = arith.constant 0 : i32
      %while3A_125 = arith.constant 0 : i32
      %while3A_126 = arith.subi %select_n3A_124, %while3A : i32
      %while3A_127 = arith.addi %while3A, %while3A_126 : i32
      %while3A_128 = arith.constant 1 : i32
      %while3A_129 = arith.divsi %while3A_126, %while3A_128 : i32
      %while3A_130 = arith.muli %while3A_129, %while3A_128 : i32
      %while3A_131 = arith.addi %while3A, %while3A_130 : i32
      %while3A_132 = arith.constant 1 : i32
      %while3A_133 = scf.for %while3A_156 = %while3A to %while3A_131 step %while3A_132 iter_args(%while3A_157 = %while3A_125) -> (i32)  : i32 {
        %mul3A_158 = arith.constant 6 : i32
        %mul3A_159 = arith.muli %while3A_156, %mul3A_158 : i32
        %add3A_160 = arith.constant 0 : i32
        %add3A_161 = arith.addi %mul3A_159, %add3A_160 : i32
        %add3A_162 = arith.constant 2 : i32
        %add3A_163 = arith.addi %add3A_161, %add3A_162 : i32
        %mul3A_164 = arith.constant 128 : i32
        %mul3A_165 = arith.muli %add3A_163, %mul3A_164 : i32
        %add3A_166 = arith.addi %mul3A_35, %mul3A_165 : i32
        %min3A_167 = arith.constant 999872 : i32
        %min3A_168 = arith.minsi %add3A_166, %min3A_167 : i32
        %dma_start3A_169 = tpu.memref_slice %arg4[%min3A_168] : memref<1000000xi32, #tpu.memory_space<hbm>> -> memref<128xi32, #tpu.memory_space<hbm>>
        %dma_start3A_170 = tpu.memref_slice %arg4[%min3A_168] : memref<1000000xi32, #tpu.memory_space<hbm>> -> memref<128xi32, #tpu.memory_space<hbm>>
        tpu.enqueue_dma source(%dma_start3A_170 : memref<128xi32, #tpu.memory_space<hbm>>) target(%arg12 : memref<128xi32, #tpu.memory_space<vmem>>) target_semaphore(%arg26 : memref<!tpu.dma_semaphore, #tpu.memory_space<semaphore_mem>>)
        %dma_start3A_171 = tpu.memref_slice %arg5[%min3A_168] : memref<1000000xi32, #tpu.memory_space<hbm>> -> memref<128xi32, #tpu.memory_space<hbm>>
        %dma_start3A_172 = tpu.memref_slice %arg5[%min3A_168] : memref<1000000xi32, #tpu.memory_space<hbm>> -> memref<128xi32, #tpu.memory_space<hbm>>
        tpu.enqueue_dma source(%dma_start3A_172 : memref<128xi32, #tpu.memory_space<hbm>>) target(%arg15 : memref<128xi32, #tpu.memory_space<vmem>>) target_semaphore(%arg26 : memref<!tpu.dma_semaphore, #tpu.memory_space<semaphore_mem>>)
        %dma_start3A_173 = tpu.memref_slice %arg6[%min3A_168] : memref<1000000xi32, #tpu.memory_space<hbm>> -> memref<128xi32, #tpu.memory_space<hbm>>
        %dma_start3A_174 = tpu.memref_slice %arg6[%min3A_168] : memref<1000000xi32, #tpu.memory_space<hbm>> -> memref<128xi32, #tpu.memory_space<hbm>>
        tpu.enqueue_dma source(%dma_start3A_174 : memref<128xi32, #tpu.memory_space<hbm>>) target(%arg18 : memref<128xi32, #tpu.memory_space<vmem>>) target_semaphore(%arg26 : memref<!tpu.dma_semaphore, #tpu.memory_space<semaphore_mem>>)
        %dma_wait3A_175 = arith.constant 0 : i32
        %dma_wait3A_176 = tpu.memref_slice %arg4[%dma_wait3A_175] : memref<1000000xi32, #tpu.memory_space<hbm>> -> memref<128xi32, #tpu.memory_space<hbm>>
        %dma_wait3A_177 = arith.constant 0 : i32
        %dma_wait3A_178 = tpu.memref_slice %arg4[%dma_wait3A_177] : memref<1000000xi32, #tpu.memory_space<hbm>> -> memref<128xi32, #tpu.memory_space<hbm>>
        tpu.wait_dma2 semaphore(%arg25 : memref<!tpu.dma_semaphore, #tpu.memory_space<semaphore_mem>>) src(%dma_wait3A_178 : memref<128xi32, #tpu.memory_space<hbm>>) dst(%arg11 : memref<128xi32, #tpu.memory_space<vmem>>)
        %dma_wait3A_179 = arith.constant 0 : i32
        %dma_wait3A_180 = tpu.memref_slice %arg5[%dma_wait3A_179] : memref<1000000xi32, #tpu.memory_space<hbm>> -> memref<128xi32, #tpu.memory_space<hbm>>
        %dma_wait3A_181 = arith.constant 0 : i32
        %dma_wait3A_182 = tpu.memref_slice %arg5[%dma_wait3A_181] : memref<1000000xi32, #tpu.memory_space<hbm>> -> memref<128xi32, #tpu.memory_space<hbm>>
        tpu.wait_dma2 semaphore(%arg25 : memref<!tpu.dma_semaphore, #tpu.memory_space<semaphore_mem>>) src(%dma_wait3A_182 : memref<128xi32, #tpu.memory_space<hbm>>) dst(%arg14 : memref<128xi32, #tpu.memory_space<vmem>>)
        %dma_wait3A_183 = arith.constant 0 : i32
        %dma_wait3A_184 = tpu.memref_slice %arg6[%dma_wait3A_183] : memref<1000000xi32, #tpu.memory_space<hbm>> -> memref<128xi32, #tpu.memory_space<hbm>>
        %dma_wait3A_185 = arith.constant 0 : i32
        %dma_wait3A_186 = tpu.memref_slice %arg6[%dma_wait3A_185] : memref<1000000xi32, #tpu.memory_space<hbm>> -> memref<128xi32, #tpu.memory_space<hbm>>
        tpu.wait_dma2 semaphore(%arg25 : memref<!tpu.dma_semaphore, #tpu.memory_space<semaphore_mem>>) src(%dma_wait3A_186 : memref<128xi32, #tpu.memory_space<hbm>>) dst(%arg17 : memref<128xi32, #tpu.memory_space<vmem>>)
        %dma_start3A_187 = arith.constant 0 : i32
        %dma_start3A_188 = tpu.memref_slice %arg2[%dma_start3A_187] : memref<1486848xf32, #tpu.memory_space<hbm>> -> memref<1486848xf32, #tpu.memory_space<hbm>>
        tpu.enqueue_indirect_dma source(%dma_start3A_188 : memref<1486848xf32, #tpu.memory_space<hbm>>) target(%arg20 : memref<128xf32, #tpu.memory_space<vmem>>) offsets(%arg11 : memref<128xi32, #tpu.memory_space<vmem>>) semaphore(%arg28 : memref<!tpu.dma_semaphore, #tpu.memory_space<semaphore_mem>>)
        %dma_start3A_189 = arith.constant 0 : i32
        %dma_start3A_190 = arith.constant 0 : i32
        %dma_start3A_191 = tpu.memref_slice %arg3[%dma_start3A_189, %dma_start3A_190] : memref<16896x80xf32, #tpu.memory_space<hbm>> -> memref<16896x80xf32, #tpu.memory_space<hbm>>
        tpu.enqueue_indirect_dma source(%dma_start3A_191 : memref<16896x80xf32, #tpu.memory_space<hbm>>) target(%arg22 : memref<128x80xf32, #tpu.memory_space<vmem>>) offsets(%arg14 : memref<128xi32, #tpu.memory_space<vmem>>) semaphore(%arg30 : memref<!tpu.dma_semaphore, #tpu.memory_space<semaphore_mem>>)
        %dma_wait3A_192 = arith.constant 0 : i32
        %dma_wait3A_193 = tpu.memref_slice %arg2[%dma_wait3A_192] : memref<1486848xf32, #tpu.memory_space<hbm>> -> memref<1486848xf32, #tpu.memory_space<hbm>>
        tpu.wait_indirect_dma semaphore(%arg27 : memref<!tpu.dma_semaphore, #tpu.memory_space<semaphore_mem>>) src(%dma_wait3A_193 : memref<1486848xf32, #tpu.memory_space<hbm>>) dst(%arg19 : memref<128xf32, #tpu.memory_space<vmem>>)
        %dma_wait3A_194 = arith.constant 0 : i32
        %dma_wait3A_195 = arith.constant 0 : i32
        %dma_wait3A_196 = tpu.memref_slice %arg3[%dma_wait3A_194, %dma_wait3A_195] : memref<16896x80xf32, #tpu.memory_space<hbm>> -> memref<16896x80xf32, #tpu.memory_space<hbm>>
        tpu.wait_indirect_dma semaphore(%arg29 : memref<!tpu.dma_semaphore, #tpu.memory_space<semaphore_mem>>) src(%dma_wait3A_196 : memref<16896x80xf32, #tpu.memory_space<hbm>>) dst(%arg21 : memref<128x80xf32, #tpu.memory_space<vmem>>)
        %mul3A_197 = arith.constant 128 : i32
        %mul3A_198 = arith.muli %add3A_161, %mul3A_197 : i32
        %add3A_199 = arith.addi %mul3A_35, %mul3A_198 : i32
        %min3A_200 = arith.constant 999872 : i32
        %min3A_201 = arith.minsi %add3A_199, %min3A_200 : i32
        %scan3A_202 = arith.constant 0 : i32
        %scan3A_203 = arith.constant 0 : i32
        %scan3A_204 = arith.constant 8 : i32
        %scan3A_205 = arith.addi %scan3A_203, %scan3A_204 : i32
        %scan3A_206 = arith.constant 1 : i32
        %scan3A_207 = scf.for %scan3A_455 = %scan3A_203 to %scan3A_205 step %scan3A_206 iter_args(%scan3A_456 = %scan3A_202) -> (i32)  : i32 {
          %mul3A_457 = arith.constant 16 : i32
          %mul3A_458 = arith.muli %scan3A_455, %mul3A_457 : i32
          %iota3A = tpu.iota {dimensions = array<i32: 0>} : vector<16xi32>
          %get3A_459 = arith.index_cast %mul3A_458 : i32 to index
          %get3A_460 = tpu.vector_load %arg16[%get3A_459] {strides = array<i32>} : memref<128xi32, #tpu.memory_space<vmem>>, vector<16xi32>,
          %get3A_461 = arith.index_cast %mul3A_458 : i32 to index
          %get3A_462 = tpu.vector_load %arg19[%get3A_461] {strides = array<i32>} : memref<128xf32, #tpu.memory_space<vmem>>, vector<16xf32>,
          %add3A_463 = arith.addi %min3A_201, %mul3A_458 : i32
          %add3A_464 = vector.broadcast %add3A_463 : i32 to vector<16xi32>
          %add3A_465 = arith.addi %add3A_464, %iota3A : vector<16xi32>
          %lt3A = vector.broadcast %squeeze3A_17 : i32 to vector<16xi32>
          %lt3A_466 = arith.cmpi slt, %add3A_465, %lt3A : vector<16xi32>
          %ge3A = vector.broadcast %add3A_199 : i32 to vector<16xi32>
          %ge3A_467 = arith.cmpi sge, %add3A_465, %ge3A : vector<16xi32>
          %and3A_468 = arith.andi %lt3A_466, %ge3A_467 : vector<16xi1>
          %ge3A_469 = vector.broadcast %mul3A_14 : i32 to vector<16xi32>
          %ge3A_470 = arith.cmpi sge, %get3A_460, %ge3A_469 : vector<16xi32>
          %and3A_471 = arith.andi %and3A_468, %ge3A_470 : vector<16xi1>
          %select_n3A_472 = arith.select %and3A_471, %get3A_462, %broadcast_in_dim3A_1 : vector<16xi1>, vector<16xf32>
          %sub3A_473 = vector.broadcast %mul3A_14 : i32 to vector<16xi32>
          %sub3A_474 = arith.subi %get3A_460, %sub3A_473 : vector<16xi32>
          %jit3A_475 = arith.constant 0 : i32
          %jit3A_476 = arith.constant 1023 : i32
          %max3A = vector.broadcast %jit3A_475 : i32 to vector<16xi32>
          %max3A_477 = arith.maxsi %max3A, %sub3A_474 : vector<16xi32>
          %min3A_478 = vector.broadcast %jit3A_476 : i32 to vector<16xi32>
          %min3A_479 = arith.minsi %min3A_478, %max3A_477 : vector<16xi32>
          %add3A_480 = vector.broadcast %mul3A_458 : i32 to vector<16xi32>
          %add3A_481 = arith.addi %add3A_480, %iota3A : vector<16xi32>
          %mul3A_482 = arith.constant 80 : i32
          %mul3A_483 = vector.broadcast %mul3A_482 : i32 to vector<16xi32>
          %mul3A_484 = arith.muli %min3A_479, %mul3A_483 : vector<16xi32>
          %parallel_loop3A_485 = arith.constant 0 : i32
          %parallel_loop3A_486 = arith.constant 80 : i32
          %parallel_loop3A_487 = arith.constant 1 : i32
          scf.for %parallel_loop3A_489 = %parallel_loop3A_485 to %parallel_loop3A_486 step %parallel_loop3A_487  : i32 {
            %parallel_loop3A_490 = arith.constant 15 : i32
            %parallel_loop3A_491 = arith.andi %parallel_loop3A_489, %parallel_loop3A_490 : i32
            %parallel_loop3A_492 = arith.subi %parallel_loop3A_489, %parallel_loop3A_491 : i32
            %parallel_loop3A_493 = vector.broadcast %parallel_loop3A_489 : i32 to vector<16xi32>
            %parallel_loop3A_494 = arith.addi %iota3A, %parallel_loop3A_493 : vector<16xi32>
            %parallel_loop3A_495 = arith.constant 15 : i32
            %parallel_loop3A_496 = vector.broadcast %parallel_loop3A_495 : i32 to vector<16xi32>
            %parallel_loop3A_497 = arith.andi %parallel_loop3A_494, %parallel_loop3A_496 : vector<16xi32>
            %parallel_loop3A_498 = vector.broadcast %parallel_loop3A_492 : i32 to vector<16xi32>
            %parallel_loop3A_499 = arith.addi %parallel_loop3A_497, %parallel_loop3A_498 : vector<16xi32>
            %parallel_loop3A_500 = tpu.vector_load_idx %arg21[%add3A_481, %parallel_loop3A_499] : memref<128x80xf32, #tpu.memory_space<vmem>>[vector<16xi32>, vector<16xi32>], vector<16xf32>,
            %parallel_loop3A_501 = arith.mulf %select_n3A_472, %parallel_loop3A_500 : vector<16xf32>
            %parallel_loop3A_502 = arith.addi %mul3A_484, %parallel_loop3A_499 : vector<16xi32>
            tpu.vector_store_idx %arg23[%parallel_loop3A_502], %parallel_loop3A_501 {add = true} : memref<81920xf32, #tpu.memory_space<vmem>>[vector<16xi32>], vector<16xf32>,
          } {sc.loop_unroll_factor = 8 : i64, sc.parallel_access}
          %scan3A_488 = arith.constant 0 : i32
          scf.yield %scan3A_488 : i32
        }
        %scan3A_208 = arith.constant 8 : i32
        %add3A_209 = arith.constant 1 : i32
        %add3A_210 = arith.addi %mul3A_159, %add3A_209 : i32
        %add3A_211 = arith.constant 2 : i32
        %add3A_212 = arith.addi %add3A_210, %add3A_211 : i32
        %mul3A_213 = arith.constant 128 : i32
        %mul3A_214 = arith.muli %add3A_212, %mul3A_213 : i32
        %add3A_215 = arith.addi %mul3A_35, %mul3A_214 : i32
        %min3A_216 = arith.constant 999872 : i32
        %min3A_217 = arith.minsi %add3A_215, %min3A_216 : i32
        %dma_start3A_218 = tpu.memref_slice %arg4[%min3A_217] : memref<1000000xi32, #tpu.memory_space<hbm>> -> memref<128xi32, #tpu.memory_space<hbm>>
        %dma_start3A_219 = tpu.memref_slice %arg4[%min3A_217] : memref<1000000xi32, #tpu.memory_space<hbm>> -> memref<128xi32, #tpu.memory_space<hbm>>
        tpu.enqueue_dma source(%dma_start3A_219 : memref<128xi32, #tpu.memory_space<hbm>>) target(%arg10 : memref<128xi32, #tpu.memory_space<vmem>>) target_semaphore(%arg24 : memref<!tpu.dma_semaphore, #tpu.memory_space<semaphore_mem>>)
        %dma_start3A_220 = tpu.memref_slice %arg5[%min3A_217] : memref<1000000xi32, #tpu.memory_space<hbm>> -> memref<128xi32, #tpu.memory_space<hbm>>
        %dma_start3A_221 = tpu.memref_slice %arg5[%min3A_217] : memref<1000000xi32, #tpu.memory_space<hbm>> -> memref<128xi32, #tpu.memory_space<hbm>>
        tpu.enqueue_dma source(%dma_start3A_221 : memref<128xi32, #tpu.memory_space<hbm>>) target(%arg13 : memref<128xi32, #tpu.memory_space<vmem>>) target_semaphore(%arg24 : memref<!tpu.dma_semaphore, #tpu.memory_space<semaphore_mem>>)
        %dma_start3A_222 = tpu.memref_slice %arg6[%min3A_217] : memref<1000000xi32, #tpu.memory_space<hbm>> -> memref<128xi32, #tpu.memory_space<hbm>>
        %dma_start3A_223 = tpu.memref_slice %arg6[%min3A_217] : memref<1000000xi32, #tpu.memory_space<hbm>> -> memref<128xi32, #tpu.memory_space<hbm>>
        tpu.enqueue_dma source(%dma_start3A_223 : memref<128xi32, #tpu.memory_space<hbm>>) target(%arg16 : memref<128xi32, #tpu.memory_space<vmem>>) target_semaphore(%arg24 : memref<!tpu.dma_semaphore, #tpu.memory_space<semaphore_mem>>)
        %dma_wait3A_224 = arith.constant 0 : i32
        %dma_wait3A_225 = tpu.memref_slice %arg4[%dma_wait3A_224] : memref<1000000xi32, #tpu.memory_space<hbm>> -> memref<128xi32, #tpu.memory_space<hbm>>
        %dma_wait3A_226 = arith.constant 0 : i32
        %dma_wait3A_227 = tpu.memref_slice %arg4[%dma_wait3A_226] : memref<1000000xi32, #tpu.memory_space<hbm>> -> memref<128xi32, #tpu.memory_space<hbm>>
        tpu.wait_dma2 semaphore(%arg26 : memref<!tpu.dma_semaphore, #tpu.memory_space<semaphore_mem>>) src(%dma_wait3A_227 : memref<128xi32, #tpu.memory_space<hbm>>) dst(%arg12 : memref<128xi32, #tpu.memory_space<vmem>>)
        %dma_wait3A_228 = arith.constant 0 : i32
        %dma_wait3A_229 = tpu.memref_slice %arg5[%dma_wait3A_228] : memref<1000000xi32, #tpu.memory_space<hbm>> -> memref<128xi32, #tpu.memory_space<hbm>>
        %dma_wait3A_230 = arith.constant 0 : i32
        %dma_wait3A_231 = tpu.memref_slice %arg5[%dma_wait3A_230] : memref<1000000xi32, #tpu.memory_space<hbm>> -> memref<128xi32, #tpu.memory_space<hbm>>
        tpu.wait_dma2 semaphore(%arg26 : memref<!tpu.dma_semaphore, #tpu.memory_space<semaphore_mem>>) src(%dma_wait3A_231 : memref<128xi32, #tpu.memory_space<hbm>>) dst(%arg15 : memref<128xi32, #tpu.memory_space<vmem>>)
        %dma_wait3A_232 = arith.constant 0 : i32
        %dma_wait3A_233 = tpu.memref_slice %arg6[%dma_wait3A_232] : memref<1000000xi32, #tpu.memory_space<hbm>> -> memref<128xi32, #tpu.memory_space<hbm>>
        %dma_wait3A_234 = arith.constant 0 : i32
        %dma_wait3A_235 = tpu.memref_slice %arg6[%dma_wait3A_234] : memref<1000000xi32, #tpu.memory_space<hbm>> -> memref<128xi32, #tpu.memory_space<hbm>>
        tpu.wait_dma2 semaphore(%arg26 : memref<!tpu.dma_semaphore, #tpu.memory_space<semaphore_mem>>) src(%dma_wait3A_235 : memref<128xi32, #tpu.memory_space<hbm>>) dst(%arg18 : memref<128xi32, #tpu.memory_space<vmem>>)
        %dma_start3A_236 = arith.constant 0 : i32
        %dma_start3A_237 = tpu.memref_slice %arg2[%dma_start3A_236] : memref<1486848xf32, #tpu.memory_space<hbm>> -> memref<1486848xf32, #tpu.memory_space<hbm>>
        tpu.enqueue_indirect_dma source(%dma_start3A_237 : memref<1486848xf32, #tpu.memory_space<hbm>>) target(%arg19 : memref<128xf32, #tpu.memory_space<vmem>>) offsets(%arg12 : memref<128xi32, #tpu.memory_space<vmem>>) semaphore(%arg27 : memref<!tpu.dma_semaphore, #tpu.memory_space<semaphore_mem>>)
        %dma_start3A_238 = arith.constant 0 : i32
        %dma_start3A_239 = arith.constant 0 : i32
        %dma_start3A_240 = tpu.memref_slice %arg3[%dma_start3A_238, %dma_start3A_239] : memref<16896x80xf32, #tpu.memory_space<hbm>> -> memref<16896x80xf32, #tpu.memory_space<hbm>>
        tpu.enqueue_indirect_dma source(%dma_start3A_240 : memref<16896x80xf32, #tpu.memory_space<hbm>>) target(%arg21 : memref<128x80xf32, #tpu.memory_space<vmem>>) offsets(%arg15 : memref<128xi32, #tpu.memory_space<vmem>>) semaphore(%arg29 : memref<!tpu.dma_semaphore, #tpu.memory_space<semaphore_mem>>)
        %dma_wait3A_241 = arith.constant 0 : i32
        %dma_wait3A_242 = tpu.memref_slice %arg2[%dma_wait3A_241] : memref<1486848xf32, #tpu.memory_space<hbm>> -> memref<1486848xf32, #tpu.memory_space<hbm>>
        tpu.wait_indirect_dma semaphore(%arg28 : memref<!tpu.dma_semaphore, #tpu.memory_space<semaphore_mem>>) src(%dma_wait3A_242 : memref<1486848xf32, #tpu.memory_space<hbm>>) dst(%arg20 : memref<128xf32, #tpu.memory_space<vmem>>)
        %dma_wait3A_243 = arith.constant 0 : i32
        %dma_wait3A_244 = arith.constant 0 : i32
        %dma_wait3A_245 = tpu.memref_slice %arg3[%dma_wait3A_243, %dma_wait3A_244] : memref<16896x80xf32, #tpu.memory_space<hbm>> -> memref<16896x80xf32, #tpu.memory_space<hbm>>
        tpu.wait_indirect_dma semaphore(%arg30 : memref<!tpu.dma_semaphore, #tpu.memory_space<semaphore_mem>>) src(%dma_wait3A_245 : memref<16896x80xf32, #tpu.memory_space<hbm>>) dst(%arg22 : memref<128x80xf32, #tpu.memory_space<vmem>>)
        %mul3A_246 = arith.constant 128 : i32
        %mul3A_247 = arith.muli %add3A_210, %mul3A_246 : i32
        %add3A_248 = arith.addi %mul3A_35, %mul3A_247 : i32
        %min3A_249 = arith.constant 999872 : i32
        %min3A_250 = arith.minsi %add3A_248, %min3A_249 : i32
        %scan3A_251 = arith.constant 0 : i32
        %scan3A_252 = arith.constant 0 : i32
        %scan3A_253 = arith.constant 8 : i32
        %scan3A_254 = arith.addi %scan3A_252, %scan3A_253 : i32
        %scan3A_255 = arith.constant 1 : i32
        %scan3A_256 = scf.for %scan3A_455 = %scan3A_252 to %scan3A_254 step %scan3A_255 iter_args(%scan3A_456 = %scan3A_251) -> (i32)  : i32 {
          %mul3A_457 = arith.constant 16 : i32
          %mul3A_458 = arith.muli %scan3A_455, %mul3A_457 : i32
          %iota3A = tpu.iota {dimensions = array<i32: 0>} : vector<16xi32>
          %get3A_459 = arith.index_cast %mul3A_458 : i32 to index
          %get3A_460 = tpu.vector_load %arg17[%get3A_459] {strides = array<i32>} : memref<128xi32, #tpu.memory_space<vmem>>, vector<16xi32>,
          %get3A_461 = arith.index_cast %mul3A_458 : i32 to index
          %get3A_462 = tpu.vector_load %arg20[%get3A_461] {strides = array<i32>} : memref<128xf32, #tpu.memory_space<vmem>>, vector<16xf32>,
          %add3A_463 = arith.addi %min3A_250, %mul3A_458 : i32
          %add3A_464 = vector.broadcast %add3A_463 : i32 to vector<16xi32>
          %add3A_465 = arith.addi %add3A_464, %iota3A : vector<16xi32>
          %lt3A = vector.broadcast %squeeze3A_17 : i32 to vector<16xi32>
          %lt3A_466 = arith.cmpi slt, %add3A_465, %lt3A : vector<16xi32>
          %ge3A = vector.broadcast %add3A_248 : i32 to vector<16xi32>
          %ge3A_467 = arith.cmpi sge, %add3A_465, %ge3A : vector<16xi32>
          %and3A_468 = arith.andi %lt3A_466, %ge3A_467 : vector<16xi1>
          %ge3A_469 = vector.broadcast %mul3A_14 : i32 to vector<16xi32>
          %ge3A_470 = arith.cmpi sge, %get3A_460, %ge3A_469 : vector<16xi32>
          %and3A_471 = arith.andi %and3A_468, %ge3A_470 : vector<16xi1>
          %select_n3A_472 = arith.select %and3A_471, %get3A_462, %broadcast_in_dim3A_1 : vector<16xi1>, vector<16xf32>
          %sub3A_473 = vector.broadcast %mul3A_14 : i32 to vector<16xi32>
          %sub3A_474 = arith.subi %get3A_460, %sub3A_473 : vector<16xi32>
          %jit3A_475 = arith.constant 0 : i32
          %jit3A_476 = arith.constant 1023 : i32
          %max3A = vector.broadcast %jit3A_475 : i32 to vector<16xi32>
          %max3A_477 = arith.maxsi %max3A, %sub3A_474 : vector<16xi32>
          %min3A_478 = vector.broadcast %jit3A_476 : i32 to vector<16xi32>
          %min3A_479 = arith.minsi %min3A_478, %max3A_477 : vector<16xi32>
          %add3A_480 = vector.broadcast %mul3A_458 : i32 to vector<16xi32>
          %add3A_481 = arith.addi %add3A_480, %iota3A : vector<16xi32>
          %mul3A_482 = arith.constant 80 : i32
          %mul3A_483 = vector.broadcast %mul3A_482 : i32 to vector<16xi32>
          %mul3A_484 = arith.muli %min3A_479, %mul3A_483 : vector<16xi32>
          %parallel_loop3A_485 = arith.constant 0 : i32
          %parallel_loop3A_486 = arith.constant 80 : i32
          %parallel_loop3A_487 = arith.constant 1 : i32
          scf.for %parallel_loop3A_489 = %parallel_loop3A_485 to %parallel_loop3A_486 step %parallel_loop3A_487  : i32 {
            %parallel_loop3A_490 = arith.constant 15 : i32
            %parallel_loop3A_491 = arith.andi %parallel_loop3A_489, %parallel_loop3A_490 : i32
            %parallel_loop3A_492 = arith.subi %parallel_loop3A_489, %parallel_loop3A_491 : i32
            %parallel_loop3A_493 = vector.broadcast %parallel_loop3A_489 : i32 to vector<16xi32>
            %parallel_loop3A_494 = arith.addi %iota3A, %parallel_loop3A_493 : vector<16xi32>
            %parallel_loop3A_495 = arith.constant 15 : i32
            %parallel_loop3A_496 = vector.broadcast %parallel_loop3A_495 : i32 to vector<16xi32>
            %parallel_loop3A_497 = arith.andi %parallel_loop3A_494, %parallel_loop3A_496 : vector<16xi32>
            %parallel_loop3A_498 = vector.broadcast %parallel_loop3A_492 : i32 to vector<16xi32>
            %parallel_loop3A_499 = arith.addi %parallel_loop3A_497, %parallel_loop3A_498 : vector<16xi32>
            %parallel_loop3A_500 = tpu.vector_load_idx %arg22[%add3A_481, %parallel_loop3A_499] : memref<128x80xf32, #tpu.memory_space<vmem>>[vector<16xi32>, vector<16xi32>], vector<16xf32>,
            %parallel_loop3A_501 = arith.mulf %select_n3A_472, %parallel_loop3A_500 : vector<16xf32>
            %parallel_loop3A_502 = arith.addi %mul3A_484, %parallel_loop3A_499 : vector<16xi32>
            tpu.vector_store_idx %arg23[%parallel_loop3A_502], %parallel_loop3A_501 {add = true} : memref<81920xf32, #tpu.memory_space<vmem>>[vector<16xi32>], vector<16xf32>,
          } {sc.loop_unroll_factor = 8 : i64, sc.parallel_access}
          %scan3A_488 = arith.constant 0 : i32
          scf.yield %scan3A_488 : i32
        }
        %scan3A_257 = arith.constant 8 : i32
        %add3A_258 = arith.constant 2 : i32
        %add3A_259 = arith.addi %mul3A_159, %add3A_258 : i32
        %add3A_260 = arith.constant 2 : i32
        %add3A_261 = arith.addi %add3A_259, %add3A_260 : i32
        %mul3A_262 = arith.constant 128 : i32
        %mul3A_263 = arith.muli %add3A_261, %mul3A_262 : i32
        %add3A_264 = arith.addi %mul3A_35, %mul3A_263 : i32
        %min3A_265 = arith.constant 999872 : i32
        %min3A_266 = arith.minsi %add3A_264, %min3A_265 : i32
        %dma_start3A_267 = tpu.memref_slice %arg4[%min3A_266] : memref<1000000xi32, #tpu.memory_space<hbm>> -> memref<128xi32, #tpu.memory_space<hbm>>
        %dma_start3A_268 = tpu.memref_slice %arg4[%min3A_266] : memref<1000000xi32, #tpu.memory_space<hbm>> -> memref<128xi32, #tpu.memory_space<hbm>>
        tpu.enqueue_dma source(%dma_start3A_268 : memref<128xi32, #tpu.memory_space<hbm>>) target(%arg11 : memref<128xi32, #tpu.memory_space<vmem>>) target_semaphore(%arg25 : memref<!tpu.dma_semaphore, #tpu.memory_space<semaphore_mem>>)
        %dma_start3A_269 = tpu.memref_slice %arg5[%min3A_266] : memref<1000000xi32, #tpu.memory_space<hbm>> -> memref<128xi32, #tpu.memory_space<hbm>>
        %dma_start3A_270 = tpu.memref_slice %arg5[%min3A_266] : memref<1000000xi32, #tpu.memory_space<hbm>> -> memref<128xi32, #tpu.memory_space<hbm>>
        tpu.enqueue_dma source(%dma_start3A_270 : memref<128xi32, #tpu.memory_space<hbm>>) target(%arg14 : memref<128xi32, #tpu.memory_space<vmem>>) target_semaphore(%arg25 : memref<!tpu.dma_semaphore, #tpu.memory_space<semaphore_mem>>)
        %dma_start3A_271 = tpu.memref_slice %arg6[%min3A_266] : memref<1000000xi32, #tpu.memory_space<hbm>> -> memref<128xi32, #tpu.memory_space<hbm>>
        %dma_start3A_272 = tpu.memref_slice %arg6[%min3A_266] : memref<1000000xi32, #tpu.memory_space<hbm>> -> memref<128xi32, #tpu.memory_space<hbm>>
        tpu.enqueue_dma source(%dma_start3A_272 : memref<128xi32, #tpu.memory_space<hbm>>) target(%arg17 : memref<128xi32, #tpu.memory_space<vmem>>) target_semaphore(%arg25 : memref<!tpu.dma_semaphore, #tpu.memory_space<semaphore_mem>>)
        %dma_wait3A_273 = arith.constant 0 : i32
        %dma_wait3A_274 = tpu.memref_slice %arg4[%dma_wait3A_273] : memref<1000000xi32, #tpu.memory_space<hbm>> -> memref<128xi32, #tpu.memory_space<hbm>>
        %dma_wait3A_275 = arith.constant 0 : i32
        %dma_wait3A_276 = tpu.memref_slice %arg4[%dma_wait3A_275] : memref<1000000xi32, #tpu.memory_space<hbm>> -> memref<128xi32, #tpu.memory_space<hbm>>
        tpu.wait_dma2 semaphore(%arg24 : memref<!tpu.dma_semaphore, #tpu.memory_space<semaphore_mem>>) src(%dma_wait3A_276 : memref<128xi32, #tpu.memory_space<hbm>>) dst(%arg10 : memref<128xi32, #tpu.memory_space<vmem>>)
        %dma_wait3A_277 = arith.constant 0 : i32
        %dma_wait3A_278 = tpu.memref_slice %arg5[%dma_wait3A_277] : memref<1000000xi32, #tpu.memory_space<hbm>> -> memref<128xi32, #tpu.memory_space<hbm>>
        %dma_wait3A_279 = arith.constant 0 : i32
        %dma_wait3A_280 = tpu.memref_slice %arg5[%dma_wait3A_279] : memref<1000000xi32, #tpu.memory_space<hbm>> -> memref<128xi32, #tpu.memory_space<hbm>>
        tpu.wait_dma2 semaphore(%arg24 : memref<!tpu.dma_semaphore, #tpu.memory_space<semaphore_mem>>) src(%dma_wait3A_280 : memref<128xi32, #tpu.memory_space<hbm>>) dst(%arg13 : memref<128xi32, #tpu.memory_space<vmem>>)
        %dma_wait3A_281 = arith.constant 0 : i32
        %dma_wait3A_282 = tpu.memref_slice %arg6[%dma_wait3A_281] : memref<1000000xi32, #tpu.memory_space<hbm>> -> memref<128xi32, #tpu.memory_space<hbm>>
        %dma_wait3A_283 = arith.constant 0 : i32
        %dma_wait3A_284 = tpu.memref_slice %arg6[%dma_wait3A_283] : memref<1000000xi32, #tpu.memory_space<hbm>> -> memref<128xi32, #tpu.memory_space<hbm>>
        tpu.wait_dma2 semaphore(%arg24 : memref<!tpu.dma_semaphore, #tpu.memory_space<semaphore_mem>>) src(%dma_wait3A_284 : memref<128xi32, #tpu.memory_space<hbm>>) dst(%arg16 : memref<128xi32, #tpu.memory_space<vmem>>)
        %dma_start3A_285 = arith.constant 0 : i32
        %dma_start3A_286 = tpu.memref_slice %arg2[%dma_start3A_285] : memref<1486848xf32, #tpu.memory_space<hbm>> -> memref<1486848xf32, #tpu.memory_space<hbm>>
        tpu.enqueue_indirect_dma source(%dma_start3A_286 : memref<1486848xf32, #tpu.memory_space<hbm>>) target(%arg20 : memref<128xf32, #tpu.memory_space<vmem>>) offsets(%arg10 : memref<128xi32, #tpu.memory_space<vmem>>) semaphore(%arg28 : memref<!tpu.dma_semaphore, #tpu.memory_space<semaphore_mem>>)
        %dma_start3A_287 = arith.constant 0 : i32
        %dma_start3A_288 = arith.constant 0 : i32
        %dma_start3A_289 = tpu.memref_slice %arg3[%dma_start3A_287, %dma_start3A_288] : memref<16896x80xf32, #tpu.memory_space<hbm>> -> memref<16896x80xf32, #tpu.memory_space<hbm>>
        tpu.enqueue_indirect_dma source(%dma_start3A_289 : memref<16896x80xf32, #tpu.memory_space<hbm>>) target(%arg22 : memref<128x80xf32, #tpu.memory_space<vmem>>) offsets(%arg13 : memref<128xi32, #tpu.memory_space<vmem>>) semaphore(%arg30 : memref<!tpu.dma_semaphore, #tpu.memory_space<semaphore_mem>>)
        %dma_wait3A_290 = arith.constant 0 : i32
        %dma_wait3A_291 = tpu.memref_slice %arg2[%dma_wait3A_290] : memref<1486848xf32, #tpu.memory_space<hbm>> -> memref<1486848xf32, #tpu.memory_space<hbm>>
        tpu.wait_indirect_dma semaphore(%arg27 : memref<!tpu.dma_semaphore, #tpu.memory_space<semaphore_mem>>) src(%dma_wait3A_291 : memref<1486848xf32, #tpu.memory_space<hbm>>) dst(%arg19 : memref<128xf32, #tpu.memory_space<vmem>>)
        %dma_wait3A_292 = arith.constant 0 : i32
        %dma_wait3A_293 = arith.constant 0 : i32
        %dma_wait3A_294 = tpu.memref_slice %arg3[%dma_wait3A_292, %dma_wait3A_293] : memref<16896x80xf32, #tpu.memory_space<hbm>> -> memref<16896x80xf32, #tpu.memory_space<hbm>>
        tpu.wait_indirect_dma semaphore(%arg29 : memref<!tpu.dma_semaphore, #tpu.memory_space<semaphore_mem>>) src(%dma_wait3A_294 : memref<16896x80xf32, #tpu.memory_space<hbm>>) dst(%arg21 : memref<128x80xf32, #tpu.memory_space<vmem>>)
        %mul3A_295 = arith.constant 128 : i32
        %mul3A_296 = arith.muli %add3A_259, %mul3A_295 : i32
        %add3A_297 = arith.addi %mul3A_35, %mul3A_296 : i32
        %min3A_298 = arith.constant 999872 : i32
        %min3A_299 = arith.minsi %add3A_297, %min3A_298 : i32
        %scan3A_300 = arith.constant 0 : i32
        %scan3A_301 = arith.constant 0 : i32
        %scan3A_302 = arith.constant 8 : i32
        %scan3A_303 = arith.addi %scan3A_301, %scan3A_302 : i32
        %scan3A_304 = arith.constant 1 : i32
        %scan3A_305 = scf.for %scan3A_455 = %scan3A_301 to %scan3A_303 step %scan3A_304 iter_args(%scan3A_456 = %scan3A_300) -> (i32)  : i32 {
          %mul3A_457 = arith.constant 16 : i32
          %mul3A_458 = arith.muli %scan3A_455, %mul3A_457 : i32
          %iota3A = tpu.iota {dimensions = array<i32: 0>} : vector<16xi32>
          %get3A_459 = arith.index_cast %mul3A_458 : i32 to index
          %get3A_460 = tpu.vector_load %arg18[%get3A_459] {strides = array<i32>} : memref<128xi32, #tpu.memory_space<vmem>>, vector<16xi32>,
          %get3A_461 = arith.index_cast %mul3A_458 : i32 to index
          %get3A_462 = tpu.vector_load %arg19[%get3A_461] {strides = array<i32>} : memref<128xf32, #tpu.memory_space<vmem>>, vector<16xf32>,
          %add3A_463 = arith.addi %min3A_299, %mul3A_458 : i32
          %add3A_464 = vector.broadcast %add3A_463 : i32 to vector<16xi32>
          %add3A_465 = arith.addi %add3A_464, %iota3A : vector<16xi32>
          %lt3A = vector.broadcast %squeeze3A_17 : i32 to vector<16xi32>
          %lt3A_466 = arith.cmpi slt, %add3A_465, %lt3A : vector<16xi32>
          %ge3A = vector.broadcast %add3A_297 : i32 to vector<16xi32>
          %ge3A_467 = arith.cmpi sge, %add3A_465, %ge3A : vector<16xi32>
          %and3A_468 = arith.andi %lt3A_466, %ge3A_467 : vector<16xi1>
          %ge3A_469 = vector.broadcast %mul3A_14 : i32 to vector<16xi32>
          %ge3A_470 = arith.cmpi sge, %get3A_460, %ge3A_469 : vector<16xi32>
          %and3A_471 = arith.andi %and3A_468, %ge3A_470 : vector<16xi1>
          %select_n3A_472 = arith.select %and3A_471, %get3A_462, %broadcast_in_dim3A_1 : vector<16xi1>, vector<16xf32>
          %sub3A_473 = vector.broadcast %mul3A_14 : i32 to vector<16xi32>
          %sub3A_474 = arith.subi %get3A_460, %sub3A_473 : vector<16xi32>
          %jit3A_475 = arith.constant 0 : i32
          %jit3A_476 = arith.constant 1023 : i32
          %max3A = vector.broadcast %jit3A_475 : i32 to vector<16xi32>
          %max3A_477 = arith.maxsi %max3A, %sub3A_474 : vector<16xi32>
          %min3A_478 = vector.broadcast %jit3A_476 : i32 to vector<16xi32>
          %min3A_479 = arith.minsi %min3A_478, %max3A_477 : vector<16xi32>
          %add3A_480 = vector.broadcast %mul3A_458 : i32 to vector<16xi32>
          %add3A_481 = arith.addi %add3A_480, %iota3A : vector<16xi32>
          %mul3A_482 = arith.constant 80 : i32
          %mul3A_483 = vector.broadcast %mul3A_482 : i32 to vector<16xi32>
          %mul3A_484 = arith.muli %min3A_479, %mul3A_483 : vector<16xi32>
          %parallel_loop3A_485 = arith.constant 0 : i32
          %parallel_loop3A_486 = arith.constant 80 : i32
          %parallel_loop3A_487 = arith.constant 1 : i32
          scf.for %parallel_loop3A_489 = %parallel_loop3A_485 to %parallel_loop3A_486 step %parallel_loop3A_487  : i32 {
            %parallel_loop3A_490 = arith.constant 15 : i32
            %parallel_loop3A_491 = arith.andi %parallel_loop3A_489, %parallel_loop3A_490 : i32
            %parallel_loop3A_492 = arith.subi %parallel_loop3A_489, %parallel_loop3A_491 : i32
            %parallel_loop3A_493 = vector.broadcast %parallel_loop3A_489 : i32 to vector<16xi32>
            %parallel_loop3A_494 = arith.addi %iota3A, %parallel_loop3A_493 : vector<16xi32>
            %parallel_loop3A_495 = arith.constant 15 : i32
            %parallel_loop3A_496 = vector.broadcast %parallel_loop3A_495 : i32 to vector<16xi32>
            %parallel_loop3A_497 = arith.andi %parallel_loop3A_494, %parallel_loop3A_496 : vector<16xi32>
            %parallel_loop3A_498 = vector.broadcast %parallel_loop3A_492 : i32 to vector<16xi32>
            %parallel_loop3A_499 = arith.addi %parallel_loop3A_497, %parallel_loop3A_498 : vector<16xi32>
            %parallel_loop3A_500 = tpu.vector_load_idx %arg21[%add3A_481, %parallel_loop3A_499] : memref<128x80xf32, #tpu.memory_space<vmem>>[vector<16xi32>, vector<16xi32>], vector<16xf32>,
            %parallel_loop3A_501 = arith.mulf %select_n3A_472, %parallel_loop3A_500 : vector<16xf32>
            %parallel_loop3A_502 = arith.addi %mul3A_484, %parallel_loop3A_499 : vector<16xi32>
            tpu.vector_store_idx %arg23[%parallel_loop3A_502], %parallel_loop3A_501 {add = true} : memref<81920xf32, #tpu.memory_space<vmem>>[vector<16xi32>], vector<16xf32>,
          } {sc.loop_unroll_factor = 8 : i64, sc.parallel_access}
          %scan3A_488 = arith.constant 0 : i32
          scf.yield %scan3A_488 : i32
        }
        %scan3A_306 = arith.constant 8 : i32
        %add3A_307 = arith.constant 3 : i32
        %add3A_308 = arith.addi %mul3A_159, %add3A_307 : i32
        %add3A_309 = arith.constant 2 : i32
        %add3A_310 = arith.addi %add3A_308, %add3A_309 : i32
        %mul3A_311 = arith.constant 128 : i32
        %mul3A_312 = arith.muli %add3A_310, %mul3A_311 : i32
        %add3A_313 = arith.addi %mul3A_35, %mul3A_312 : i32
        %min3A_314 = arith.constant 999872 : i32
        %min3A_315 = arith.minsi %add3A_313, %min3A_314 : i32
        %dma_start3A_316 = tpu.memref_slice %arg4[%min3A_315] : memref<1000000xi32, #tpu.memory_space<hbm>> -> memref<128xi32, #tpu.memory_space<hbm>>
        %dma_start3A_317 = tpu.memref_slice %arg4[%min3A_315] : memref<1000000xi32, #tpu.memory_space<hbm>> -> memref<128xi32, #tpu.memory_space<hbm>>
        tpu.enqueue_dma source(%dma_start3A_317 : memref<128xi32, #tpu.memory_space<hbm>>) target(%arg12 : memref<128xi32, #tpu.memory_space<vmem>>) target_semaphore(%arg26 : memref<!tpu.dma_semaphore, #tpu.memory_space<semaphore_mem>>)
        %dma_start3A_318 = tpu.memref_slice %arg5[%min3A_315] : memref<1000000xi32, #tpu.memory_space<hbm>> -> memref<128xi32, #tpu.memory_space<hbm>>
        %dma_start3A_319 = tpu.memref_slice %arg5[%min3A_315] : memref<1000000xi32, #tpu.memory_space<hbm>> -> memref<128xi32, #tpu.memory_space<hbm>>
        tpu.enqueue_dma source(%dma_start3A_319 : memref<128xi32, #tpu.memory_space<hbm>>) target(%arg15 : memref<128xi32, #tpu.memory_space<vmem>>) target_semaphore(%arg26 : memref<!tpu.dma_semaphore, #tpu.memory_space<semaphore_mem>>)
        %dma_start3A_320 = tpu.memref_slice %arg6[%min3A_315] : memref<1000000xi32, #tpu.memory_space<hbm>> -> memref<128xi32, #tpu.memory_space<hbm>>
        %dma_start3A_321 = tpu.memref_slice %arg6[%min3A_315] : memref<1000000xi32, #tpu.memory_space<hbm>> -> memref<128xi32, #tpu.memory_space<hbm>>
        tpu.enqueue_dma source(%dma_start3A_321 : memref<128xi32, #tpu.memory_space<hbm>>) target(%arg18 : memref<128xi32, #tpu.memory_space<vmem>>) target_semaphore(%arg26 : memref<!tpu.dma_semaphore, #tpu.memory_space<semaphore_mem>>)
        %dma_wait3A_322 = arith.constant 0 : i32
        %dma_wait3A_323 = tpu.memref_slice %arg4[%dma_wait3A_322] : memref<1000000xi32, #tpu.memory_space<hbm>> -> memref<128xi32, #tpu.memory_space<hbm>>
        %dma_wait3A_324 = arith.constant 0 : i32
        %dma_wait3A_325 = tpu.memref_slice %arg4[%dma_wait3A_324] : memref<1000000xi32, #tpu.memory_space<hbm>> -> memref<128xi32, #tpu.memory_space<hbm>>
        tpu.wait_dma2 semaphore(%arg25 : memref<!tpu.dma_semaphore, #tpu.memory_space<semaphore_mem>>) src(%dma_wait3A_325 : memref<128xi32, #tpu.memory_space<hbm>>) dst(%arg11 : memref<128xi32, #tpu.memory_space<vmem>>)
        %dma_wait3A_326 = arith.constant 0 : i32
        %dma_wait3A_327 = tpu.memref_slice %arg5[%dma_wait3A_326] : memref<1000000xi32, #tpu.memory_space<hbm>> -> memref<128xi32, #tpu.memory_space<hbm>>
        %dma_wait3A_328 = arith.constant 0 : i32
        %dma_wait3A_329 = tpu.memref_slice %arg5[%dma_wait3A_328] : memref<1000000xi32, #tpu.memory_space<hbm>> -> memref<128xi32, #tpu.memory_space<hbm>>
        tpu.wait_dma2 semaphore(%arg25 : memref<!tpu.dma_semaphore, #tpu.memory_space<semaphore_mem>>) src(%dma_wait3A_329 : memref<128xi32, #tpu.memory_space<hbm>>) dst(%arg14 : memref<128xi32, #tpu.memory_space<vmem>>)
        %dma_wait3A_330 = arith.constant 0 : i32
        %dma_wait3A_331 = tpu.memref_slice %arg6[%dma_wait3A_330] : memref<1000000xi32, #tpu.memory_space<hbm>> -> memref<128xi32, #tpu.memory_space<hbm>>
        %dma_wait3A_332 = arith.constant 0 : i32
        %dma_wait3A_333 = tpu.memref_slice %arg6[%dma_wait3A_332] : memref<1000000xi32, #tpu.memory_space<hbm>> -> memref<128xi32, #tpu.memory_space<hbm>>
        tpu.wait_dma2 semaphore(%arg25 : memref<!tpu.dma_semaphore, #tpu.memory_space<semaphore_mem>>) src(%dma_wait3A_333 : memref<128xi32, #tpu.memory_space<hbm>>) dst(%arg17 : memref<128xi32, #tpu.memory_space<vmem>>)
        %dma_start3A_334 = arith.constant 0 : i32
        %dma_start3A_335 = tpu.memref_slice %arg2[%dma_start3A_334] : memref<1486848xf32, #tpu.memory_space<hbm>> -> memref<1486848xf32, #tpu.memory_space<hbm>>
        tpu.enqueue_indirect_dma source(%dma_start3A_335 : memref<1486848xf32, #tpu.memory_space<hbm>>) target(%arg19 : memref<128xf32, #tpu.memory_space<vmem>>) offsets(%arg11 : memref<128xi32, #tpu.memory_space<vmem>>) semaphore(%arg27 : memref<!tpu.dma_semaphore, #tpu.memory_space<semaphore_mem>>)
        %dma_start3A_336 = arith.constant 0 : i32
        %dma_start3A_337 = arith.constant 0 : i32
        %dma_start3A_338 = tpu.memref_slice %arg3[%dma_start3A_336, %dma_start3A_337] : memref<16896x80xf32, #tpu.memory_space<hbm>> -> memref<16896x80xf32, #tpu.memory_space<hbm>>
        tpu.enqueue_indirect_dma source(%dma_start3A_338 : memref<16896x80xf32, #tpu.memory_space<hbm>>) target(%arg21 : memref<128x80xf32, #tpu.memory_space<vmem>>) offsets(%arg14 : memref<128xi32, #tpu.memory_space<vmem>>) semaphore(%arg29 : memref<!tpu.dma_semaphore, #tpu.memory_space<semaphore_mem>>)
        %dma_wait3A_339 = arith.constant 0 : i32
        %dma_wait3A_340 = tpu.memref_slice %arg2[%dma_wait3A_339] : memref<1486848xf32, #tpu.memory_space<hbm>> -> memref<1486848xf32, #tpu.memory_space<hbm>>
        tpu.wait_indirect_dma semaphore(%arg28 : memref<!tpu.dma_semaphore, #tpu.memory_space<semaphore_mem>>) src(%dma_wait3A_340 : memref<1486848xf32, #tpu.memory_space<hbm>>) dst(%arg20 : memref<128xf32, #tpu.memory_space<vmem>>)
        %dma_wait3A_341 = arith.constant 0 : i32
        %dma_wait3A_342 = arith.constant 0 : i32
        %dma_wait3A_343 = tpu.memref_slice %arg3[%dma_wait3A_341, %dma_wait3A_342] : memref<16896x80xf32, #tpu.memory_space<hbm>> -> memref<16896x80xf32, #tpu.memory_space<hbm>>
        tpu.wait_indirect_dma semaphore(%arg30 : memref<!tpu.dma_semaphore, #tpu.memory_space<semaphore_mem>>) src(%dma_wait3A_343 : memref<16896x80xf32, #tpu.memory_space<hbm>>) dst(%arg22 : memref<128x80xf32, #tpu.memory_space<vmem>>)
        %mul3A_344 = arith.constant 128 : i32
        %mul3A_345 = arith.muli %add3A_308, %mul3A_344 : i32
        %add3A_346 = arith.addi %mul3A_35, %mul3A_345 : i32
        %min3A_347 = arith.constant 999872 : i32
        %min3A_348 = arith.minsi %add3A_346, %min3A_347 : i32
        %scan3A_349 = arith.constant 0 : i32
        %scan3A_350 = arith.constant 0 : i32
        %scan3A_351 = arith.constant 8 : i32
        %scan3A_352 = arith.addi %scan3A_350, %scan3A_351 : i32
        %scan3A_353 = arith.constant 1 : i32
        %scan3A_354 = scf.for %scan3A_455 = %scan3A_350 to %scan3A_352 step %scan3A_353 iter_args(%scan3A_456 = %scan3A_349) -> (i32)  : i32 {
          %mul3A_457 = arith.constant 16 : i32
          %mul3A_458 = arith.muli %scan3A_455, %mul3A_457 : i32
          %iota3A = tpu.iota {dimensions = array<i32: 0>} : vector<16xi32>
          %get3A_459 = arith.index_cast %mul3A_458 : i32 to index
          %get3A_460 = tpu.vector_load %arg16[%get3A_459] {strides = array<i32>} : memref<128xi32, #tpu.memory_space<vmem>>, vector<16xi32>,
          %get3A_461 = arith.index_cast %mul3A_458 : i32 to index
          %get3A_462 = tpu.vector_load %arg20[%get3A_461] {strides = array<i32>} : memref<128xf32, #tpu.memory_space<vmem>>, vector<16xf32>,
          %add3A_463 = arith.addi %min3A_348, %mul3A_458 : i32
          %add3A_464 = vector.broadcast %add3A_463 : i32 to vector<16xi32>
          %add3A_465 = arith.addi %add3A_464, %iota3A : vector<16xi32>
          %lt3A = vector.broadcast %squeeze3A_17 : i32 to vector<16xi32>
          %lt3A_466 = arith.cmpi slt, %add3A_465, %lt3A : vector<16xi32>
          %ge3A = vector.broadcast %add3A_346 : i32 to vector<16xi32>
          %ge3A_467 = arith.cmpi sge, %add3A_465, %ge3A : vector<16xi32>
          %and3A_468 = arith.andi %lt3A_466, %ge3A_467 : vector<16xi1>
          %ge3A_469 = vector.broadcast %mul3A_14 : i32 to vector<16xi32>
          %ge3A_470 = arith.cmpi sge, %get3A_460, %ge3A_469 : vector<16xi32>
          %and3A_471 = arith.andi %and3A_468, %ge3A_470 : vector<16xi1>
          %select_n3A_472 = arith.select %and3A_471, %get3A_462, %broadcast_in_dim3A_1 : vector<16xi1>, vector<16xf32>
          %sub3A_473 = vector.broadcast %mul3A_14 : i32 to vector<16xi32>
          %sub3A_474 = arith.subi %get3A_460, %sub3A_473 : vector<16xi32>
          %jit3A_475 = arith.constant 0 : i32
          %jit3A_476 = arith.constant 1023 : i32
          %max3A = vector.broadcast %jit3A_475 : i32 to vector<16xi32>
          %max3A_477 = arith.maxsi %max3A, %sub3A_474 : vector<16xi32>
          %min3A_478 = vector.broadcast %jit3A_476 : i32 to vector<16xi32>
          %min3A_479 = arith.minsi %min3A_478, %max3A_477 : vector<16xi32>
          %add3A_480 = vector.broadcast %mul3A_458 : i32 to vector<16xi32>
          %add3A_481 = arith.addi %add3A_480, %iota3A : vector<16xi32>
          %mul3A_482 = arith.constant 80 : i32
          %mul3A_483 = vector.broadcast %mul3A_482 : i32 to vector<16xi32>
          %mul3A_484 = arith.muli %min3A_479, %mul3A_483 : vector<16xi32>
          %parallel_loop3A_485 = arith.constant 0 : i32
          %parallel_loop3A_486 = arith.constant 80 : i32
          %parallel_loop3A_487 = arith.constant 1 : i32
          scf.for %parallel_loop3A_489 = %parallel_loop3A_485 to %parallel_loop3A_486 step %parallel_loop3A_487  : i32 {
            %parallel_loop3A_490 = arith.constant 15 : i32
            %parallel_loop3A_491 = arith.andi %parallel_loop3A_489, %parallel_loop3A_490 : i32
            %parallel_loop3A_492 = arith.subi %parallel_loop3A_489, %parallel_loop3A_491 : i32
            %parallel_loop3A_493 = vector.broadcast %parallel_loop3A_489 : i32 to vector<16xi32>
            %parallel_loop3A_494 = arith.addi %iota3A, %parallel_loop3A_493 : vector<16xi32>
            %parallel_loop3A_495 = arith.constant 15 : i32
            %parallel_loop3A_496 = vector.broadcast %parallel_loop3A_495 : i32 to vector<16xi32>
            %parallel_loop3A_497 = arith.andi %parallel_loop3A_494, %parallel_loop3A_496 : vector<16xi32>
            %parallel_loop3A_498 = vector.broadcast %parallel_loop3A_492 : i32 to vector<16xi32>
            %parallel_loop3A_499 = arith.addi %parallel_loop3A_497, %parallel_loop3A_498 : vector<16xi32>
            %parallel_loop3A_500 = tpu.vector_load_idx %arg22[%add3A_481, %parallel_loop3A_499] : memref<128x80xf32, #tpu.memory_space<vmem>>[vector<16xi32>, vector<16xi32>], vector<16xf32>,
            %parallel_loop3A_501 = arith.mulf %select_n3A_472, %parallel_loop3A_500 : vector<16xf32>
            %parallel_loop3A_502 = arith.addi %mul3A_484, %parallel_loop3A_499 : vector<16xi32>
            tpu.vector_store_idx %arg23[%parallel_loop3A_502], %parallel_loop3A_501 {add = true} : memref<81920xf32, #tpu.memory_space<vmem>>[vector<16xi32>], vector<16xf32>,
          } {sc.loop_unroll_factor = 8 : i64, sc.parallel_access}
          %scan3A_488 = arith.constant 0 : i32
          scf.yield %scan3A_488 : i32
        }
        %scan3A_355 = arith.constant 8 : i32
        %add3A_356 = arith.constant 4 : i32
        %add3A_357 = arith.addi %mul3A_159, %add3A_356 : i32
        %add3A_358 = arith.constant 2 : i32
        %add3A_359 = arith.addi %add3A_357, %add3A_358 : i32
        %mul3A_360 = arith.constant 128 : i32
        %mul3A_361 = arith.muli %add3A_359, %mul3A_360 : i32
        %add3A_362 = arith.addi %mul3A_35, %mul3A_361 : i32
        %min3A_363 = arith.constant 999872 : i32
        %min3A_364 = arith.minsi %add3A_362, %min3A_363 : i32
        %dma_start3A_365 = tpu.memref_slice %arg4[%min3A_364] : memref<1000000xi32, #tpu.memory_space<hbm>> -> memref<128xi32, #tpu.memory_space<hbm>>
        %dma_start3A_366 = tpu.memref_slice %arg4[%min3A_364] : memref<1000000xi32, #tpu.memory_space<hbm>> -> memref<128xi32, #tpu.memory_space<hbm>>
        tpu.enqueue_dma source(%dma_start3A_366 : memref<128xi32, #tpu.memory_space<hbm>>) target(%arg10 : memref<128xi32, #tpu.memory_space<vmem>>) target_semaphore(%arg24 : memref<!tpu.dma_semaphore, #tpu.memory_space<semaphore_mem>>)
        %dma_start3A_367 = tpu.memref_slice %arg5[%min3A_364] : memref<1000000xi32, #tpu.memory_space<hbm>> -> memref<128xi32, #tpu.memory_space<hbm>>
        %dma_start3A_368 = tpu.memref_slice %arg5[%min3A_364] : memref<1000000xi32, #tpu.memory_space<hbm>> -> memref<128xi32, #tpu.memory_space<hbm>>
        tpu.enqueue_dma source(%dma_start3A_368 : memref<128xi32, #tpu.memory_space<hbm>>) target(%arg13 : memref<128xi32, #tpu.memory_space<vmem>>) target_semaphore(%arg24 : memref<!tpu.dma_semaphore, #tpu.memory_space<semaphore_mem>>)
        %dma_start3A_369 = tpu.memref_slice %arg6[%min3A_364] : memref<1000000xi32, #tpu.memory_space<hbm>> -> memref<128xi32, #tpu.memory_space<hbm>>
        %dma_start3A_370 = tpu.memref_slice %arg6[%min3A_364] : memref<1000000xi32, #tpu.memory_space<hbm>> -> memref<128xi32, #tpu.memory_space<hbm>>
        tpu.enqueue_dma source(%dma_start3A_370 : memref<128xi32, #tpu.memory_space<hbm>>) target(%arg16 : memref<128xi32, #tpu.memory_space<vmem>>) target_semaphore(%arg24 : memref<!tpu.dma_semaphore, #tpu.memory_space<semaphore_mem>>)
        %dma_wait3A_371 = arith.constant 0 : i32
        %dma_wait3A_372 = tpu.memref_slice %arg4[%dma_wait3A_371] : memref<1000000xi32, #tpu.memory_space<hbm>> -> memref<128xi32, #tpu.memory_space<hbm>>
        %dma_wait3A_373 = arith.constant 0 : i32
        %dma_wait3A_374 = tpu.memref_slice %arg4[%dma_wait3A_373] : memref<1000000xi32, #tpu.memory_space<hbm>> -> memref<128xi32, #tpu.memory_space<hbm>>
        tpu.wait_dma2 semaphore(%arg26 : memref<!tpu.dma_semaphore, #tpu.memory_space<semaphore_mem>>) src(%dma_wait3A_374 : memref<128xi32, #tpu.memory_space<hbm>>) dst(%arg12 : memref<128xi32, #tpu.memory_space<vmem>>)
        %dma_wait3A_375 = arith.constant 0 : i32
        %dma_wait3A_376 = tpu.memref_slice %arg5[%dma_wait3A_375] : memref<1000000xi32, #tpu.memory_space<hbm>> -> memref<128xi32, #tpu.memory_space<hbm>>
        %dma_wait3A_377 = arith.constant 0 : i32
        %dma_wait3A_378 = tpu.memref_slice %arg5[%dma_wait3A_377] : memref<1000000xi32, #tpu.memory_space<hbm>> -> memref<128xi32, #tpu.memory_space<hbm>>
        tpu.wait_dma2 semaphore(%arg26 : memref<!tpu.dma_semaphore, #tpu.memory_space<semaphore_mem>>) src(%dma_wait3A_378 : memref<128xi32, #tpu.memory_space<hbm>>) dst(%arg15 : memref<128xi32, #tpu.memory_space<vmem>>)
        %dma_wait3A_379 = arith.constant 0 : i32
        %dma_wait3A_380 = tpu.memref_slice %arg6[%dma_wait3A_379] : memref<1000000xi32, #tpu.memory_space<hbm>> -> memref<128xi32, #tpu.memory_space<hbm>>
        %dma_wait3A_381 = arith.constant 0 : i32
        %dma_wait3A_382 = tpu.memref_slice %arg6[%dma_wait3A_381] : memref<1000000xi32, #tpu.memory_space<hbm>> -> memref<128xi32, #tpu.memory_space<hbm>>
        tpu.wait_dma2 semaphore(%arg26 : memref<!tpu.dma_semaphore, #tpu.memory_space<semaphore_mem>>) src(%dma_wait3A_382 : memref<128xi32, #tpu.memory_space<hbm>>) dst(%arg18 : memref<128xi32, #tpu.memory_space<vmem>>)
        %dma_start3A_383 = arith.constant 0 : i32
        %dma_start3A_384 = tpu.memref_slice %arg2[%dma_start3A_383] : memref<1486848xf32, #tpu.memory_space<hbm>> -> memref<1486848xf32, #tpu.memory_space<hbm>>
        tpu.enqueue_indirect_dma source(%dma_start3A_384 : memref<1486848xf32, #tpu.memory_space<hbm>>) target(%arg20 : memref<128xf32, #tpu.memory_space<vmem>>) offsets(%arg12 : memref<128xi32, #tpu.memory_space<vmem>>) semaphore(%arg28 : memref<!tpu.dma_semaphore, #tpu.memory_space<semaphore_mem>>)
        %dma_start3A_385 = arith.constant 0 : i32
        %dma_start3A_386 = arith.constant 0 : i32
        %dma_start3A_387 = tpu.memref_slice %arg3[%dma_start3A_385, %dma_start3A_386] : memref<16896x80xf32, #tpu.memory_space<hbm>> -> memref<16896x80xf32, #tpu.memory_space<hbm>>
        tpu.enqueue_indirect_dma source(%dma_start3A_387 : memref<16896x80xf32, #tpu.memory_space<hbm>>) target(%arg22 : memref<128x80xf32, #tpu.memory_space<vmem>>) offsets(%arg15 : memref<128xi32, #tpu.memory_space<vmem>>) semaphore(%arg30 : memref<!tpu.dma_semaphore, #tpu.memory_space<semaphore_mem>>)
        %dma_wait3A_388 = arith.constant 0 : i32
        %dma_wait3A_389 = tpu.memref_slice %arg2[%dma_wait3A_388] : memref<1486848xf32, #tpu.memory_space<hbm>> -> memref<1486848xf32, #tpu.memory_space<hbm>>
        tpu.wait_indirect_dma semaphore(%arg27 : memref<!tpu.dma_semaphore, #tpu.memory_space<semaphore_mem>>) src(%dma_wait3A_389 : memref<1486848xf32, #tpu.memory_space<hbm>>) dst(%arg19 : memref<128xf32, #tpu.memory_space<vmem>>)
        %dma_wait3A_390 = arith.constant 0 : i32
        %dma_wait3A_391 = arith.constant 0 : i32
        %dma_wait3A_392 = tpu.memref_slice %arg3[%dma_wait3A_390, %dma_wait3A_391] : memref<16896x80xf32, #tpu.memory_space<hbm>> -> memref<16896x80xf32, #tpu.memory_space<hbm>>
        tpu.wait_indirect_dma semaphore(%arg29 : memref<!tpu.dma_semaphore, #tpu.memory_space<semaphore_mem>>) src(%dma_wait3A_392 : memref<16896x80xf32, #tpu.memory_space<hbm>>) dst(%arg21 : memref<128x80xf32, #tpu.memory_space<vmem>>)
        %mul3A_393 = arith.constant 128 : i32
        %mul3A_394 = arith.muli %add3A_357, %mul3A_393 : i32
        %add3A_395 = arith.addi %mul3A_35, %mul3A_394 : i32
        %min3A_396 = arith.constant 999872 : i32
        %min3A_397 = arith.minsi %add3A_395, %min3A_396 : i32
        %scan3A_398 = arith.constant 0 : i32
        %scan3A_399 = arith.constant 0 : i32
        %scan3A_400 = arith.constant 8 : i32
        %scan3A_401 = arith.addi %scan3A_399, %scan3A_400 : i32
        %scan3A_402 = arith.constant 1 : i32
        %scan3A_403 = scf.for %scan3A_455 = %scan3A_399 to %scan3A_401 step %scan3A_402 iter_args(%scan3A_456 = %scan3A_398) -> (i32)  : i32 {
          %mul3A_457 = arith.constant 16 : i32
          %mul3A_458 = arith.muli %scan3A_455, %mul3A_457 : i32
          %iota3A = tpu.iota {dimensions = array<i32: 0>} : vector<16xi32>
          %get3A_459 = arith.index_cast %mul3A_458 : i32 to index
          %get3A_460 = tpu.vector_load %arg17[%get3A_459] {strides = array<i32>} : memref<128xi32, #tpu.memory_space<vmem>>, vector<16xi32>,
          %get3A_461 = arith.index_cast %mul3A_458 : i32 to index
          %get3A_462 = tpu.vector_load %arg19[%get3A_461] {strides = array<i32>} : memref<128xf32, #tpu.memory_space<vmem>>, vector<16xf32>,
          %add3A_463 = arith.addi %min3A_397, %mul3A_458 : i32
          %add3A_464 = vector.broadcast %add3A_463 : i32 to vector<16xi32>
          %add3A_465 = arith.addi %add3A_464, %iota3A : vector<16xi32>
          %lt3A = vector.broadcast %squeeze3A_17 : i32 to vector<16xi32>
          %lt3A_466 = arith.cmpi slt, %add3A_465, %lt3A : vector<16xi32>
          %ge3A = vector.broadcast %add3A_395 : i32 to vector<16xi32>
          %ge3A_467 = arith.cmpi sge, %add3A_465, %ge3A : vector<16xi32>
          %and3A_468 = arith.andi %lt3A_466, %ge3A_467 : vector<16xi1>
          %ge3A_469 = vector.broadcast %mul3A_14 : i32 to vector<16xi32>
          %ge3A_470 = arith.cmpi sge, %get3A_460, %ge3A_469 : vector<16xi32>
          %and3A_471 = arith.andi %and3A_468, %ge3A_470 : vector<16xi1>
          %select_n3A_472 = arith.select %and3A_471, %get3A_462, %broadcast_in_dim3A_1 : vector<16xi1>, vector<16xf32>
          %sub3A_473 = vector.broadcast %mul3A_14 : i32 to vector<16xi32>
          %sub3A_474 = arith.subi %get3A_460, %sub3A_473 : vector<16xi32>
          %jit3A_475 = arith.constant 0 : i32
          %jit3A_476 = arith.constant 1023 : i32
          %max3A = vector.broadcast %jit3A_475 : i32 to vector<16xi32>
          %max3A_477 = arith.maxsi %max3A, %sub3A_474 : vector<16xi32>
          %min3A_478 = vector.broadcast %jit3A_476 : i32 to vector<16xi32>
          %min3A_479 = arith.minsi %min3A_478, %max3A_477 : vector<16xi32>
          %add3A_480 = vector.broadcast %mul3A_458 : i32 to vector<16xi32>
          %add3A_481 = arith.addi %add3A_480, %iota3A : vector<16xi32>
          %mul3A_482 = arith.constant 80 : i32
          %mul3A_483 = vector.broadcast %mul3A_482 : i32 to vector<16xi32>
          %mul3A_484 = arith.muli %min3A_479, %mul3A_483 : vector<16xi32>
          %parallel_loop3A_485 = arith.constant 0 : i32
          %parallel_loop3A_486 = arith.constant 80 : i32
          %parallel_loop3A_487 = arith.constant 1 : i32
          scf.for %parallel_loop3A_489 = %parallel_loop3A_485 to %parallel_loop3A_486 step %parallel_loop3A_487  : i32 {
            %parallel_loop3A_490 = arith.constant 15 : i32
            %parallel_loop3A_491 = arith.andi %parallel_loop3A_489, %parallel_loop3A_490 : i32
            %parallel_loop3A_492 = arith.subi %parallel_loop3A_489, %parallel_loop3A_491 : i32
            %parallel_loop3A_493 = vector.broadcast %parallel_loop3A_489 : i32 to vector<16xi32>
            %parallel_loop3A_494 = arith.addi %iota3A, %parallel_loop3A_493 : vector<16xi32>
            %parallel_loop3A_495 = arith.constant 15 : i32
            %parallel_loop3A_496 = vector.broadcast %parallel_loop3A_495 : i32 to vector<16xi32>
            %parallel_loop3A_497 = arith.andi %parallel_loop3A_494, %parallel_loop3A_496 : vector<16xi32>
            %parallel_loop3A_498 = vector.broadcast %parallel_loop3A_492 : i32 to vector<16xi32>
            %parallel_loop3A_499 = arith.addi %parallel_loop3A_497, %parallel_loop3A_498 : vector<16xi32>
            %parallel_loop3A_500 = tpu.vector_load_idx %arg21[%add3A_481, %parallel_loop3A_499] : memref<128x80xf32, #tpu.memory_space<vmem>>[vector<16xi32>, vector<16xi32>], vector<16xf32>,
            %parallel_loop3A_501 = arith.mulf %select_n3A_472, %parallel_loop3A_500 : vector<16xf32>
            %parallel_loop3A_502 = arith.addi %mul3A_484, %parallel_loop3A_499 : vector<16xi32>
            tpu.vector_store_idx %arg23[%parallel_loop3A_502], %parallel_loop3A_501 {add = true} : memref<81920xf32, #tpu.memory_space<vmem>>[vector<16xi32>], vector<16xf32>,
          } {sc.loop_unroll_factor = 8 : i64, sc.parallel_access}
          %scan3A_488 = arith.constant 0 : i32
          scf.yield %scan3A_488 : i32
        }
        %scan3A_404 = arith.constant 8 : i32
        %add3A_405 = arith.constant 5 : i32
        %add3A_406 = arith.addi %mul3A_159, %add3A_405 : i32
        %add3A_407 = arith.constant 2 : i32
        %add3A_408 = arith.addi %add3A_406, %add3A_407 : i32
        %mul3A_409 = arith.constant 128 : i32
        %mul3A_410 = arith.muli %add3A_408, %mul3A_409 : i32
        %add3A_411 = arith.addi %mul3A_35, %mul3A_410 : i32
        %min3A_412 = arith.constant 999872 : i32
        %min3A_413 = arith.minsi %add3A_411, %min3A_412 : i32
        %dma_start3A_414 = tpu.memref_slice %arg4[%min3A_413] : memref<1000000xi32, #tpu.memory_space<hbm>> -> memref<128xi32, #tpu.memory_space<hbm>>
        %dma_start3A_415 = tpu.memref_slice %arg4[%min3A_413] : memref<1000000xi32, #tpu.memory_space<hbm>> -> memref<128xi32, #tpu.memory_space<hbm>>
        tpu.enqueue_dma source(%dma_start3A_415 : memref<128xi32, #tpu.memory_space<hbm>>) target(%arg11 : memref<128xi32, #tpu.memory_space<vmem>>) target_semaphore(%arg25 : memref<!tpu.dma_semaphore, #tpu.memory_space<semaphore_mem>>)
        %dma_start3A_416 = tpu.memref_slice %arg5[%min3A_413] : memref<1000000xi32, #tpu.memory_space<hbm>> -> memref<128xi32, #tpu.memory_space<hbm>>
        %dma_start3A_417 = tpu.memref_slice %arg5[%min3A_413] : memref<1000000xi32, #tpu.memory_space<hbm>> -> memref<128xi32, #tpu.memory_space<hbm>>
        tpu.enqueue_dma source(%dma_start3A_417 : memref<128xi32, #tpu.memory_space<hbm>>) target(%arg14 : memref<128xi32, #tpu.memory_space<vmem>>) target_semaphore(%arg25 : memref<!tpu.dma_semaphore, #tpu.memory_space<semaphore_mem>>)
        %dma_start3A_418 = tpu.memref_slice %arg6[%min3A_413] : memref<1000000xi32, #tpu.memory_space<hbm>> -> memref<128xi32, #tpu.memory_space<hbm>>
        %dma_start3A_419 = tpu.memref_slice %arg6[%min3A_413] : memref<1000000xi32, #tpu.memory_space<hbm>> -> memref<128xi32, #tpu.memory_space<hbm>>
        tpu.enqueue_dma source(%dma_start3A_419 : memref<128xi32, #tpu.memory_space<hbm>>) target(%arg17 : memref<128xi32, #tpu.memory_space<vmem>>) target_semaphore(%arg25 : memref<!tpu.dma_semaphore, #tpu.memory_space<semaphore_mem>>)
        %dma_wait3A_420 = arith.constant 0 : i32
        %dma_wait3A_421 = tpu.memref_slice %arg4[%dma_wait3A_420] : memref<1000000xi32, #tpu.memory_space<hbm>> -> memref<128xi32, #tpu.memory_space<hbm>>
        %dma_wait3A_422 = arith.constant 0 : i32
        %dma_wait3A_423 = tpu.memref_slice %arg4[%dma_wait3A_422] : memref<1000000xi32, #tpu.memory_space<hbm>> -> memref<128xi32, #tpu.memory_space<hbm>>
        tpu.wait_dma2 semaphore(%arg24 : memref<!tpu.dma_semaphore, #tpu.memory_space<semaphore_mem>>) src(%dma_wait3A_423 : memref<128xi32, #tpu.memory_space<hbm>>) dst(%arg10 : memref<128xi32, #tpu.memory_space<vmem>>)
        %dma_wait3A_424 = arith.constant 0 : i32
        %dma_wait3A_425 = tpu.memref_slice %arg5[%dma_wait3A_424] : memref<1000000xi32, #tpu.memory_space<hbm>> -> memref<128xi32, #tpu.memory_space<hbm>>
        %dma_wait3A_426 = arith.constant 0 : i32
        %dma_wait3A_427 = tpu.memref_slice %arg5[%dma_wait3A_426] : memref<1000000xi32, #tpu.memory_space<hbm>> -> memref<128xi32, #tpu.memory_space<hbm>>
        tpu.wait_dma2 semaphore(%arg24 : memref<!tpu.dma_semaphore, #tpu.memory_space<semaphore_mem>>) src(%dma_wait3A_427 : memref<128xi32, #tpu.memory_space<hbm>>) dst(%arg13 : memref<128xi32, #tpu.memory_space<vmem>>)
        %dma_wait3A_428 = arith.constant 0 : i32
        %dma_wait3A_429 = tpu.memref_slice %arg6[%dma_wait3A_428] : memref<1000000xi32, #tpu.memory_space<hbm>> -> memref<128xi32, #tpu.memory_space<hbm>>
        %dma_wait3A_430 = arith.constant 0 : i32
        %dma_wait3A_431 = tpu.memref_slice %arg6[%dma_wait3A_430] : memref<1000000xi32, #tpu.memory_space<hbm>> -> memref<128xi32, #tpu.memory_space<hbm>>
        tpu.wait_dma2 semaphore(%arg24 : memref<!tpu.dma_semaphore, #tpu.memory_space<semaphore_mem>>) src(%dma_wait3A_431 : memref<128xi32, #tpu.memory_space<hbm>>) dst(%arg16 : memref<128xi32, #tpu.memory_space<vmem>>)
        %dma_start3A_432 = arith.constant 0 : i32
        %dma_start3A_433 = tpu.memref_slice %arg2[%dma_start3A_432] : memref<1486848xf32, #tpu.memory_space<hbm>> -> memref<1486848xf32, #tpu.memory_space<hbm>>
        tpu.enqueue_indirect_dma source(%dma_start3A_433 : memref<1486848xf32, #tpu.memory_space<hbm>>) target(%arg19 : memref<128xf32, #tpu.memory_space<vmem>>) offsets(%arg10 : memref<128xi32, #tpu.memory_space<vmem>>) semaphore(%arg27 : memref<!tpu.dma_semaphore, #tpu.memory_space<semaphore_mem>>)
        %dma_start3A_434 = arith.constant 0 : i32
        %dma_start3A_435 = arith.constant 0 : i32
        %dma_start3A_436 = tpu.memref_slice %arg3[%dma_start3A_434, %dma_start3A_435] : memref<16896x80xf32, #tpu.memory_space<hbm>> -> memref<16896x80xf32, #tpu.memory_space<hbm>>
        tpu.enqueue_indirect_dma source(%dma_start3A_436 : memref<16896x80xf32, #tpu.memory_space<hbm>>) target(%arg21 : memref<128x80xf32, #tpu.memory_space<vmem>>) offsets(%arg13 : memref<128xi32, #tpu.memory_space<vmem>>) semaphore(%arg29 : memref<!tpu.dma_semaphore, #tpu.memory_space<semaphore_mem>>)
        %dma_wait3A_437 = arith.constant 0 : i32
        %dma_wait3A_438 = tpu.memref_slice %arg2[%dma_wait3A_437] : memref<1486848xf32, #tpu.memory_space<hbm>> -> memref<1486848xf32, #tpu.memory_space<hbm>>
        tpu.wait_indirect_dma semaphore(%arg28 : memref<!tpu.dma_semaphore, #tpu.memory_space<semaphore_mem>>) src(%dma_wait3A_438 : memref<1486848xf32, #tpu.memory_space<hbm>>) dst(%arg20 : memref<128xf32, #tpu.memory_space<vmem>>)
        %dma_wait3A_439 = arith.constant 0 : i32
        %dma_wait3A_440 = arith.constant 0 : i32
        %dma_wait3A_441 = tpu.memref_slice %arg3[%dma_wait3A_439, %dma_wait3A_440] : memref<16896x80xf32, #tpu.memory_space<hbm>> -> memref<16896x80xf32, #tpu.memory_space<hbm>>
        tpu.wait_indirect_dma semaphore(%arg30 : memref<!tpu.dma_semaphore, #tpu.memory_space<semaphore_mem>>) src(%dma_wait3A_441 : memref<16896x80xf32, #tpu.memory_space<hbm>>) dst(%arg22 : memref<128x80xf32, #tpu.memory_space<vmem>>)
        %mul3A_442 = arith.constant 128 : i32
        %mul3A_443 = arith.muli %add3A_406, %mul3A_442 : i32
        %add3A_444 = arith.addi %mul3A_35, %mul3A_443 : i32
        %min3A_445 = arith.constant 999872 : i32
        %min3A_446 = arith.minsi %add3A_444, %min3A_445 : i32
        %scan3A_447 = arith.constant 0 : i32
        %scan3A_448 = arith.constant 0 : i32
        %scan3A_449 = arith.constant 8 : i32
        %scan3A_450 = arith.addi %scan3A_448, %scan3A_449 : i32
        %scan3A_451 = arith.constant 1 : i32
        %scan3A_452 = scf.for %scan3A_455 = %scan3A_448 to %scan3A_450 step %scan3A_451 iter_args(%scan3A_456 = %scan3A_447) -> (i32)  : i32 {
          %mul3A_457 = arith.constant 16 : i32
          %mul3A_458 = arith.muli %scan3A_455, %mul3A_457 : i32
          %iota3A = tpu.iota {dimensions = array<i32: 0>} : vector<16xi32>
          %get3A_459 = arith.index_cast %mul3A_458 : i32 to index
          %get3A_460 = tpu.vector_load %arg18[%get3A_459] {strides = array<i32>} : memref<128xi32, #tpu.memory_space<vmem>>, vector<16xi32>,
          %get3A_461 = arith.index_cast %mul3A_458 : i32 to index
          %get3A_462 = tpu.vector_load %arg20[%get3A_461] {strides = array<i32>} : memref<128xf32, #tpu.memory_space<vmem>>, vector<16xf32>,
          %add3A_463 = arith.addi %min3A_446, %mul3A_458 : i32
          %add3A_464 = vector.broadcast %add3A_463 : i32 to vector<16xi32>
          %add3A_465 = arith.addi %add3A_464, %iota3A : vector<16xi32>
          %lt3A = vector.broadcast %squeeze3A_17 : i32 to vector<16xi32>
          %lt3A_466 = arith.cmpi slt, %add3A_465, %lt3A : vector<16xi32>
          %ge3A = vector.broadcast %add3A_444 : i32 to vector<16xi32>
          %ge3A_467 = arith.cmpi sge, %add3A_465, %ge3A : vector<16xi32>
          %and3A_468 = arith.andi %lt3A_466, %ge3A_467 : vector<16xi1>
          %ge3A_469 = vector.broadcast %mul3A_14 : i32 to vector<16xi32>
          %ge3A_470 = arith.cmpi sge, %get3A_460, %ge3A_469 : vector<16xi32>
          %and3A_471 = arith.andi %and3A_468, %ge3A_470 : vector<16xi1>
          %select_n3A_472 = arith.select %and3A_471, %get3A_462, %broadcast_in_dim3A_1 : vector<16xi1>, vector<16xf32>
          %sub3A_473 = vector.broadcast %mul3A_14 : i32 to vector<16xi32>
          %sub3A_474 = arith.subi %get3A_460, %sub3A_473 : vector<16xi32>
          %jit3A_475 = arith.constant 0 : i32
          %jit3A_476 = arith.constant 1023 : i32
          %max3A = vector.broadcast %jit3A_475 : i32 to vector<16xi32>
          %max3A_477 = arith.maxsi %max3A, %sub3A_474 : vector<16xi32>
          %min3A_478 = vector.broadcast %jit3A_476 : i32 to vector<16xi32>
          %min3A_479 = arith.minsi %min3A_478, %max3A_477 : vector<16xi32>
          %add3A_480 = vector.broadcast %mul3A_458 : i32 to vector<16xi32>
          %add3A_481 = arith.addi %add3A_480, %iota3A : vector<16xi32>
          %mul3A_482 = arith.constant 80 : i32
          %mul3A_483 = vector.broadcast %mul3A_482 : i32 to vector<16xi32>
          %mul3A_484 = arith.muli %min3A_479, %mul3A_483 : vector<16xi32>
          %parallel_loop3A_485 = arith.constant 0 : i32
          %parallel_loop3A_486 = arith.constant 80 : i32
          %parallel_loop3A_487 = arith.constant 1 : i32
          scf.for %parallel_loop3A_489 = %parallel_loop3A_485 to %parallel_loop3A_486 step %parallel_loop3A_487  : i32 {
            %parallel_loop3A_490 = arith.constant 15 : i32
            %parallel_loop3A_491 = arith.andi %parallel_loop3A_489, %parallel_loop3A_490 : i32
            %parallel_loop3A_492 = arith.subi %parallel_loop3A_489, %parallel_loop3A_491 : i32
            %parallel_loop3A_493 = vector.broadcast %parallel_loop3A_489 : i32 to vector<16xi32>
            %parallel_loop3A_494 = arith.addi %iota3A, %parallel_loop3A_493 : vector<16xi32>
            %parallel_loop3A_495 = arith.constant 15 : i32
            %parallel_loop3A_496 = vector.broadcast %parallel_loop3A_495 : i32 to vector<16xi32>
            %parallel_loop3A_497 = arith.andi %parallel_loop3A_494, %parallel_loop3A_496 : vector<16xi32>
            %parallel_loop3A_498 = vector.broadcast %parallel_loop3A_492 : i32 to vector<16xi32>
            %parallel_loop3A_499 = arith.addi %parallel_loop3A_497, %parallel_loop3A_498 : vector<16xi32>
            %parallel_loop3A_500 = tpu.vector_load_idx %arg22[%add3A_481, %parallel_loop3A_499] : memref<128x80xf32, #tpu.memory_space<vmem>>[vector<16xi32>, vector<16xi32>], vector<16xf32>,
            %parallel_loop3A_501 = arith.mulf %select_n3A_472, %parallel_loop3A_500 : vector<16xf32>
            %parallel_loop3A_502 = arith.addi %mul3A_484, %parallel_loop3A_499 : vector<16xi32>
            tpu.vector_store_idx %arg23[%parallel_loop3A_502], %parallel_loop3A_501 {add = true} : memref<81920xf32, #tpu.memory_space<vmem>>[vector<16xi32>], vector<16xf32>,
          } {sc.loop_unroll_factor = 8 : i64, sc.parallel_access}
          %scan3A_488 = arith.constant 0 : i32
          scf.yield %scan3A_488 : i32
        }
        %scan3A_453 = arith.constant 8 : i32
        %while3A_454 = arith.constant 0 : i32
        scf.yield %while3A_454 : i32
      }
      %while3A_134 = arith.constant 1 : i32
      %while3A_135 = scf.for %while3A_156 = %while3A_131 to %while3A_127 step %while3A_134 iter_args(%while3A_157 = %while3A_133) -> (i32)  : i32 {
        %mul3A_158 = arith.constant 6 : i32
        %mul3A_159 = arith.muli %while3A_156, %mul3A_158 : i32
        %add3A_160 = arith.constant 0 : i32
        %add3A_161 = arith.addi %mul3A_159, %add3A_160 : i32
        %add3A_162 = arith.constant 2 : i32
        %add3A_163 = arith.addi %add3A_161, %add3A_162 : i32
        %mul3A_164 = arith.constant 128 : i32
        %mul3A_165 = arith.muli %add3A_163, %mul3A_164 : i32
        %add3A_166 = arith.addi %mul3A_35, %mul3A_165 : i32
        %min3A_167 = arith.constant 999872 : i32
        %min3A_168 = arith.minsi %add3A_166, %min3A_167 : i32
        %dma_start3A_169 = tpu.memref_slice %arg4[%min3A_168] : memref<1000000xi32, #tpu.memory_space<hbm>> -> memref<128xi32, #tpu.memory_space<hbm>>
        %dma_start3A_170 = tpu.memref_slice %arg4[%min3A_168] : memref<1000000xi32, #tpu.memory_space<hbm>> -> memref<128xi32, #tpu.memory_space<hbm>>
        tpu.enqueue_dma source(%dma_start3A_170 : memref<128xi32, #tpu.memory_space<hbm>>) target(%arg12 : memref<128xi32, #tpu.memory_space<vmem>>) target_semaphore(%arg26 : memref<!tpu.dma_semaphore, #tpu.memory_space<semaphore_mem>>)
        %dma_start3A_171 = tpu.memref_slice %arg5[%min3A_168] : memref<1000000xi32, #tpu.memory_space<hbm>> -> memref<128xi32, #tpu.memory_space<hbm>>
        %dma_start3A_172 = tpu.memref_slice %arg5[%min3A_168] : memref<1000000xi32, #tpu.memory_space<hbm>> -> memref<128xi32, #tpu.memory_space<hbm>>
        tpu.enqueue_dma source(%dma_start3A_172 : memref<128xi32, #tpu.memory_space<hbm>>) target(%arg15 : memref<128xi32, #tpu.memory_space<vmem>>) target_semaphore(%arg26 : memref<!tpu.dma_semaphore, #tpu.memory_space<semaphore_mem>>)
        %dma_start3A_173 = tpu.memref_slice %arg6[%min3A_168] : memref<1000000xi32, #tpu.memory_space<hbm>> -> memref<128xi32, #tpu.memory_space<hbm>>
        %dma_start3A_174 = tpu.memref_slice %arg6[%min3A_168] : memref<1000000xi32, #tpu.memory_space<hbm>> -> memref<128xi32, #tpu.memory_space<hbm>>
        tpu.enqueue_dma source(%dma_start3A_174 : memref<128xi32, #tpu.memory_space<hbm>>) target(%arg18 : memref<128xi32, #tpu.memory_space<vmem>>) target_semaphore(%arg26 : memref<!tpu.dma_semaphore, #tpu.memory_space<semaphore_mem>>)
        %dma_wait3A_175 = arith.constant 0 : i32
        %dma_wait3A_176 = tpu.memref_slice %arg4[%dma_wait3A_175] : memref<1000000xi32, #tpu.memory_space<hbm>> -> memref<128xi32, #tpu.memory_space<hbm>>
        %dma_wait3A_177 = arith.constant 0 : i32
        %dma_wait3A_178 = tpu.memref_slice %arg4[%dma_wait3A_177] : memref<1000000xi32, #tpu.memory_space<hbm>> -> memref<128xi32, #tpu.memory_space<hbm>>
        tpu.wait_dma2 semaphore(%arg25 : memref<!tpu.dma_semaphore, #tpu.memory_space<semaphore_mem>>) src(%dma_wait3A_178 : memref<128xi32, #tpu.memory_space<hbm>>) dst(%arg11 : memref<128xi32, #tpu.memory_space<vmem>>)
        %dma_wait3A_179 = arith.constant 0 : i32
        %dma_wait3A_180 = tpu.memref_slice %arg5[%dma_wait3A_179] : memref<1000000xi32, #tpu.memory_space<hbm>> -> memref<128xi32, #tpu.memory_space<hbm>>
        %dma_wait3A_181 = arith.constant 0 : i32
        %dma_wait3A_182 = tpu.memref_slice %arg5[%dma_wait3A_181] : memref<1000000xi32, #tpu.memory_space<hbm>> -> memref<128xi32, #tpu.memory_space<hbm>>
        tpu.wait_dma2 semaphore(%arg25 : memref<!tpu.dma_semaphore, #tpu.memory_space<semaphore_mem>>) src(%dma_wait3A_182 : memref<128xi32, #tpu.memory_space<hbm>>) dst(%arg14 : memref<128xi32, #tpu.memory_space<vmem>>)
        %dma_wait3A_183 = arith.constant 0 : i32
        %dma_wait3A_184 = tpu.memref_slice %arg6[%dma_wait3A_183] : memref<1000000xi32, #tpu.memory_space<hbm>> -> memref<128xi32, #tpu.memory_space<hbm>>
        %dma_wait3A_185 = arith.constant 0 : i32
        %dma_wait3A_186 = tpu.memref_slice %arg6[%dma_wait3A_185] : memref<1000000xi32, #tpu.memory_space<hbm>> -> memref<128xi32, #tpu.memory_space<hbm>>
        tpu.wait_dma2 semaphore(%arg25 : memref<!tpu.dma_semaphore, #tpu.memory_space<semaphore_mem>>) src(%dma_wait3A_186 : memref<128xi32, #tpu.memory_space<hbm>>) dst(%arg17 : memref<128xi32, #tpu.memory_space<vmem>>)
        %dma_start3A_187 = arith.constant 0 : i32
        %dma_start3A_188 = tpu.memref_slice %arg2[%dma_start3A_187] : memref<1486848xf32, #tpu.memory_space<hbm>> -> memref<1486848xf32, #tpu.memory_space<hbm>>
        tpu.enqueue_indirect_dma source(%dma_start3A_188 : memref<1486848xf32, #tpu.memory_space<hbm>>) target(%arg20 : memref<128xf32, #tpu.memory_space<vmem>>) offsets(%arg11 : memref<128xi32, #tpu.memory_space<vmem>>) semaphore(%arg28 : memref<!tpu.dma_semaphore, #tpu.memory_space<semaphore_mem>>)
        %dma_start3A_189 = arith.constant 0 : i32
        %dma_start3A_190 = arith.constant 0 : i32
        %dma_start3A_191 = tpu.memref_slice %arg3[%dma_start3A_189, %dma_start3A_190] : memref<16896x80xf32, #tpu.memory_space<hbm>> -> memref<16896x80xf32, #tpu.memory_space<hbm>>
        tpu.enqueue_indirect_dma source(%dma_start3A_191 : memref<16896x80xf32, #tpu.memory_space<hbm>>) target(%arg22 : memref<128x80xf32, #tpu.memory_space<vmem>>) offsets(%arg14 : memref<128xi32, #tpu.memory_space<vmem>>) semaphore(%arg30 : memref<!tpu.dma_semaphore, #tpu.memory_space<semaphore_mem>>)
        %dma_wait3A_192 = arith.constant 0 : i32
        %dma_wait3A_193 = tpu.memref_slice %arg2[%dma_wait3A_192] : memref<1486848xf32, #tpu.memory_space<hbm>> -> memref<1486848xf32, #tpu.memory_space<hbm>>
        tpu.wait_indirect_dma semaphore(%arg27 : memref<!tpu.dma_semaphore, #tpu.memory_space<semaphore_mem>>) src(%dma_wait3A_193 : memref<1486848xf32, #tpu.memory_space<hbm>>) dst(%arg19 : memref<128xf32, #tpu.memory_space<vmem>>)
        %dma_wait3A_194 = arith.constant 0 : i32
        %dma_wait3A_195 = arith.constant 0 : i32
        %dma_wait3A_196 = tpu.memref_slice %arg3[%dma_wait3A_194, %dma_wait3A_195] : memref<16896x80xf32, #tpu.memory_space<hbm>> -> memref<16896x80xf32, #tpu.memory_space<hbm>>
        tpu.wait_indirect_dma semaphore(%arg29 : memref<!tpu.dma_semaphore, #tpu.memory_space<semaphore_mem>>) src(%dma_wait3A_196 : memref<16896x80xf32, #tpu.memory_space<hbm>>) dst(%arg21 : memref<128x80xf32, #tpu.memory_space<vmem>>)
        %mul3A_197 = arith.constant 128 : i32
        %mul3A_198 = arith.muli %add3A_161, %mul3A_197 : i32
        %add3A_199 = arith.addi %mul3A_35, %mul3A_198 : i32
        %min3A_200 = arith.constant 999872 : i32
        %min3A_201 = arith.minsi %add3A_199, %min3A_200 : i32
        %scan3A_202 = arith.constant 0 : i32
        %scan3A_203 = arith.constant 0 : i32
        %scan3A_204 = arith.constant 8 : i32
        %scan3A_205 = arith.addi %scan3A_203, %scan3A_204 : i32
        %scan3A_206 = arith.constant 1 : i32
        %scan3A_207 = scf.for %scan3A_455 = %scan3A_203 to %scan3A_205 step %scan3A_206 iter_args(%scan3A_456 = %scan3A_202) -> (i32)  : i32 {
          %mul3A_457 = arith.constant 16 : i32
          %mul3A_458 = arith.muli %scan3A_455, %mul3A_457 : i32
          %iota3A = tpu.iota {dimensions = array<i32: 0>} : vector<16xi32>
          %get3A_459 = arith.index_cast %mul3A_458 : i32 to index
          %get3A_460 = tpu.vector_load %arg16[%get3A_459] {strides = array<i32>} : memref<128xi32, #tpu.memory_space<vmem>>, vector<16xi32>,
          %get3A_461 = arith.index_cast %mul3A_458 : i32 to index
          %get3A_462 = tpu.vector_load %arg19[%get3A_461] {strides = array<i32>} : memref<128xf32, #tpu.memory_space<vmem>>, vector<16xf32>,
          %add3A_463 = arith.addi %min3A_201, %mul3A_458 : i32
          %add3A_464 = vector.broadcast %add3A_463 : i32 to vector<16xi32>
          %add3A_465 = arith.addi %add3A_464, %iota3A : vector<16xi32>
          %lt3A = vector.broadcast %squeeze3A_17 : i32 to vector<16xi32>
          %lt3A_466 = arith.cmpi slt, %add3A_465, %lt3A : vector<16xi32>
          %ge3A = vector.broadcast %add3A_199 : i32 to vector<16xi32>
          %ge3A_467 = arith.cmpi sge, %add3A_465, %ge3A : vector<16xi32>
          %and3A_468 = arith.andi %lt3A_466, %ge3A_467 : vector<16xi1>
          %ge3A_469 = vector.broadcast %mul3A_14 : i32 to vector<16xi32>
          %ge3A_470 = arith.cmpi sge, %get3A_460, %ge3A_469 : vector<16xi32>
          %and3A_471 = arith.andi %and3A_468, %ge3A_470 : vector<16xi1>
          %select_n3A_472 = arith.select %and3A_471, %get3A_462, %broadcast_in_dim3A_1 : vector<16xi1>, vector<16xf32>
          %sub3A_473 = vector.broadcast %mul3A_14 : i32 to vector<16xi32>
          %sub3A_474 = arith.subi %get3A_460, %sub3A_473 : vector<16xi32>
          %jit3A_475 = arith.constant 0 : i32
          %jit3A_476 = arith.constant 1023 : i32
          %max3A = vector.broadcast %jit3A_475 : i32 to vector<16xi32>
          %max3A_477 = arith.maxsi %max3A, %sub3A_474 : vector<16xi32>
          %min3A_478 = vector.broadcast %jit3A_476 : i32 to vector<16xi32>
          %min3A_479 = arith.minsi %min3A_478, %max3A_477 : vector<16xi32>
          %add3A_480 = vector.broadcast %mul3A_458 : i32 to vector<16xi32>
          %add3A_481 = arith.addi %add3A_480, %iota3A : vector<16xi32>
          %mul3A_482 = arith.constant 80 : i32
          %mul3A_483 = vector.broadcast %mul3A_482 : i32 to vector<16xi32>
          %mul3A_484 = arith.muli %min3A_479, %mul3A_483 : vector<16xi32>
          %parallel_loop3A_485 = arith.constant 0 : i32
          %parallel_loop3A_486 = arith.constant 80 : i32
          %parallel_loop3A_487 = arith.constant 1 : i32
          scf.for %parallel_loop3A_489 = %parallel_loop3A_485 to %parallel_loop3A_486 step %parallel_loop3A_487  : i32 {
            %parallel_loop3A_490 = arith.constant 15 : i32
            %parallel_loop3A_491 = arith.andi %parallel_loop3A_489, %parallel_loop3A_490 : i32
            %parallel_loop3A_492 = arith.subi %parallel_loop3A_489, %parallel_loop3A_491 : i32
            %parallel_loop3A_493 = vector.broadcast %parallel_loop3A_489 : i32 to vector<16xi32>
            %parallel_loop3A_494 = arith.addi %iota3A, %parallel_loop3A_493 : vector<16xi32>
            %parallel_loop3A_495 = arith.constant 15 : i32
            %parallel_loop3A_496 = vector.broadcast %parallel_loop3A_495 : i32 to vector<16xi32>
            %parallel_loop3A_497 = arith.andi %parallel_loop3A_494, %parallel_loop3A_496 : vector<16xi32>
            %parallel_loop3A_498 = vector.broadcast %parallel_loop3A_492 : i32 to vector<16xi32>
            %parallel_loop3A_499 = arith.addi %parallel_loop3A_497, %parallel_loop3A_498 : vector<16xi32>
            %parallel_loop3A_500 = tpu.vector_load_idx %arg21[%add3A_481, %parallel_loop3A_499] : memref<128x80xf32, #tpu.memory_space<vmem>>[vector<16xi32>, vector<16xi32>], vector<16xf32>,
            %parallel_loop3A_501 = arith.mulf %select_n3A_472, %parallel_loop3A_500 : vector<16xf32>
            %parallel_loop3A_502 = arith.addi %mul3A_484, %parallel_loop3A_499 : vector<16xi32>
            tpu.vector_store_idx %arg23[%parallel_loop3A_502], %parallel_loop3A_501 {add = true} : memref<81920xf32, #tpu.memory_space<vmem>>[vector<16xi32>], vector<16xf32>,
          } {sc.loop_unroll_factor = 8 : i64, sc.parallel_access}
          %scan3A_488 = arith.constant 0 : i32
          scf.yield %scan3A_488 : i32
        }
        %scan3A_208 = arith.constant 8 : i32
        %add3A_209 = arith.constant 1 : i32
        %add3A_210 = arith.addi %mul3A_159, %add3A_209 : i32
        %add3A_211 = arith.constant 2 : i32
        %add3A_212 = arith.addi %add3A_210, %add3A_211 : i32
        %mul3A_213 = arith.constant 128 : i32
        %mul3A_214 = arith.muli %add3A_212, %mul3A_213 : i32
        %add3A_215 = arith.addi %mul3A_35, %mul3A_214 : i32
        %min3A_216 = arith.constant 999872 : i32
        %min3A_217 = arith.minsi %add3A_215, %min3A_216 : i32
        %dma_start3A_218 = tpu.memref_slice %arg4[%min3A_217] : memref<1000000xi32, #tpu.memory_space<hbm>> -> memref<128xi32, #tpu.memory_space<hbm>>
        %dma_start3A_219 = tpu.memref_slice %arg4[%min3A_217] : memref<1000000xi32, #tpu.memory_space<hbm>> -> memref<128xi32, #tpu.memory_space<hbm>>
        tpu.enqueue_dma source(%dma_start3A_219 : memref<128xi32, #tpu.memory_space<hbm>>) target(%arg10 : memref<128xi32, #tpu.memory_space<vmem>>) target_semaphore(%arg24 : memref<!tpu.dma_semaphore, #tpu.memory_space<semaphore_mem>>)
        %dma_start3A_220 = tpu.memref_slice %arg5[%min3A_217] : memref<1000000xi32, #tpu.memory_space<hbm>> -> memref<128xi32, #tpu.memory_space<hbm>>
        %dma_start3A_221 = tpu.memref_slice %arg5[%min3A_217] : memref<1000000xi32, #tpu.memory_space<hbm>> -> memref<128xi32, #tpu.memory_space<hbm>>
        tpu.enqueue_dma source(%dma_start3A_221 : memref<128xi32, #tpu.memory_space<hbm>>) target(%arg13 : memref<128xi32, #tpu.memory_space<vmem>>) target_semaphore(%arg24 : memref<!tpu.dma_semaphore, #tpu.memory_space<semaphore_mem>>)
        %dma_start3A_222 = tpu.memref_slice %arg6[%min3A_217] : memref<1000000xi32, #tpu.memory_space<hbm>> -> memref<128xi32, #tpu.memory_space<hbm>>
        %dma_start3A_223 = tpu.memref_slice %arg6[%min3A_217] : memref<1000000xi32, #tpu.memory_space<hbm>> -> memref<128xi32, #tpu.memory_space<hbm>>
        tpu.enqueue_dma source(%dma_start3A_223 : memref<128xi32, #tpu.memory_space<hbm>>) target(%arg16 : memref<128xi32, #tpu.memory_space<vmem>>) target_semaphore(%arg24 : memref<!tpu.dma_semaphore, #tpu.memory_space<semaphore_mem>>)
        %dma_wait3A_224 = arith.constant 0 : i32
        %dma_wait3A_225 = tpu.memref_slice %arg4[%dma_wait3A_224] : memref<1000000xi32, #tpu.memory_space<hbm>> -> memref<128xi32, #tpu.memory_space<hbm>>
        %dma_wait3A_226 = arith.constant 0 : i32
        %dma_wait3A_227 = tpu.memref_slice %arg4[%dma_wait3A_226] : memref<1000000xi32, #tpu.memory_space<hbm>> -> memref<128xi32, #tpu.memory_space<hbm>>
        tpu.wait_dma2 semaphore(%arg26 : memref<!tpu.dma_semaphore, #tpu.memory_space<semaphore_mem>>) src(%dma_wait3A_227 : memref<128xi32, #tpu.memory_space<hbm>>) dst(%arg12 : memref<128xi32, #tpu.memory_space<vmem>>)
        %dma_wait3A_228 = arith.constant 0 : i32
        %dma_wait3A_229 = tpu.memref_slice %arg5[%dma_wait3A_228] : memref<1000000xi32, #tpu.memory_space<hbm>> -> memref<128xi32, #tpu.memory_space<hbm>>
        %dma_wait3A_230 = arith.constant 0 : i32
        %dma_wait3A_231 = tpu.memref_slice %arg5[%dma_wait3A_230] : memref<1000000xi32, #tpu.memory_space<hbm>> -> memref<128xi32, #tpu.memory_space<hbm>>
        tpu.wait_dma2 semaphore(%arg26 : memref<!tpu.dma_semaphore, #tpu.memory_space<semaphore_mem>>) src(%dma_wait3A_231 : memref<128xi32, #tpu.memory_space<hbm>>) dst(%arg15 : memref<128xi32, #tpu.memory_space<vmem>>)
        %dma_wait3A_232 = arith.constant 0 : i32
        %dma_wait3A_233 = tpu.memref_slice %arg6[%dma_wait3A_232] : memref<1000000xi32, #tpu.memory_space<hbm>> -> memref<128xi32, #tpu.memory_space<hbm>>
        %dma_wait3A_234 = arith.constant 0 : i32
        %dma_wait3A_235 = tpu.memref_slice %arg6[%dma_wait3A_234] : memref<1000000xi32, #tpu.memory_space<hbm>> -> memref<128xi32, #tpu.memory_space<hbm>>
        tpu.wait_dma2 semaphore(%arg26 : memref<!tpu.dma_semaphore, #tpu.memory_space<semaphore_mem>>) src(%dma_wait3A_235 : memref<128xi32, #tpu.memory_space<hbm>>) dst(%arg18 : memref<128xi32, #tpu.memory_space<vmem>>)
        %dma_start3A_236 = arith.constant 0 : i32
        %dma_start3A_237 = tpu.memref_slice %arg2[%dma_start3A_236] : memref<1486848xf32, #tpu.memory_space<hbm>> -> memref<1486848xf32, #tpu.memory_space<hbm>>
        tpu.enqueue_indirect_dma source(%dma_start3A_237 : memref<1486848xf32, #tpu.memory_space<hbm>>) target(%arg19 : memref<128xf32, #tpu.memory_space<vmem>>) offsets(%arg12 : memref<128xi32, #tpu.memory_space<vmem>>) semaphore(%arg27 : memref<!tpu.dma_semaphore, #tpu.memory_space<semaphore_mem>>)
        %dma_start3A_238 = arith.constant 0 : i32
        %dma_start3A_239 = arith.constant 0 : i32
        %dma_start3A_240 = tpu.memref_slice %arg3[%dma_start3A_238, %dma_start3A_239] : memref<16896x80xf32, #tpu.memory_space<hbm>> -> memref<16896x80xf32, #tpu.memory_space<hbm>>
        tpu.enqueue_indirect_dma source(%dma_start3A_240 : memref<16896x80xf32, #tpu.memory_space<hbm>>) target(%arg21 : memref<128x80xf32, #tpu.memory_space<vmem>>) offsets(%arg15 : memref<128xi32, #tpu.memory_space<vmem>>) semaphore(%arg29 : memref<!tpu.dma_semaphore, #tpu.memory_space<semaphore_mem>>)
        %dma_wait3A_241 = arith.constant 0 : i32
        %dma_wait3A_242 = tpu.memref_slice %arg2[%dma_wait3A_241] : memref<1486848xf32, #tpu.memory_space<hbm>> -> memref<1486848xf32, #tpu.memory_space<hbm>>
        tpu.wait_indirect_dma semaphore(%arg28 : memref<!tpu.dma_semaphore, #tpu.memory_space<semaphore_mem>>) src(%dma_wait3A_242 : memref<1486848xf32, #tpu.memory_space<hbm>>) dst(%arg20 : memref<128xf32, #tpu.memory_space<vmem>>)
        %dma_wait3A_243 = arith.constant 0 : i32
        %dma_wait3A_244 = arith.constant 0 : i32
        %dma_wait3A_245 = tpu.memref_slice %arg3[%dma_wait3A_243, %dma_wait3A_244] : memref<16896x80xf32, #tpu.memory_space<hbm>> -> memref<16896x80xf32, #tpu.memory_space<hbm>>
        tpu.wait_indirect_dma semaphore(%arg30 : memref<!tpu.dma_semaphore, #tpu.memory_space<semaphore_mem>>) src(%dma_wait3A_245 : memref<16896x80xf32, #tpu.memory_space<hbm>>) dst(%arg22 : memref<128x80xf32, #tpu.memory_space<vmem>>)
        %mul3A_246 = arith.constant 128 : i32
        %mul3A_247 = arith.muli %add3A_210, %mul3A_246 : i32
        %add3A_248 = arith.addi %mul3A_35, %mul3A_247 : i32
        %min3A_249 = arith.constant 999872 : i32
        %min3A_250 = arith.minsi %add3A_248, %min3A_249 : i32
        %scan3A_251 = arith.constant 0 : i32
        %scan3A_252 = arith.constant 0 : i32
        %scan3A_253 = arith.constant 8 : i32
        %scan3A_254 = arith.addi %scan3A_252, %scan3A_253 : i32
        %scan3A_255 = arith.constant 1 : i32
        %scan3A_256 = scf.for %scan3A_455 = %scan3A_252 to %scan3A_254 step %scan3A_255 iter_args(%scan3A_456 = %scan3A_251) -> (i32)  : i32 {
          %mul3A_457 = arith.constant 16 : i32
          %mul3A_458 = arith.muli %scan3A_455, %mul3A_457 : i32
          %iota3A = tpu.iota {dimensions = array<i32: 0>} : vector<16xi32>
          %get3A_459 = arith.index_cast %mul3A_458 : i32 to index
          %get3A_460 = tpu.vector_load %arg17[%get3A_459] {strides = array<i32>} : memref<128xi32, #tpu.memory_space<vmem>>, vector<16xi32>,
          %get3A_461 = arith.index_cast %mul3A_458 : i32 to index
          %get3A_462 = tpu.vector_load %arg20[%get3A_461] {strides = array<i32>} : memref<128xf32, #tpu.memory_space<vmem>>, vector<16xf32>,
          %add3A_463 = arith.addi %min3A_250, %mul3A_458 : i32
          %add3A_464 = vector.broadcast %add3A_463 : i32 to vector<16xi32>
          %add3A_465 = arith.addi %add3A_464, %iota3A : vector<16xi32>
          %lt3A = vector.broadcast %squeeze3A_17 : i32 to vector<16xi32>
          %lt3A_466 = arith.cmpi slt, %add3A_465, %lt3A : vector<16xi32>
          %ge3A = vector.broadcast %add3A_248 : i32 to vector<16xi32>
          %ge3A_467 = arith.cmpi sge, %add3A_465, %ge3A : vector<16xi32>
          %and3A_468 = arith.andi %lt3A_466, %ge3A_467 : vector<16xi1>
          %ge3A_469 = vector.broadcast %mul3A_14 : i32 to vector<16xi32>
          %ge3A_470 = arith.cmpi sge, %get3A_460, %ge3A_469 : vector<16xi32>
          %and3A_471 = arith.andi %and3A_468, %ge3A_470 : vector<16xi1>
          %select_n3A_472 = arith.select %and3A_471, %get3A_462, %broadcast_in_dim3A_1 : vector<16xi1>, vector<16xf32>
          %sub3A_473 = vector.broadcast %mul3A_14 : i32 to vector<16xi32>
          %sub3A_474 = arith.subi %get3A_460, %sub3A_473 : vector<16xi32>
          %jit3A_475 = arith.constant 0 : i32
          %jit3A_476 = arith.constant 1023 : i32
          %max3A = vector.broadcast %jit3A_475 : i32 to vector<16xi32>
          %max3A_477 = arith.maxsi %max3A, %sub3A_474 : vector<16xi32>
          %min3A_478 = vector.broadcast %jit3A_476 : i32 to vector<16xi32>
          %min3A_479 = arith.minsi %min3A_478, %max3A_477 : vector<16xi32>
          %add3A_480 = vector.broadcast %mul3A_458 : i32 to vector<16xi32>
          %add3A_481 = arith.addi %add3A_480, %iota3A : vector<16xi32>
          %mul3A_482 = arith.constant 80 : i32
          %mul3A_483 = vector.broadcast %mul3A_482 : i32 to vector<16xi32>
          %mul3A_484 = arith.muli %min3A_479, %mul3A_483 : vector<16xi32>
          %parallel_loop3A_485 = arith.constant 0 : i32
          %parallel_loop3A_486 = arith.constant 80 : i32
          %parallel_loop3A_487 = arith.constant 1 : i32
          scf.for %parallel_loop3A_489 = %parallel_loop3A_485 to %parallel_loop3A_486 step %parallel_loop3A_487  : i32 {
            %parallel_loop3A_490 = arith.constant 15 : i32
            %parallel_loop3A_491 = arith.andi %parallel_loop3A_489, %parallel_loop3A_490 : i32
            %parallel_loop3A_492 = arith.subi %parallel_loop3A_489, %parallel_loop3A_491 : i32
            %parallel_loop3A_493 = vector.broadcast %parallel_loop3A_489 : i32 to vector<16xi32>
            %parallel_loop3A_494 = arith.addi %iota3A, %parallel_loop3A_493 : vector<16xi32>
            %parallel_loop3A_495 = arith.constant 15 : i32
            %parallel_loop3A_496 = vector.broadcast %parallel_loop3A_495 : i32 to vector<16xi32>
            %parallel_loop3A_497 = arith.andi %parallel_loop3A_494, %parallel_loop3A_496 : vector<16xi32>
            %parallel_loop3A_498 = vector.broadcast %parallel_loop3A_492 : i32 to vector<16xi32>
            %parallel_loop3A_499 = arith.addi %parallel_loop3A_497, %parallel_loop3A_498 : vector<16xi32>
            %parallel_loop3A_500 = tpu.vector_load_idx %arg22[%add3A_481, %parallel_loop3A_499] : memref<128x80xf32, #tpu.memory_space<vmem>>[vector<16xi32>, vector<16xi32>], vector<16xf32>,
            %parallel_loop3A_501 = arith.mulf %select_n3A_472, %parallel_loop3A_500 : vector<16xf32>
            %parallel_loop3A_502 = arith.addi %mul3A_484, %parallel_loop3A_499 : vector<16xi32>
            tpu.vector_store_idx %arg23[%parallel_loop3A_502], %parallel_loop3A_501 {add = true} : memref<81920xf32, #tpu.memory_space<vmem>>[vector<16xi32>], vector<16xf32>,
          } {sc.loop_unroll_factor = 8 : i64, sc.parallel_access}
          %scan3A_488 = arith.constant 0 : i32
          scf.yield %scan3A_488 : i32
        }
        %scan3A_257 = arith.constant 8 : i32
        %add3A_258 = arith.constant 2 : i32
        %add3A_259 = arith.addi %mul3A_159, %add3A_258 : i32
        %add3A_260 = arith.constant 2 : i32
        %add3A_261 = arith.addi %add3A_259, %add3A_260 : i32
        %mul3A_262 = arith.constant 128 : i32
        %mul3A_263 = arith.muli %add3A_261, %mul3A_262 : i32
        %add3A_264 = arith.addi %mul3A_35, %mul3A_263 : i32
        %min3A_265 = arith.constant 999872 : i32
        %min3A_266 = arith.minsi %add3A_264, %min3A_265 : i32
        %dma_start3A_267 = tpu.memref_slice %arg4[%min3A_266] : memref<1000000xi32, #tpu.memory_space<hbm>> -> memref<128xi32, #tpu.memory_space<hbm>>
        %dma_start3A_268 = tpu.memref_slice %arg4[%min3A_266] : memref<1000000xi32, #tpu.memory_space<hbm>> -> memref<128xi32, #tpu.memory_space<hbm>>
        tpu.enqueue_dma source(%dma_start3A_268 : memref<128xi32, #tpu.memory_space<hbm>>) target(%arg11 : memref<128xi32, #tpu.memory_space<vmem>>) target_semaphore(%arg25 : memref<!tpu.dma_semaphore, #tpu.memory_space<semaphore_mem>>)
        %dma_start3A_269 = tpu.memref_slice %arg5[%min3A_266] : memref<1000000xi32, #tpu.memory_space<hbm>> -> memref<128xi32, #tpu.memory_space<hbm>>
        %dma_start3A_270 = tpu.memref_slice %arg5[%min3A_266] : memref<1000000xi32, #tpu.memory_space<hbm>> -> memref<128xi32, #tpu.memory_space<hbm>>
        tpu.enqueue_dma source(%dma_start3A_270 : memref<128xi32, #tpu.memory_space<hbm>>) target(%arg14 : memref<128xi32, #tpu.memory_space<vmem>>) target_semaphore(%arg25 : memref<!tpu.dma_semaphore, #tpu.memory_space<semaphore_mem>>)
        %dma_start3A_271 = tpu.memref_slice %arg6[%min3A_266] : memref<1000000xi32, #tpu.memory_space<hbm>> -> memref<128xi32, #tpu.memory_space<hbm>>
        %dma_start3A_272 = tpu.memref_slice %arg6[%min3A_266] : memref<1000000xi32, #tpu.memory_space<hbm>> -> memref<128xi32, #tpu.memory_space<hbm>>
        tpu.enqueue_dma source(%dma_start3A_272 : memref<128xi32, #tpu.memory_space<hbm>>) target(%arg17 : memref<128xi32, #tpu.memory_space<vmem>>) target_semaphore(%arg25 : memref<!tpu.dma_semaphore, #tpu.memory_space<semaphore_mem>>)
        %dma_wait3A_273 = arith.constant 0 : i32
        %dma_wait3A_274 = tpu.memref_slice %arg4[%dma_wait3A_273] : memref<1000000xi32, #tpu.memory_space<hbm>> -> memref<128xi32, #tpu.memory_space<hbm>>
        %dma_wait3A_275 = arith.constant 0 : i32
        %dma_wait3A_276 = tpu.memref_slice %arg4[%dma_wait3A_275] : memref<1000000xi32, #tpu.memory_space<hbm>> -> memref<128xi32, #tpu.memory_space<hbm>>
        tpu.wait_dma2 semaphore(%arg24 : memref<!tpu.dma_semaphore, #tpu.memory_space<semaphore_mem>>) src(%dma_wait3A_276 : memref<128xi32, #tpu.memory_space<hbm>>) dst(%arg10 : memref<128xi32, #tpu.memory_space<vmem>>)
        %dma_wait3A_277 = arith.constant 0 : i32
        %dma_wait3A_278 = tpu.memref_slice %arg5[%dma_wait3A_277] : memref<1000000xi32, #tpu.memory_space<hbm>> -> memref<128xi32, #tpu.memory_space<hbm>>
        %dma_wait3A_279 = arith.constant 0 : i32
        %dma_wait3A_280 = tpu.memref_slice %arg5[%dma_wait3A_279] : memref<1000000xi32, #tpu.memory_space<hbm>> -> memref<128xi32, #tpu.memory_space<hbm>>
        tpu.wait_dma2 semaphore(%arg24 : memref<!tpu.dma_semaphore, #tpu.memory_space<semaphore_mem>>) src(%dma_wait3A_280 : memref<128xi32, #tpu.memory_space<hbm>>) dst(%arg13 : memref<128xi32, #tpu.memory_space<vmem>>)
        %dma_wait3A_281 = arith.constant 0 : i32
        %dma_wait3A_282 = tpu.memref_slice %arg6[%dma_wait3A_281] : memref<1000000xi32, #tpu.memory_space<hbm>> -> memref<128xi32, #tpu.memory_space<hbm>>
        %dma_wait3A_283 = arith.constant 0 : i32
        %dma_wait3A_284 = tpu.memref_slice %arg6[%dma_wait3A_283] : memref<1000000xi32, #tpu.memory_space<hbm>> -> memref<128xi32, #tpu.memory_space<hbm>>
        tpu.wait_dma2 semaphore(%arg24 : memref<!tpu.dma_semaphore, #tpu.memory_space<semaphore_mem>>) src(%dma_wait3A_284 : memref<128xi32, #tpu.memory_space<hbm>>) dst(%arg16 : memref<128xi32, #tpu.memory_space<vmem>>)
        %dma_start3A_285 = arith.constant 0 : i32
        %dma_start3A_286 = tpu.memref_slice %arg2[%dma_start3A_285] : memref<1486848xf32, #tpu.memory_space<hbm>> -> memref<1486848xf32, #tpu.memory_space<hbm>>
        tpu.enqueue_indirect_dma source(%dma_start3A_286 : memref<1486848xf32, #tpu.memory_space<hbm>>) target(%arg20 : memref<128xf32, #tpu.memory_space<vmem>>) offsets(%arg10 : memref<128xi32, #tpu.memory_space<vmem>>) semaphore(%arg28 : memref<!tpu.dma_semaphore, #tpu.memory_space<semaphore_mem>>)
        %dma_start3A_287 = arith.constant 0 : i32
        %dma_start3A_288 = arith.constant 0 : i32
        %dma_start3A_289 = tpu.memref_slice %arg3[%dma_start3A_287, %dma_start3A_288] : memref<16896x80xf32, #tpu.memory_space<hbm>> -> memref<16896x80xf32, #tpu.memory_space<hbm>>
        tpu.enqueue_indirect_dma source(%dma_start3A_289 : memref<16896x80xf32, #tpu.memory_space<hbm>>) target(%arg22 : memref<128x80xf32, #tpu.memory_space<vmem>>) offsets(%arg13 : memref<128xi32, #tpu.memory_space<vmem>>) semaphore(%arg30 : memref<!tpu.dma_semaphore, #tpu.memory_space<semaphore_mem>>)
        %dma_wait3A_290 = arith.constant 0 : i32
        %dma_wait3A_291 = tpu.memref_slice %arg2[%dma_wait3A_290] : memref<1486848xf32, #tpu.memory_space<hbm>> -> memref<1486848xf32, #tpu.memory_space<hbm>>
        tpu.wait_indirect_dma semaphore(%arg27 : memref<!tpu.dma_semaphore, #tpu.memory_space<semaphore_mem>>) src(%dma_wait3A_291 : memref<1486848xf32, #tpu.memory_space<hbm>>) dst(%arg19 : memref<128xf32, #tpu.memory_space<vmem>>)
        %dma_wait3A_292 = arith.constant 0 : i32
        %dma_wait3A_293 = arith.constant 0 : i32
        %dma_wait3A_294 = tpu.memref_slice %arg3[%dma_wait3A_292, %dma_wait3A_293] : memref<16896x80xf32, #tpu.memory_space<hbm>> -> memref<16896x80xf32, #tpu.memory_space<hbm>>
        tpu.wait_indirect_dma semaphore(%arg29 : memref<!tpu.dma_semaphore, #tpu.memory_space<semaphore_mem>>) src(%dma_wait3A_294 : memref<16896x80xf32, #tpu.memory_space<hbm>>) dst(%arg21 : memref<128x80xf32, #tpu.memory_space<vmem>>)
        %mul3A_295 = arith.constant 128 : i32
        %mul3A_296 = arith.muli %add3A_259, %mul3A_295 : i32
        %add3A_297 = arith.addi %mul3A_35, %mul3A_296 : i32
        %min3A_298 = arith.constant 999872 : i32
        %min3A_299 = arith.minsi %add3A_297, %min3A_298 : i32
        %scan3A_300 = arith.constant 0 : i32
        %scan3A_301 = arith.constant 0 : i32
        %scan3A_302 = arith.constant 8 : i32
        %scan3A_303 = arith.addi %scan3A_301, %scan3A_302 : i32
        %scan3A_304 = arith.constant 1 : i32
        %scan3A_305 = scf.for %scan3A_455 = %scan3A_301 to %scan3A_303 step %scan3A_304 iter_args(%scan3A_456 = %scan3A_300) -> (i32)  : i32 {
          %mul3A_457 = arith.constant 16 : i32
          %mul3A_458 = arith.muli %scan3A_455, %mul3A_457 : i32
          %iota3A = tpu.iota {dimensions = array<i32: 0>} : vector<16xi32>
          %get3A_459 = arith.index_cast %mul3A_458 : i32 to index
          %get3A_460 = tpu.vector_load %arg18[%get3A_459] {strides = array<i32>} : memref<128xi32, #tpu.memory_space<vmem>>, vector<16xi32>,
          %get3A_461 = arith.index_cast %mul3A_458 : i32 to index
          %get3A_462 = tpu.vector_load %arg19[%get3A_461] {strides = array<i32>} : memref<128xf32, #tpu.memory_space<vmem>>, vector<16xf32>,
          %add3A_463 = arith.addi %min3A_299, %mul3A_458 : i32
          %add3A_464 = vector.broadcast %add3A_463 : i32 to vector<16xi32>
          %add3A_465 = arith.addi %add3A_464, %iota3A : vector<16xi32>
          %lt3A = vector.broadcast %squeeze3A_17 : i32 to vector<16xi32>
          %lt3A_466 = arith.cmpi slt, %add3A_465, %lt3A : vector<16xi32>
          %ge3A = vector.broadcast %add3A_297 : i32 to vector<16xi32>
          %ge3A_467 = arith.cmpi sge, %add3A_465, %ge3A : vector<16xi32>
          %and3A_468 = arith.andi %lt3A_466, %ge3A_467 : vector<16xi1>
          %ge3A_469 = vector.broadcast %mul3A_14 : i32 to vector<16xi32>
          %ge3A_470 = arith.cmpi sge, %get3A_460, %ge3A_469 : vector<16xi32>
          %and3A_471 = arith.andi %and3A_468, %ge3A_470 : vector<16xi1>
          %select_n3A_472 = arith.select %and3A_471, %get3A_462, %broadcast_in_dim3A_1 : vector<16xi1>, vector<16xf32>
          %sub3A_473 = vector.broadcast %mul3A_14 : i32 to vector<16xi32>
          %sub3A_474 = arith.subi %get3A_460, %sub3A_473 : vector<16xi32>
          %jit3A_475 = arith.constant 0 : i32
          %jit3A_476 = arith.constant 1023 : i32
          %max3A = vector.broadcast %jit3A_475 : i32 to vector<16xi32>
          %max3A_477 = arith.maxsi %max3A, %sub3A_474 : vector<16xi32>
          %min3A_478 = vector.broadcast %jit3A_476 : i32 to vector<16xi32>
          %min3A_479 = arith.minsi %min3A_478, %max3A_477 : vector<16xi32>
          %add3A_480 = vector.broadcast %mul3A_458 : i32 to vector<16xi32>
          %add3A_481 = arith.addi %add3A_480, %iota3A : vector<16xi32>
          %mul3A_482 = arith.constant 80 : i32
          %mul3A_483 = vector.broadcast %mul3A_482 : i32 to vector<16xi32>
          %mul3A_484 = arith.muli %min3A_479, %mul3A_483 : vector<16xi32>
          %parallel_loop3A_485 = arith.constant 0 : i32
          %parallel_loop3A_486 = arith.constant 80 : i32
          %parallel_loop3A_487 = arith.constant 1 : i32
          scf.for %parallel_loop3A_489 = %parallel_loop3A_485 to %parallel_loop3A_486 step %parallel_loop3A_487  : i32 {
            %parallel_loop3A_490 = arith.constant 15 : i32
            %parallel_loop3A_491 = arith.andi %parallel_loop3A_489, %parallel_loop3A_490 : i32
            %parallel_loop3A_492 = arith.subi %parallel_loop3A_489, %parallel_loop3A_491 : i32
            %parallel_loop3A_493 = vector.broadcast %parallel_loop3A_489 : i32 to vector<16xi32>
            %parallel_loop3A_494 = arith.addi %iota3A, %parallel_loop3A_493 : vector<16xi32>
            %parallel_loop3A_495 = arith.constant 15 : i32
            %parallel_loop3A_496 = vector.broadcast %parallel_loop3A_495 : i32 to vector<16xi32>
            %parallel_loop3A_497 = arith.andi %parallel_loop3A_494, %parallel_loop3A_496 : vector<16xi32>
            %parallel_loop3A_498 = vector.broadcast %parallel_loop3A_492 : i32 to vector<16xi32>
            %parallel_loop3A_499 = arith.addi %parallel_loop3A_497, %parallel_loop3A_498 : vector<16xi32>
            %parallel_loop3A_500 = tpu.vector_load_idx %arg21[%add3A_481, %parallel_loop3A_499] : memref<128x80xf32, #tpu.memory_space<vmem>>[vector<16xi32>, vector<16xi32>], vector<16xf32>,
            %parallel_loop3A_501 = arith.mulf %select_n3A_472, %parallel_loop3A_500 : vector<16xf32>
            %parallel_loop3A_502 = arith.addi %mul3A_484, %parallel_loop3A_499 : vector<16xi32>
            tpu.vector_store_idx %arg23[%parallel_loop3A_502], %parallel_loop3A_501 {add = true} : memref<81920xf32, #tpu.memory_space<vmem>>[vector<16xi32>], vector<16xf32>,
          } {sc.loop_unroll_factor = 8 : i64, sc.parallel_access}
          %scan3A_488 = arith.constant 0 : i32
          scf.yield %scan3A_488 : i32
        }
        %scan3A_306 = arith.constant 8 : i32
        %add3A_307 = arith.constant 3 : i32
        %add3A_308 = arith.addi %mul3A_159, %add3A_307 : i32
        %add3A_309 = arith.constant 2 : i32
        %add3A_310 = arith.addi %add3A_308, %add3A_309 : i32
        %mul3A_311 = arith.constant 128 : i32
        %mul3A_312 = arith.muli %add3A_310, %mul3A_311 : i32
        %add3A_313 = arith.addi %mul3A_35, %mul3A_312 : i32
        %min3A_314 = arith.constant 999872 : i32
        %min3A_315 = arith.minsi %add3A_313, %min3A_314 : i32
        %dma_start3A_316 = tpu.memref_slice %arg4[%min3A_315] : memref<1000000xi32, #tpu.memory_space<hbm>> -> memref<128xi32, #tpu.memory_space<hbm>>
        %dma_start3A_317 = tpu.memref_slice %arg4[%min3A_315] : memref<1000000xi32, #tpu.memory_space<hbm>> -> memref<128xi32, #tpu.memory_space<hbm>>
        tpu.enqueue_dma source(%dma_start3A_317 : memref<128xi32, #tpu.memory_space<hbm>>) target(%arg12 : memref<128xi32, #tpu.memory_space<vmem>>) target_semaphore(%arg26 : memref<!tpu.dma_semaphore, #tpu.memory_space<semaphore_mem>>)
        %dma_start3A_318 = tpu.memref_slice %arg5[%min3A_315] : memref<1000000xi32, #tpu.memory_space<hbm>> -> memref<128xi32, #tpu.memory_space<hbm>>
        %dma_start3A_319 = tpu.memref_slice %arg5[%min3A_315] : memref<1000000xi32, #tpu.memory_space<hbm>> -> memref<128xi32, #tpu.memory_space<hbm>>
        tpu.enqueue_dma source(%dma_start3A_319 : memref<128xi32, #tpu.memory_space<hbm>>) target(%arg15 : memref<128xi32, #tpu.memory_space<vmem>>) target_semaphore(%arg26 : memref<!tpu.dma_semaphore, #tpu.memory_space<semaphore_mem>>)
        %dma_start3A_320 = tpu.memref_slice %arg6[%min3A_315] : memref<1000000xi32, #tpu.memory_space<hbm>> -> memref<128xi32, #tpu.memory_space<hbm>>
        %dma_start3A_321 = tpu.memref_slice %arg6[%min3A_315] : memref<1000000xi32, #tpu.memory_space<hbm>> -> memref<128xi32, #tpu.memory_space<hbm>>
        tpu.enqueue_dma source(%dma_start3A_321 : memref<128xi32, #tpu.memory_space<hbm>>) target(%arg18 : memref<128xi32, #tpu.memory_space<vmem>>) target_semaphore(%arg26 : memref<!tpu.dma_semaphore, #tpu.memory_space<semaphore_mem>>)
        %dma_wait3A_322 = arith.constant 0 : i32
        %dma_wait3A_323 = tpu.memref_slice %arg4[%dma_wait3A_322] : memref<1000000xi32, #tpu.memory_space<hbm>> -> memref<128xi32, #tpu.memory_space<hbm>>
        %dma_wait3A_324 = arith.constant 0 : i32
        %dma_wait3A_325 = tpu.memref_slice %arg4[%dma_wait3A_324] : memref<1000000xi32, #tpu.memory_space<hbm>> -> memref<128xi32, #tpu.memory_space<hbm>>
        tpu.wait_dma2 semaphore(%arg25 : memref<!tpu.dma_semaphore, #tpu.memory_space<semaphore_mem>>) src(%dma_wait3A_325 : memref<128xi32, #tpu.memory_space<hbm>>) dst(%arg11 : memref<128xi32, #tpu.memory_space<vmem>>)
        %dma_wait3A_326 = arith.constant 0 : i32
        %dma_wait3A_327 = tpu.memref_slice %arg5[%dma_wait3A_326] : memref<1000000xi32, #tpu.memory_space<hbm>> -> memref<128xi32, #tpu.memory_space<hbm>>
        %dma_wait3A_328 = arith.constant 0 : i32
        %dma_wait3A_329 = tpu.memref_slice %arg5[%dma_wait3A_328] : memref<1000000xi32, #tpu.memory_space<hbm>> -> memref<128xi32, #tpu.memory_space<hbm>>
        tpu.wait_dma2 semaphore(%arg25 : memref<!tpu.dma_semaphore, #tpu.memory_space<semaphore_mem>>) src(%dma_wait3A_329 : memref<128xi32, #tpu.memory_space<hbm>>) dst(%arg14 : memref<128xi32, #tpu.memory_space<vmem>>)
        %dma_wait3A_330 = arith.constant 0 : i32
        %dma_wait3A_331 = tpu.memref_slice %arg6[%dma_wait3A_330] : memref<1000000xi32, #tpu.memory_space<hbm>> -> memref<128xi32, #tpu.memory_space<hbm>>
        %dma_wait3A_332 = arith.constant 0 : i32
        %dma_wait3A_333 = tpu.memref_slice %arg6[%dma_wait3A_332] : memref<1000000xi32, #tpu.memory_space<hbm>> -> memref<128xi32, #tpu.memory_space<hbm>>
        tpu.wait_dma2 semaphore(%arg25 : memref<!tpu.dma_semaphore, #tpu.memory_space<semaphore_mem>>) src(%dma_wait3A_333 : memref<128xi32, #tpu.memory_space<hbm>>) dst(%arg17 : memref<128xi32, #tpu.memory_space<vmem>>)
        %dma_start3A_334 = arith.constant 0 : i32
        %dma_start3A_335 = tpu.memref_slice %arg2[%dma_start3A_334] : memref<1486848xf32, #tpu.memory_space<hbm>> -> memref<1486848xf32, #tpu.memory_space<hbm>>
        tpu.enqueue_indirect_dma source(%dma_start3A_335 : memref<1486848xf32, #tpu.memory_space<hbm>>) target(%arg19 : memref<128xf32, #tpu.memory_space<vmem>>) offsets(%arg11 : memref<128xi32, #tpu.memory_space<vmem>>) semaphore(%arg27 : memref<!tpu.dma_semaphore, #tpu.memory_space<semaphore_mem>>)
        %dma_start3A_336 = arith.constant 0 : i32
        %dma_start3A_337 = arith.constant 0 : i32
        %dma_start3A_338 = tpu.memref_slice %arg3[%dma_start3A_336, %dma_start3A_337] : memref<16896x80xf32, #tpu.memory_space<hbm>> -> memref<16896x80xf32, #tpu.memory_space<hbm>>
        tpu.enqueue_indirect_dma source(%dma_start3A_338 : memref<16896x80xf32, #tpu.memory_space<hbm>>) target(%arg21 : memref<128x80xf32, #tpu.memory_space<vmem>>) offsets(%arg14 : memref<128xi32, #tpu.memory_space<vmem>>) semaphore(%arg29 : memref<!tpu.dma_semaphore, #tpu.memory_space<semaphore_mem>>)
        %dma_wait3A_339 = arith.constant 0 : i32
        %dma_wait3A_340 = tpu.memref_slice %arg2[%dma_wait3A_339] : memref<1486848xf32, #tpu.memory_space<hbm>> -> memref<1486848xf32, #tpu.memory_space<hbm>>
        tpu.wait_indirect_dma semaphore(%arg28 : memref<!tpu.dma_semaphore, #tpu.memory_space<semaphore_mem>>) src(%dma_wait3A_340 : memref<1486848xf32, #tpu.memory_space<hbm>>) dst(%arg20 : memref<128xf32, #tpu.memory_space<vmem>>)
        %dma_wait3A_341 = arith.constant 0 : i32
        %dma_wait3A_342 = arith.constant 0 : i32
        %dma_wait3A_343 = tpu.memref_slice %arg3[%dma_wait3A_341, %dma_wait3A_342] : memref<16896x80xf32, #tpu.memory_space<hbm>> -> memref<16896x80xf32, #tpu.memory_space<hbm>>
        tpu.wait_indirect_dma semaphore(%arg30 : memref<!tpu.dma_semaphore, #tpu.memory_space<semaphore_mem>>) src(%dma_wait3A_343 : memref<16896x80xf32, #tpu.memory_space<hbm>>) dst(%arg22 : memref<128x80xf32, #tpu.memory_space<vmem>>)
        %mul3A_344 = arith.constant 128 : i32
        %mul3A_345 = arith.muli %add3A_308, %mul3A_344 : i32
        %add3A_346 = arith.addi %mul3A_35, %mul3A_345 : i32
        %min3A_347 = arith.constant 999872 : i32
        %min3A_348 = arith.minsi %add3A_346, %min3A_347 : i32
        %scan3A_349 = arith.constant 0 : i32
        %scan3A_350 = arith.constant 0 : i32
        %scan3A_351 = arith.constant 8 : i32
        %scan3A_352 = arith.addi %scan3A_350, %scan3A_351 : i32
        %scan3A_353 = arith.constant 1 : i32
        %scan3A_354 = scf.for %scan3A_455 = %scan3A_350 to %scan3A_352 step %scan3A_353 iter_args(%scan3A_456 = %scan3A_349) -> (i32)  : i32 {
          %mul3A_457 = arith.constant 16 : i32
          %mul3A_458 = arith.muli %scan3A_455, %mul3A_457 : i32
          %iota3A = tpu.iota {dimensions = array<i32: 0>} : vector<16xi32>
          %get3A_459 = arith.index_cast %mul3A_458 : i32 to index
          %get3A_460 = tpu.vector_load %arg16[%get3A_459] {strides = array<i32>} : memref<128xi32, #tpu.memory_space<vmem>>, vector<16xi32>,
          %get3A_461 = arith.index_cast %mul3A_458 : i32 to index
          %get3A_462 = tpu.vector_load %arg20[%get3A_461] {strides = array<i32>} : memref<128xf32, #tpu.memory_space<vmem>>, vector<16xf32>,
          %add3A_463 = arith.addi %min3A_348, %mul3A_458 : i32
          %add3A_464 = vector.broadcast %add3A_463 : i32 to vector<16xi32>
          %add3A_465 = arith.addi %add3A_464, %iota3A : vector<16xi32>
          %lt3A = vector.broadcast %squeeze3A_17 : i32 to vector<16xi32>
          %lt3A_466 = arith.cmpi slt, %add3A_465, %lt3A : vector<16xi32>
          %ge3A = vector.broadcast %add3A_346 : i32 to vector<16xi32>
          %ge3A_467 = arith.cmpi sge, %add3A_465, %ge3A : vector<16xi32>
          %and3A_468 = arith.andi %lt3A_466, %ge3A_467 : vector<16xi1>
          %ge3A_469 = vector.broadcast %mul3A_14 : i32 to vector<16xi32>
          %ge3A_470 = arith.cmpi sge, %get3A_460, %ge3A_469 : vector<16xi32>
          %and3A_471 = arith.andi %and3A_468, %ge3A_470 : vector<16xi1>
          %select_n3A_472 = arith.select %and3A_471, %get3A_462, %broadcast_in_dim3A_1 : vector<16xi1>, vector<16xf32>
          %sub3A_473 = vector.broadcast %mul3A_14 : i32 to vector<16xi32>
          %sub3A_474 = arith.subi %get3A_460, %sub3A_473 : vector<16xi32>
          %jit3A_475 = arith.constant 0 : i32
          %jit3A_476 = arith.constant 1023 : i32
          %max3A = vector.broadcast %jit3A_475 : i32 to vector<16xi32>
          %max3A_477 = arith.maxsi %max3A, %sub3A_474 : vector<16xi32>
          %min3A_478 = vector.broadcast %jit3A_476 : i32 to vector<16xi32>
          %min3A_479 = arith.minsi %min3A_478, %max3A_477 : vector<16xi32>
          %add3A_480 = vector.broadcast %mul3A_458 : i32 to vector<16xi32>
          %add3A_481 = arith.addi %add3A_480, %iota3A : vector<16xi32>
          %mul3A_482 = arith.constant 80 : i32
          %mul3A_483 = vector.broadcast %mul3A_482 : i32 to vector<16xi32>
          %mul3A_484 = arith.muli %min3A_479, %mul3A_483 : vector<16xi32>
          %parallel_loop3A_485 = arith.constant 0 : i32
          %parallel_loop3A_486 = arith.constant 80 : i32
          %parallel_loop3A_487 = arith.constant 1 : i32
          scf.for %parallel_loop3A_489 = %parallel_loop3A_485 to %parallel_loop3A_486 step %parallel_loop3A_487  : i32 {
            %parallel_loop3A_490 = arith.constant 15 : i32
            %parallel_loop3A_491 = arith.andi %parallel_loop3A_489, %parallel_loop3A_490 : i32
            %parallel_loop3A_492 = arith.subi %parallel_loop3A_489, %parallel_loop3A_491 : i32
            %parallel_loop3A_493 = vector.broadcast %parallel_loop3A_489 : i32 to vector<16xi32>
            %parallel_loop3A_494 = arith.addi %iota3A, %parallel_loop3A_493 : vector<16xi32>
            %parallel_loop3A_495 = arith.constant 15 : i32
            %parallel_loop3A_496 = vector.broadcast %parallel_loop3A_495 : i32 to vector<16xi32>
            %parallel_loop3A_497 = arith.andi %parallel_loop3A_494, %parallel_loop3A_496 : vector<16xi32>
            %parallel_loop3A_498 = vector.broadcast %parallel_loop3A_492 : i32 to vector<16xi32>
            %parallel_loop3A_499 = arith.addi %parallel_loop3A_497, %parallel_loop3A_498 : vector<16xi32>
            %parallel_loop3A_500 = tpu.vector_load_idx %arg22[%add3A_481, %parallel_loop3A_499] : memref<128x80xf32, #tpu.memory_space<vmem>>[vector<16xi32>, vector<16xi32>], vector<16xf32>,
            %parallel_loop3A_501 = arith.mulf %select_n3A_472, %parallel_loop3A_500 : vector<16xf32>
            %parallel_loop3A_502 = arith.addi %mul3A_484, %parallel_loop3A_499 : vector<16xi32>
            tpu.vector_store_idx %arg23[%parallel_loop3A_502], %parallel_loop3A_501 {add = true} : memref<81920xf32, #tpu.memory_space<vmem>>[vector<16xi32>], vector<16xf32>,
          } {sc.loop_unroll_factor = 8 : i64, sc.parallel_access}
          %scan3A_488 = arith.constant 0 : i32
          scf.yield %scan3A_488 : i32
        }
        %scan3A_355 = arith.constant 8 : i32
        %add3A_356 = arith.constant 4 : i32
        %add3A_357 = arith.addi %mul3A_159, %add3A_356 : i32
        %add3A_358 = arith.constant 2 : i32
        %add3A_359 = arith.addi %add3A_357, %add3A_358 : i32
        %mul3A_360 = arith.constant 128 : i32
        %mul3A_361 = arith.muli %add3A_359, %mul3A_360 : i32
        %add3A_362 = arith.addi %mul3A_35, %mul3A_361 : i32
        %min3A_363 = arith.constant 999872 : i32
        %min3A_364 = arith.minsi %add3A_362, %min3A_363 : i32
        %dma_start3A_365 = tpu.memref_slice %arg4[%min3A_364] : memref<1000000xi32, #tpu.memory_space<hbm>> -> memref<128xi32, #tpu.memory_space<hbm>>
        %dma_start3A_366 = tpu.memref_slice %arg4[%min3A_364] : memref<1000000xi32, #tpu.memory_space<hbm>> -> memref<128xi32, #tpu.memory_space<hbm>>
        tpu.enqueue_dma source(%dma_start3A_366 : memref<128xi32, #tpu.memory_space<hbm>>) target(%arg10 : memref<128xi32, #tpu.memory_space<vmem>>) target_semaphore(%arg24 : memref<!tpu.dma_semaphore, #tpu.memory_space<semaphore_mem>>)
        %dma_start3A_367 = tpu.memref_slice %arg5[%min3A_364] : memref<1000000xi32, #tpu.memory_space<hbm>> -> memref<128xi32, #tpu.memory_space<hbm>>
        %dma_start3A_368 = tpu.memref_slice %arg5[%min3A_364] : memref<1000000xi32, #tpu.memory_space<hbm>> -> memref<128xi32, #tpu.memory_space<hbm>>
        tpu.enqueue_dma source(%dma_start3A_368 : memref<128xi32, #tpu.memory_space<hbm>>) target(%arg13 : memref<128xi32, #tpu.memory_space<vmem>>) target_semaphore(%arg24 : memref<!tpu.dma_semaphore, #tpu.memory_space<semaphore_mem>>)
        %dma_start3A_369 = tpu.memref_slice %arg6[%min3A_364] : memref<1000000xi32, #tpu.memory_space<hbm>> -> memref<128xi32, #tpu.memory_space<hbm>>
        %dma_start3A_370 = tpu.memref_slice %arg6[%min3A_364] : memref<1000000xi32, #tpu.memory_space<hbm>> -> memref<128xi32, #tpu.memory_space<hbm>>
        tpu.enqueue_dma source(%dma_start3A_370 : memref<128xi32, #tpu.memory_space<hbm>>) target(%arg16 : memref<128xi32, #tpu.memory_space<vmem>>) target_semaphore(%arg24 : memref<!tpu.dma_semaphore, #tpu.memory_space<semaphore_mem>>)
        %dma_wait3A_371 = arith.constant 0 : i32
        %dma_wait3A_372 = tpu.memref_slice %arg4[%dma_wait3A_371] : memref<1000000xi32, #tpu.memory_space<hbm>> -> memref<128xi32, #tpu.memory_space<hbm>>
        %dma_wait3A_373 = arith.constant 0 : i32
        %dma_wait3A_374 = tpu.memref_slice %arg4[%dma_wait3A_373] : memref<1000000xi32, #tpu.memory_space<hbm>> -> memref<128xi32, #tpu.memory_space<hbm>>
        tpu.wait_dma2 semaphore(%arg26 : memref<!tpu.dma_semaphore, #tpu.memory_space<semaphore_mem>>) src(%dma_wait3A_374 : memref<128xi32, #tpu.memory_space<hbm>>) dst(%arg12 : memref<128xi32, #tpu.memory_space<vmem>>)
        %dma_wait3A_375 = arith.constant 0 : i32
        %dma_wait3A_376 = tpu.memref_slice %arg5[%dma_wait3A_375] : memref<1000000xi32, #tpu.memory_space<hbm>> -> memref<128xi32, #tpu.memory_space<hbm>>
        %dma_wait3A_377 = arith.constant 0 : i32
        %dma_wait3A_378 = tpu.memref_slice %arg5[%dma_wait3A_377] : memref<1000000xi32, #tpu.memory_space<hbm>> -> memref<128xi32, #tpu.memory_space<hbm>>
        tpu.wait_dma2 semaphore(%arg26 : memref<!tpu.dma_semaphore, #tpu.memory_space<semaphore_mem>>) src(%dma_wait3A_378 : memref<128xi32, #tpu.memory_space<hbm>>) dst(%arg15 : memref<128xi32, #tpu.memory_space<vmem>>)
        %dma_wait3A_379 = arith.constant 0 : i32
        %dma_wait3A_380 = tpu.memref_slice %arg6[%dma_wait3A_379] : memref<1000000xi32, #tpu.memory_space<hbm>> -> memref<128xi32, #tpu.memory_space<hbm>>
        %dma_wait3A_381 = arith.constant 0 : i32
        %dma_wait3A_382 = tpu.memref_slice %arg6[%dma_wait3A_381] : memref<1000000xi32, #tpu.memory_space<hbm>> -> memref<128xi32, #tpu.memory_space<hbm>>
        tpu.wait_dma2 semaphore(%arg26 : memref<!tpu.dma_semaphore, #tpu.memory_space<semaphore_mem>>) src(%dma_wait3A_382 : memref<128xi32, #tpu.memory_space<hbm>>) dst(%arg18 : memref<128xi32, #tpu.memory_space<vmem>>)
        %dma_start3A_383 = arith.constant 0 : i32
        %dma_start3A_384 = tpu.memref_slice %arg2[%dma_start3A_383] : memref<1486848xf32, #tpu.memory_space<hbm>> -> memref<1486848xf32, #tpu.memory_space<hbm>>
        tpu.enqueue_indirect_dma source(%dma_start3A_384 : memref<1486848xf32, #tpu.memory_space<hbm>>) target(%arg20 : memref<128xf32, #tpu.memory_space<vmem>>) offsets(%arg12 : memref<128xi32, #tpu.memory_space<vmem>>) semaphore(%arg28 : memref<!tpu.dma_semaphore, #tpu.memory_space<semaphore_mem>>)
        %dma_start3A_385 = arith.constant 0 : i32
        %dma_start3A_386 = arith.constant 0 : i32
        %dma_start3A_387 = tpu.memref_slice %arg3[%dma_start3A_385, %dma_start3A_386] : memref<16896x80xf32, #tpu.memory_space<hbm>> -> memref<16896x80xf32, #tpu.memory_space<hbm>>
        tpu.enqueue_indirect_dma source(%dma_start3A_387 : memref<16896x80xf32, #tpu.memory_space<hbm>>) target(%arg22 : memref<128x80xf32, #tpu.memory_space<vmem>>) offsets(%arg15 : memref<128xi32, #tpu.memory_space<vmem>>) semaphore(%arg30 : memref<!tpu.dma_semaphore, #tpu.memory_space<semaphore_mem>>)
        %dma_wait3A_388 = arith.constant 0 : i32
        %dma_wait3A_389 = tpu.memref_slice %arg2[%dma_wait3A_388] : memref<1486848xf32, #tpu.memory_space<hbm>> -> memref<1486848xf32, #tpu.memory_space<hbm>>
        tpu.wait_indirect_dma semaphore(%arg27 : memref<!tpu.dma_semaphore, #tpu.memory_space<semaphore_mem>>) src(%dma_wait3A_389 : memref<1486848xf32, #tpu.memory_space<hbm>>) dst(%arg19 : memref<128xf32, #tpu.memory_space<vmem>>)
        %dma_wait3A_390 = arith.constant 0 : i32
        %dma_wait3A_391 = arith.constant 0 : i32
        %dma_wait3A_392 = tpu.memref_slice %arg3[%dma_wait3A_390, %dma_wait3A_391] : memref<16896x80xf32, #tpu.memory_space<hbm>> -> memref<16896x80xf32, #tpu.memory_space<hbm>>
        tpu.wait_indirect_dma semaphore(%arg29 : memref<!tpu.dma_semaphore, #tpu.memory_space<semaphore_mem>>) src(%dma_wait3A_392 : memref<16896x80xf32, #tpu.memory_space<hbm>>) dst(%arg21 : memref<128x80xf32, #tpu.memory_space<vmem>>)
        %mul3A_393 = arith.constant 128 : i32
        %mul3A_394 = arith.muli %add3A_357, %mul3A_393 : i32
        %add3A_395 = arith.addi %mul3A_35, %mul3A_394 : i32
        %min3A_396 = arith.constant 999872 : i32
        %min3A_397 = arith.minsi %add3A_395, %min3A_396 : i32
        %scan3A_398 = arith.constant 0 : i32
        %scan3A_399 = arith.constant 0 : i32
        %scan3A_400 = arith.constant 8 : i32
        %scan3A_401 = arith.addi %scan3A_399, %scan3A_400 : i32
        %scan3A_402 = arith.constant 1 : i32
        %scan3A_403 = scf.for %scan3A_455 = %scan3A_399 to %scan3A_401 step %scan3A_402 iter_args(%scan3A_456 = %scan3A_398) -> (i32)  : i32 {
          %mul3A_457 = arith.constant 16 : i32
          %mul3A_458 = arith.muli %scan3A_455, %mul3A_457 : i32
          %iota3A = tpu.iota {dimensions = array<i32: 0>} : vector<16xi32>
          %get3A_459 = arith.index_cast %mul3A_458 : i32 to index
          %get3A_460 = tpu.vector_load %arg17[%get3A_459] {strides = array<i32>} : memref<128xi32, #tpu.memory_space<vmem>>, vector<16xi32>,
          %get3A_461 = arith.index_cast %mul3A_458 : i32 to index
          %get3A_462 = tpu.vector_load %arg19[%get3A_461] {strides = array<i32>} : memref<128xf32, #tpu.memory_space<vmem>>, vector<16xf32>,
          %add3A_463 = arith.addi %min3A_397, %mul3A_458 : i32
          %add3A_464 = vector.broadcast %add3A_463 : i32 to vector<16xi32>
          %add3A_465 = arith.addi %add3A_464, %iota3A : vector<16xi32>
          %lt3A = vector.broadcast %squeeze3A_17 : i32 to vector<16xi32>
          %lt3A_466 = arith.cmpi slt, %add3A_465, %lt3A : vector<16xi32>
          %ge3A = vector.broadcast %add3A_395 : i32 to vector<16xi32>
          %ge3A_467 = arith.cmpi sge, %add3A_465, %ge3A : vector<16xi32>
          %and3A_468 = arith.andi %lt3A_466, %ge3A_467 : vector<16xi1>
          %ge3A_469 = vector.broadcast %mul3A_14 : i32 to vector<16xi32>
          %ge3A_470 = arith.cmpi sge, %get3A_460, %ge3A_469 : vector<16xi32>
          %and3A_471 = arith.andi %and3A_468, %ge3A_470 : vector<16xi1>
          %select_n3A_472 = arith.select %and3A_471, %get3A_462, %broadcast_in_dim3A_1 : vector<16xi1>, vector<16xf32>
          %sub3A_473 = vector.broadcast %mul3A_14 : i32 to vector<16xi32>
          %sub3A_474 = arith.subi %get3A_460, %sub3A_473 : vector<16xi32>
          %jit3A_475 = arith.constant 0 : i32
          %jit3A_476 = arith.constant 1023 : i32
          %max3A = vector.broadcast %jit3A_475 : i32 to vector<16xi32>
          %max3A_477 = arith.maxsi %max3A, %sub3A_474 : vector<16xi32>
          %min3A_478 = vector.broadcast %jit3A_476 : i32 to vector<16xi32>
          %min3A_479 = arith.minsi %min3A_478, %max3A_477 : vector<16xi32>
          %add3A_480 = vector.broadcast %mul3A_458 : i32 to vector<16xi32>
          %add3A_481 = arith.addi %add3A_480, %iota3A : vector<16xi32>
          %mul3A_482 = arith.constant 80 : i32
          %mul3A_483 = vector.broadcast %mul3A_482 : i32 to vector<16xi32>
          %mul3A_484 = arith.muli %min3A_479, %mul3A_483 : vector<16xi32>
          %parallel_loop3A_485 = arith.constant 0 : i32
          %parallel_loop3A_486 = arith.constant 80 : i32
          %parallel_loop3A_487 = arith.constant 1 : i32
          scf.for %parallel_loop3A_489 = %parallel_loop3A_485 to %parallel_loop3A_486 step %parallel_loop3A_487  : i32 {
            %parallel_loop3A_490 = arith.constant 15 : i32
            %parallel_loop3A_491 = arith.andi %parallel_loop3A_489, %parallel_loop3A_490 : i32
            %parallel_loop3A_492 = arith.subi %parallel_loop3A_489, %parallel_loop3A_491 : i32
            %parallel_loop3A_493 = vector.broadcast %parallel_loop3A_489 : i32 to vector<16xi32>
            %parallel_loop3A_494 = arith.addi %iota3A, %parallel_loop3A_493 : vector<16xi32>
            %parallel_loop3A_495 = arith.constant 15 : i32
            %parallel_loop3A_496 = vector.broadcast %parallel_loop3A_495 : i32 to vector<16xi32>
            %parallel_loop3A_497 = arith.andi %parallel_loop3A_494, %parallel_loop3A_496 : vector<16xi32>
            %parallel_loop3A_498 = vector.broadcast %parallel_loop3A_492 : i32 to vector<16xi32>
            %parallel_loop3A_499 = arith.addi %parallel_loop3A_497, %parallel_loop3A_498 : vector<16xi32>
            %parallel_loop3A_500 = tpu.vector_load_idx %arg21[%add3A_481, %parallel_loop3A_499] : memref<128x80xf32, #tpu.memory_space<vmem>>[vector<16xi32>, vector<16xi32>], vector<16xf32>,
            %parallel_loop3A_501 = arith.mulf %select_n3A_472, %parallel_loop3A_500 : vector<16xf32>
            %parallel_loop3A_502 = arith.addi %mul3A_484, %parallel_loop3A_499 : vector<16xi32>
            tpu.vector_store_idx %arg23[%parallel_loop3A_502], %parallel_loop3A_501 {add = true} : memref<81920xf32, #tpu.memory_space<vmem>>[vector<16xi32>], vector<16xf32>,
          } {sc.loop_unroll_factor = 8 : i64, sc.parallel_access}
          %scan3A_488 = arith.constant 0 : i32
          scf.yield %scan3A_488 : i32
        }
        %scan3A_404 = arith.constant 8 : i32
        %add3A_405 = arith.constant 5 : i32
        %add3A_406 = arith.addi %mul3A_159, %add3A_405 : i32
        %add3A_407 = arith.constant 2 : i32
        %add3A_408 = arith.addi %add3A_406, %add3A_407 : i32
        %mul3A_409 = arith.constant 128 : i32
        %mul3A_410 = arith.muli %add3A_408, %mul3A_409 : i32
        %add3A_411 = arith.addi %mul3A_35, %mul3A_410 : i32
        %min3A_412 = arith.constant 999872 : i32
        %min3A_413 = arith.minsi %add3A_411, %min3A_412 : i32
        %dma_start3A_414 = tpu.memref_slice %arg4[%min3A_413] : memref<1000000xi32, #tpu.memory_space<hbm>> -> memref<128xi32, #tpu.memory_space<hbm>>
        %dma_start3A_415 = tpu.memref_slice %arg4[%min3A_413] : memref<1000000xi32, #tpu.memory_space<hbm>> -> memref<128xi32, #tpu.memory_space<hbm>>
        tpu.enqueue_dma source(%dma_start3A_415 : memref<128xi32, #tpu.memory_space<hbm>>) target(%arg11 : memref<128xi32, #tpu.memory_space<vmem>>) target_semaphore(%arg25 : memref<!tpu.dma_semaphore, #tpu.memory_space<semaphore_mem>>)
        %dma_start3A_416 = tpu.memref_slice %arg5[%min3A_413] : memref<1000000xi32, #tpu.memory_space<hbm>> -> memref<128xi32, #tpu.memory_space<hbm>>
        %dma_start3A_417 = tpu.memref_slice %arg5[%min3A_413] : memref<1000000xi32, #tpu.memory_space<hbm>> -> memref<128xi32, #tpu.memory_space<hbm>>
        tpu.enqueue_dma source(%dma_start3A_417 : memref<128xi32, #tpu.memory_space<hbm>>) target(%arg14 : memref<128xi32, #tpu.memory_space<vmem>>) target_semaphore(%arg25 : memref<!tpu.dma_semaphore, #tpu.memory_space<semaphore_mem>>)
        %dma_start3A_418 = tpu.memref_slice %arg6[%min3A_413] : memref<1000000xi32, #tpu.memory_space<hbm>> -> memref<128xi32, #tpu.memory_space<hbm>>
        %dma_start3A_419 = tpu.memref_slice %arg6[%min3A_413] : memref<1000000xi32, #tpu.memory_space<hbm>> -> memref<128xi32, #tpu.memory_space<hbm>>
        tpu.enqueue_dma source(%dma_start3A_419 : memref<128xi32, #tpu.memory_space<hbm>>) target(%arg17 : memref<128xi32, #tpu.memory_space<vmem>>) target_semaphore(%arg25 : memref<!tpu.dma_semaphore, #tpu.memory_space<semaphore_mem>>)
        %dma_wait3A_420 = arith.constant 0 : i32
        %dma_wait3A_421 = tpu.memref_slice %arg4[%dma_wait3A_420] : memref<1000000xi32, #tpu.memory_space<hbm>> -> memref<128xi32, #tpu.memory_space<hbm>>
        %dma_wait3A_422 = arith.constant 0 : i32
        %dma_wait3A_423 = tpu.memref_slice %arg4[%dma_wait3A_422] : memref<1000000xi32, #tpu.memory_space<hbm>> -> memref<128xi32, #tpu.memory_space<hbm>>
        tpu.wait_dma2 semaphore(%arg24 : memref<!tpu.dma_semaphore, #tpu.memory_space<semaphore_mem>>) src(%dma_wait3A_423 : memref<128xi32, #tpu.memory_space<hbm>>) dst(%arg10 : memref<128xi32, #tpu.memory_space<vmem>>)
        %dma_wait3A_424 = arith.constant 0 : i32
        %dma_wait3A_425 = tpu.memref_slice %arg5[%dma_wait3A_424] : memref<1000000xi32, #tpu.memory_space<hbm>> -> memref<128xi32, #tpu.memory_space<hbm>>
        %dma_wait3A_426 = arith.constant 0 : i32
        %dma_wait3A_427 = tpu.memref_slice %arg5[%dma_wait3A_426] : memref<1000000xi32, #tpu.memory_space<hbm>> -> memref<128xi32, #tpu.memory_space<hbm>>
        tpu.wait_dma2 semaphore(%arg24 : memref<!tpu.dma_semaphore, #tpu.memory_space<semaphore_mem>>) src(%dma_wait3A_427 : memref<128xi32, #tpu.memory_space<hbm>>) dst(%arg13 : memref<128xi32, #tpu.memory_space<vmem>>)
        %dma_wait3A_428 = arith.constant 0 : i32
        %dma_wait3A_429 = tpu.memref_slice %arg6[%dma_wait3A_428] : memref<1000000xi32, #tpu.memory_space<hbm>> -> memref<128xi32, #tpu.memory_space<hbm>>
        %dma_wait3A_430 = arith.constant 0 : i32
        %dma_wait3A_431 = tpu.memref_slice %arg6[%dma_wait3A_430] : memref<1000000xi32, #tpu.memory_space<hbm>> -> memref<128xi32, #tpu.memory_space<hbm>>
        tpu.wait_dma2 semaphore(%arg24 : memref<!tpu.dma_semaphore, #tpu.memory_space<semaphore_mem>>) src(%dma_wait3A_431 : memref<128xi32, #tpu.memory_space<hbm>>) dst(%arg16 : memref<128xi32, #tpu.memory_space<vmem>>)
        %dma_start3A_432 = arith.constant 0 : i32
        %dma_start3A_433 = tpu.memref_slice %arg2[%dma_start3A_432] : memref<1486848xf32, #tpu.memory_space<hbm>> -> memref<1486848xf32, #tpu.memory_space<hbm>>
        tpu.enqueue_indirect_dma source(%dma_start3A_433 : memref<1486848xf32, #tpu.memory_space<hbm>>) target(%arg19 : memref<128xf32, #tpu.memory_space<vmem>>) offsets(%arg10 : memref<128xi32, #tpu.memory_space<vmem>>) semaphore(%arg27 : memref<!tpu.dma_semaphore, #tpu.memory_space<semaphore_mem>>)
        %dma_start3A_434 = arith.constant 0 : i32
        %dma_start3A_435 = arith.constant 0 : i32
        %dma_start3A_436 = tpu.memref_slice %arg3[%dma_start3A_434, %dma_start3A_435] : memref<16896x80xf32, #tpu.memory_space<hbm>> -> memref<16896x80xf32, #tpu.memory_space<hbm>>
        tpu.enqueue_indirect_dma source(%dma_start3A_436 : memref<16896x80xf32, #tpu.memory_space<hbm>>) target(%arg21 : memref<128x80xf32, #tpu.memory_space<vmem>>) offsets(%arg13 : memref<128xi32, #tpu.memory_space<vmem>>) semaphore(%arg29 : memref<!tpu.dma_semaphore, #tpu.memory_space<semaphore_mem>>)
        %dma_wait3A_437 = arith.constant 0 : i32
        %dma_wait3A_438 = tpu.memref_slice %arg2[%dma_wait3A_437] : memref<1486848xf32, #tpu.memory_space<hbm>> -> memref<1486848xf32, #tpu.memory_space<hbm>>
        tpu.wait_indirect_dma semaphore(%arg28 : memref<!tpu.dma_semaphore, #tpu.memory_space<semaphore_mem>>) src(%dma_wait3A_438 : memref<1486848xf32, #tpu.memory_space<hbm>>) dst(%arg20 : memref<128xf32, #tpu.memory_space<vmem>>)
        %dma_wait3A_439 = arith.constant 0 : i32
        %dma_wait3A_440 = arith.constant 0 : i32
        %dma_wait3A_441 = tpu.memref_slice %arg3[%dma_wait3A_439, %dma_wait3A_440] : memref<16896x80xf32, #tpu.memory_space<hbm>> -> memref<16896x80xf32, #tpu.memory_space<hbm>>
        tpu.wait_indirect_dma semaphore(%arg30 : memref<!tpu.dma_semaphore, #tpu.memory_space<semaphore_mem>>) src(%dma_wait3A_441 : memref<16896x80xf32, #tpu.memory_space<hbm>>) dst(%arg22 : memref<128x80xf32, #tpu.memory_space<vmem>>)
        %mul3A_442 = arith.constant 128 : i32
        %mul3A_443 = arith.muli %add3A_406, %mul3A_442 : i32
        %add3A_444 = arith.addi %mul3A_35, %mul3A_443 : i32
        %min3A_445 = arith.constant 999872 : i32
        %min3A_446 = arith.minsi %add3A_444, %min3A_445 : i32
        %scan3A_447 = arith.constant 0 : i32
        %scan3A_448 = arith.constant 0 : i32
        %scan3A_449 = arith.constant 8 : i32
        %scan3A_450 = arith.addi %scan3A_448, %scan3A_449 : i32
        %scan3A_451 = arith.constant 1 : i32
        %scan3A_452 = scf.for %scan3A_455 = %scan3A_448 to %scan3A_450 step %scan3A_451 iter_args(%scan3A_456 = %scan3A_447) -> (i32)  : i32 {
          %mul3A_457 = arith.constant 16 : i32
          %mul3A_458 = arith.muli %scan3A_455, %mul3A_457 : i32
          %iota3A = tpu.iota {dimensions = array<i32: 0>} : vector<16xi32>
          %get3A_459 = arith.index_cast %mul3A_458 : i32 to index
          %get3A_460 = tpu.vector_load %arg18[%get3A_459] {strides = array<i32>} : memref<128xi32, #tpu.memory_space<vmem>>, vector<16xi32>,
          %get3A_461 = arith.index_cast %mul3A_458 : i32 to index
          %get3A_462 = tpu.vector_load %arg20[%get3A_461] {strides = array<i32>} : memref<128xf32, #tpu.memory_space<vmem>>, vector<16xf32>,
          %add3A_463 = arith.addi %min3A_446, %mul3A_458 : i32
          %add3A_464 = vector.broadcast %add3A_463 : i32 to vector<16xi32>
          %add3A_465 = arith.addi %add3A_464, %iota3A : vector<16xi32>
          %lt3A = vector.broadcast %squeeze3A_17 : i32 to vector<16xi32>
          %lt3A_466 = arith.cmpi slt, %add3A_465, %lt3A : vector<16xi32>
          %ge3A = vector.broadcast %add3A_444 : i32 to vector<16xi32>
          %ge3A_467 = arith.cmpi sge, %add3A_465, %ge3A : vector<16xi32>
          %and3A_468 = arith.andi %lt3A_466, %ge3A_467 : vector<16xi1>
          %ge3A_469 = vector.broadcast %mul3A_14 : i32 to vector<16xi32>
          %ge3A_470 = arith.cmpi sge, %get3A_460, %ge3A_469 : vector<16xi32>
          %and3A_471 = arith.andi %and3A_468, %ge3A_470 : vector<16xi1>
          %select_n3A_472 = arith.select %and3A_471, %get3A_462, %broadcast_in_dim3A_1 : vector<16xi1>, vector<16xf32>
          %sub3A_473 = vector.broadcast %mul3A_14 : i32 to vector<16xi32>
          %sub3A_474 = arith.subi %get3A_460, %sub3A_473 : vector<16xi32>
          %jit3A_475 = arith.constant 0 : i32
          %jit3A_476 = arith.constant 1023 : i32
          %max3A = vector.broadcast %jit3A_475 : i32 to vector<16xi32>
          %max3A_477 = arith.maxsi %max3A, %sub3A_474 : vector<16xi32>
          %min3A_478 = vector.broadcast %jit3A_476 : i32 to vector<16xi32>
          %min3A_479 = arith.minsi %min3A_478, %max3A_477 : vector<16xi32>
          %add3A_480 = vector.broadcast %mul3A_458 : i32 to vector<16xi32>
          %add3A_481 = arith.addi %add3A_480, %iota3A : vector<16xi32>
          %mul3A_482 = arith.constant 80 : i32
          %mul3A_483 = vector.broadcast %mul3A_482 : i32 to vector<16xi32>
          %mul3A_484 = arith.muli %min3A_479, %mul3A_483 : vector<16xi32>
          %parallel_loop3A_485 = arith.constant 0 : i32
          %parallel_loop3A_486 = arith.constant 80 : i32
          %parallel_loop3A_487 = arith.constant 1 : i32
          scf.for %parallel_loop3A_489 = %parallel_loop3A_485 to %parallel_loop3A_486 step %parallel_loop3A_487  : i32 {
            %parallel_loop3A_490 = arith.constant 15 : i32
            %parallel_loop3A_491 = arith.andi %parallel_loop3A_489, %parallel_loop3A_490 : i32
            %parallel_loop3A_492 = arith.subi %parallel_loop3A_489, %parallel_loop3A_491 : i32
            %parallel_loop3A_493 = vector.broadcast %parallel_loop3A_489 : i32 to vector<16xi32>
            %parallel_loop3A_494 = arith.addi %iota3A, %parallel_loop3A_493 : vector<16xi32>
            %parallel_loop3A_495 = arith.constant 15 : i32
            %parallel_loop3A_496 = vector.broadcast %parallel_loop3A_495 : i32 to vector<16xi32>
            %parallel_loop3A_497 = arith.andi %parallel_loop3A_494, %parallel_loop3A_496 : vector<16xi32>
            %parallel_loop3A_498 = vector.broadcast %parallel_loop3A_492 : i32 to vector<16xi32>
            %parallel_loop3A_499 = arith.addi %parallel_loop3A_497, %parallel_loop3A_498 : vector<16xi32>
            %parallel_loop3A_500 = tpu.vector_load_idx %arg22[%add3A_481, %parallel_loop3A_499] : memref<128x80xf32, #tpu.memory_space<vmem>>[vector<16xi32>, vector<16xi32>], vector<16xf32>,
            %parallel_loop3A_501 = arith.mulf %select_n3A_472, %parallel_loop3A_500 : vector<16xf32>
            %parallel_loop3A_502 = arith.addi %mul3A_484, %parallel_loop3A_499 : vector<16xi32>
            tpu.vector_store_idx %arg23[%parallel_loop3A_502], %parallel_loop3A_501 {add = true} : memref<81920xf32, #tpu.memory_space<vmem>>[vector<16xi32>], vector<16xf32>,
          } {sc.loop_unroll_factor = 8 : i64, sc.parallel_access}
          %scan3A_488 = arith.constant 0 : i32
          scf.yield %scan3A_488 : i32
        }
        %scan3A_453 = arith.constant 8 : i32
        %while3A_454 = arith.constant 0 : i32
        scf.yield %while3A_454 : i32
      }
      %dma_wait3A_136 = arith.constant 0 : i32
      %dma_wait3A_137 = tpu.memref_slice %arg4[%dma_wait3A_136] : memref<1000000xi32, #tpu.memory_space<hbm>> -> memref<128xi32, #tpu.memory_space<hbm>>
      %dma_wait3A_138 = arith.constant 0 : i32
      %dma_wait3A_139 = tpu.memref_slice %arg4[%dma_wait3A_138] : memref<1000000xi32, #tpu.memory_space<hbm>> -> memref<128xi32, #tpu.memory_space<hbm>>
      tpu.wait_dma2 semaphore(%arg25 : memref<!tpu.dma_semaphore, #tpu.memory_space<semaphore_mem>>) src(%dma_wait3A_139 : memref<128xi32, #tpu.memory_space<hbm>>) dst(%arg11 : memref<128xi32, #tpu.memory_space<vmem>>)
      %dma_wait3A_140 = arith.constant 0 : i32
      %dma_wait3A_141 = tpu.memref_slice %arg5[%dma_wait3A_140] : memref<1000000xi32, #tpu.memory_space<hbm>> -> memref<128xi32, #tpu.memory_space<hbm>>
      %dma_wait3A_142 = arith.constant 0 : i32
      %dma_wait3A_143 = tpu.memref_slice %arg5[%dma_wait3A_142] : memref<1000000xi32, #tpu.memory_space<hbm>> -> memref<128xi32, #tpu.memory_space<hbm>>
      tpu.wait_dma2 semaphore(%arg25 : memref<!tpu.dma_semaphore, #tpu.memory_space<semaphore_mem>>) src(%dma_wait3A_143 : memref<128xi32, #tpu.memory_space<hbm>>) dst(%arg14 : memref<128xi32, #tpu.memory_space<vmem>>)
      %dma_wait3A_144 = arith.constant 0 : i32
      %dma_wait3A_145 = tpu.memref_slice %arg6[%dma_wait3A_144] : memref<1000000xi32, #tpu.memory_space<hbm>> -> memref<128xi32, #tpu.memory_space<hbm>>
      %dma_wait3A_146 = arith.constant 0 : i32
      %dma_wait3A_147 = tpu.memref_slice %arg6[%dma_wait3A_146] : memref<1000000xi32, #tpu.memory_space<hbm>> -> memref<128xi32, #tpu.memory_space<hbm>>
      tpu.wait_dma2 semaphore(%arg25 : memref<!tpu.dma_semaphore, #tpu.memory_space<semaphore_mem>>) src(%dma_wait3A_147 : memref<128xi32, #tpu.memory_space<hbm>>) dst(%arg17 : memref<128xi32, #tpu.memory_space<vmem>>)
      %dma_wait3A_148 = arith.constant 0 : i32
      %dma_wait3A_149 = tpu.memref_slice %arg2[%dma_wait3A_148] : memref<1486848xf32, #tpu.memory_space<hbm>> -> memref<1486848xf32, #tpu.memory_space<hbm>>
      tpu.wait_indirect_dma semaphore(%arg27 : memref<!tpu.dma_semaphore, #tpu.memory_space<semaphore_mem>>) src(%dma_wait3A_149 : memref<1486848xf32, #tpu.memory_space<hbm>>) dst(%arg19 : memref<128xf32, #tpu.memory_space<vmem>>)
      %dma_wait3A_150 = arith.constant 0 : i32
      %dma_wait3A_151 = arith.constant 0 : i32
      %dma_wait3A_152 = tpu.memref_slice %arg3[%dma_wait3A_150, %dma_wait3A_151] : memref<16896x80xf32, #tpu.memory_space<hbm>> -> memref<16896x80xf32, #tpu.memory_space<hbm>>
      tpu.wait_indirect_dma semaphore(%arg29 : memref<!tpu.dma_semaphore, #tpu.memory_space<semaphore_mem>>) src(%dma_wait3A_152 : memref<16896x80xf32, #tpu.memory_space<hbm>>) dst(%arg21 : memref<128x80xf32, #tpu.memory_space<vmem>>)
      %mul3A_153 = arith.constant 80 : i32
      %mul3A_154 = arith.muli %mul3A_14, %mul3A_153 : i32
      "tpu.region"() ({
        %run_scoped3A = tpu.sem_alloc : memref<!tpu.dma_semaphore, #tpu.memory_space<semaphore_mem>>
        %dma_start3A_156 = tpu.memref_slice %arg8[%mul3A_154] : memref<5242880xf32, #tpu.memory_space<hbm>> -> memref<81920xf32, #tpu.memory_space<hbm>>
        %dma_start3A_157 = tpu.memref_slice %arg8[%mul3A_154] : memref<5242880xf32, #tpu.memory_space<hbm>> -> memref<81920xf32, #tpu.memory_space<hbm>>
        tpu.enqueue_dma source(%arg23 : memref<81920xf32, #tpu.memory_space<vmem>>) target(%dma_start3A_157 : memref<81920xf32, #tpu.memory_space<hbm>>) target_semaphore(%run_scoped3A : memref<!tpu.dma_semaphore, #tpu.memory_space<semaphore_mem>>)
        %dma_wait3A_158 = tpu.memref_slice %arg8[%mul3A_154] : memref<5242880xf32, #tpu.memory_space<hbm>> -> memref<81920xf32, #tpu.memory_space<hbm>>
        %dma_wait3A_159 = tpu.memref_slice %arg8[%mul3A_154] : memref<5242880xf32, #tpu.memory_space<hbm>> -> memref<81920xf32, #tpu.memory_space<hbm>>
        tpu.wait_dma2 semaphore(%run_scoped3A : memref<!tpu.dma_semaphore, #tpu.memory_space<semaphore_mem>>) src(%arg23 : memref<81920xf32, #tpu.memory_space<vmem>>) dst(%dma_wait3A_159 : memref<81920xf32, #tpu.memory_space<hbm>>)
        tpu.yield
      }) : () -> ()
      %scan3A_155 = arith.constant 0 : i32
      scf.yield %scan3A_155 : i32
    }
    %scan3A_7 = arith.constant 2 : i32
    return
  }
}

</mosaic_0001>

<sc_bundles>
// kernel: _bev_pool.3.cloned.1.call-start
scs
__scs_entry_jumppad:
0x0: {  	(pc) =	sbr.rel $0x88, $3  }
0x1: {  	(tag) =	ssettag $0x0;
	lr =	simm.s32 $0x1  }
0x2: {  	[smem:$0x3F9B] =	sst lr;
	_ =	strace $0xD0000000  }
0x3: {  	_ = 	snop  }
0x4: {  	_ = 	snop  }
0x5: {  	_ = 	snop  }
0x6: {  	_ = 	snop  }
0x7: {  	_ = 	snop  }
__scs_overlays_trampoline_lowered:
0x8: {  	[smem:$0x3FAA] =	sst s0  }
0x9: {  	[smem:$0x3FAB] =	sst s1  }
0xa: {  	[smem:$0x3FAC] =	sst s2  }
0xb: {  	[smem:$0x3FAD] =	sst s3  }
0xc: {  	[smem:$0x3FAE] =	sst s4  }
0xd: {  	[smem:$0x3FAF] =	sst s5  }
0xe: {  	[smem:$0x3FB0] =	sst s6  }
0xf: {  	[smem:$0x3FB1] =	sst s7  }
0x10: {  	[smem:$0x3FB2] =	sst s8  }
0x11: {  	[smem:$0x3FB3] =	sst s9;
	s0 =	simm.s32 @!p0 $0x0  }
0x12: {  	s1 =	sld [smem:$0x3F99];
	s0 =	simm.s32 @p0 $0x1  }
0x13: {  	[smem:$0x3FB4] =	sst s0;
	s0 =	simm.s32 @!p1 $0x0  }
0x14: {  	s2 =	sld [smem:$0x3F98];
	s0 =	simm.s32 @p1 $0x1  }
0x15: {  	[smem:$0x3FB5] =	sst s0;
	s0 =	simm.s32 @!p2 $0x0  }
0x16: {  	s3 =	sld [smem:$0x3FDB];
	s0 =	simm.s32 @p2 $0x1  }
0x17: {  	s4 =	simm.s32 $0x1BF5;
	[smem:$0x3FB7] =	sst s0  }
0x18: {  	s0 =	sld [smem:$0x3F9A];
	_ =	swait.ge [sflag:s4], $0x0  }
0x19: {  	s7 =	sld [smem:$0x3F9B]  }
0x1a: {  	s8 =	sadd.s32 $0xFFFFE003, lr  }
0x1b: {  	s9 =	sadd.s32 $0xFFFFFEF7, lr;
	s5 =	simm.s32 $0xFFFFFFFF;
	p2 =	slt.u32 s8, $0xFFFFF086  }
0x1c: {  	p1 =	slt.u32 s9, $0xF7A;
	s5 =	simm.s32 @!p2 $0x0  }
0x1d: {  	s5 =	simm.s32 @p1 $0x1;
	p0 =	seq.s32 s7, s2  }
0x1e: {  	s7 =	smul.u32 @!p0 $0xF7A, s2;
	p2 =	seq.s32 @!p0 s5, $0x0  }
0x1f: {  	s9 =	smul.u32 $0xF7A, s1;
	s8 =	simm.s32 @!p0 $0x1BF5;
	p2 =	por !p2, p0  }
0x20: {  	[sflag:s8] =	ssyncset.s32 @!p0 $0xFFFFF086;
	s6 =	sadd.s32 @!p0 s3, s7;
	s7 =	simm.s32 @!p0 $0x108  }
0x21: {  	s3 =	sadd.s32 s3, s9;
	s6 =	sadd.s32 @!p0 $0x88, s6;
	s7 =	simm.s32 @p2 $0x1082  }
0x22: {  	[simem:s7], [sflag:s8] =	dma.local @!p0 [hbm:s6], $0xF7A  }
0x23: {  	s9 =	sor.u32 $0xD0000000, s2;
	s6 =	simm.s32 $0x108;
	_ =	swait.ge @!p0 [sflag:s8], $0x0  }
0x24: {  	s3 =	sadd.s32 $0x88, s3;
	s6 =	simm.s32 @!p1 $0x1082;
	[sflag:s4] =	ssyncset.s32 $0xFFFFF086  }
0x25: {  	[simem:s6], [sflag:s4] =	dma.local [hbm:s3], $0xF7A  }
0x26: {  	[smem:$0x3F9B] =	sst s1;
	(tag) =	ssettag s2;
	_ =	strace s9  }
0x27: {  	s1 =	sld [smem:$0x3FAB]  }
0x28: {  	s2 =	sld [smem:$0x3FAC]  }
0x29: {  	s4 =	sld [smem:$0x3FAE]  }
0x2a: {  	p0 =	seq.s32 s5, $0x0;
	s5 =	sld [smem:$0x3FAF]  }
0x2b: {  	s6 =	sld [smem:$0x3FB0]  }
0x2c: {  	s7 =	sld [smem:$0x3FB1]  }
0x2d: {  	s3 =	simm.s32 $0x108;
	s8 =	sld [smem:$0x3FB2]  }
0x2e: {  	s3 =	simm.s32 @!p0 $0x1082;
	s9 =	sld [smem:$0x3FB3]  }
0x2f: {  	lr =	sadd.s32 s0, s3;
	s0 =	sld [smem:$0x3FAA]  }
0x30: {  	s3 =	sld [smem:$0x3FAD]  }
0x31: {  	[smem:$0x3FB6] =	sst s10  }
0x32: {  	s10 =	sld [smem:$0x3FB4];
	_ =	sdelay $0x3  }
0x33: {  	p0 =	seq.s32 s10, $0x1;
	s10 =	sld [smem:$0x3FB6];
	_ =	sdelay $0x3  }
0x34: {  	[smem:$0x3FB6] =	sst s10  }
0x35: {  	s10 =	sld [smem:$0x3FB5];
	_ =	sdelay $0x3  }
0x36: {  	p1 =	seq.s32 s10, $0x1;
	s10 =	sld [smem:$0x3FB6];
	_ =	sdelay $0x3  }
0x37: {  	[smem:$0x3FB6] =	sst s10  }
0x38: {  	s10 =	sld [smem:$0x3FB7]  }
0x39: {  	_ = 	snop;
	(pc) =	sbr.ind lr, $3  }
0x3a: {  	_ = 	snop  }
0x3b: {  	_ = 	snop  }
0x3c: {  	p2 =	seq.s32 s10, $0x1;
	s10 =	sld [smem:$0x3FB6]  }
0x3d: {  	_ =	shalt  }
0x3e: {  	_ =	shalt  }
0x3f: {  	_ =	shalt  }
0x40: {  	_ =	shalt  }
0x41: {  	_ =	shalt  }
0x42: {  	_ =	shalt  }
0x43: {  	_ =	shalt  }
0x44: {  	_ =	shalt  }
0x45: {  	_ =	shalt  }
0x46: {  	_ =	shalt  }
0x47: {  	_ =	shalt  }
0x48: {  	_ =	shalt  }
0x49: {  	_ =	shalt  }
0x4a: {  	_ =	shalt  }
0x4b: {  	_ =	shalt  }
0x4c: {  	_ =	shalt  }
0x4d: {  	_ =	shalt  }
0x4e: {  	_ =	shalt  }
0x4f: {  	_ =	shalt  }
0x50: {  	_ =	shalt  }
0x51: {  	_ =	shalt  }
0x52: {  	_ =	shalt  }
0x53: {  	_ =	shalt  }
0x54: {  	_ =	shalt  }
0x55: {  	_ =	shalt  }
0x56: {  	_ =	shalt  }
0x57: {  	_ =	shalt  }
0x58: {  	_ =	shalt  }
0x59: {  	_ =	shalt  }
0x5a: {  	_ =	shalt  }
0x5b: {  	_ =	shalt  }
0x5c: {  	_ =	shalt  }
0x5d: {  	_ =	shalt  }
0x5e: {  	_ =	shalt  }
0x5f: {  	_ =	shalt  }
0x60: {  	_ =	shalt  }
0x61: {  	_ =	shalt  }
0x62: {  	_ =	shalt  }
0x63: {  	_ =	shalt  }
0x64: {  	_ =	shalt  }
0x65: {  	_ =	shalt  }
0x66: {  	_ =	shalt  }
0x67: {  	_ =	shalt  }
0x68: {  	_ =	shalt  }
0x69: {  	_ =	shalt  }
0x6a: {  	_ =	shalt  }
0x6b: {  	_ =	shalt  }
0x6c: {  	_ =	shalt  }
0x6d: {  	_ =	shalt  }
0x6e: {  	_ =	shalt  }
0x6f: {  	_ =	shalt  }
0x70: {  	_ =	shalt  }
0x71: {  	_ =	shalt  }
0x72: {  	_ =	shalt  }
0x73: {  	_ =	shalt  }
0x74: {  	_ =	shalt  }
0x75: {  	_ =	shalt  }
0x76: {  	_ =	shalt  }
0x77: {  	_ =	shalt  }
0x78: {  	_ =	shalt  }
0x79: {  	_ =	shalt  }
0x7a: {  	_ =	shalt  }
0x7b: {  	_ =	shalt  }
0x7c: {  	_ =	shalt  }
0x7d: {  	_ =	shalt  }
0x7e: {  	_ =	shalt  }
0x7f: {  	_ =	shalt  }
0x80: {  	_ =	shalt  }
0x81: {  	_ =	shalt  }
0x82: {  	_ =	shalt  }
0x83: {  	_ =	shalt  }
0x84: {  	_ =	shalt  }
0x85: {  	_ =	shalt  }
0x86: {  	_ =	shalt  }
0x87: {  	_ =	shalt  }
.Lfunc_end0:
.L_simem_size_0:
called_computation_lowered:
.L_overlay_start_0:
0x88: {  	s2 =	sld [smem:$0x3FD9]  }
0x89: {  	s3 =	sld [smem:$0x3FFE];
	_ =	sdelay $0x1  }
0x8a: {  	s1 =	srdreg.scid  }
0x8b: {  	s0 =	sand.u32 $0x1, s1  }
0x8c: {  	s17 =	sshll.u32 s0, $0xA;
	s2 =	sadd.s32 s3, s2  }
0x8d: {  	s2 =	sadd.s32 s2, s17  }
0x8e: {  	[smem:$0x3FC2] =	sst s2  }
0x8f: {  	_ = 	snop  }
0x90: {  	s2 =	sld [smem:$0x3FC9]  }
0x91: {  	s18 =	sld [smem:$0x3FC7]  }
0x92: {  	s4 =	sld [smem:$0x3FC6]  }
0x93: {  	s5 =	sld [smem:$0x3FC5]  }
0x94: {  	s6 =	sld [smem:$0x3FC4]  }
0x95: {  	s7 =	sld [smem:$0x3FD0];
	(tm) =	ssettm $0x1  }
0x96: {  	s8 =	sld [smem:$0x3FFB];
	_ =	sdelay $0x3  }
0x97: {  	_ =	strace s8  }
0x98: {  	s8 =	sld [smem:$0x3FFC];
	_ =	sdelay $0x3  }
0x99: {  	_ =	strace s8  }
0x9a: {  	s8 =	sld [smem:$0x3FFD];
	_ =	sdelay $0x3  }
0x9b: {  	_ =	strace s8  }
0x9c: {  	_ =	strace $0x8FFFFFFF  }
0x9d: {  	s19 =	sld [smem:$0x3FDB];
	_ =	sdelay $0x1  }
0x9e: {  	s9 =	simm.s32 $_scs_section_size  }
0x9f: {  	s10 =	simm.s32 $_size__tile_overlayer_lowered;
	s11 =	simm.s32 $_tile_overlayer_lowered  }
0xa0: {  	s22 =	simm.s32 $0x1BFF;
	s21 =	sshll.u32 s11, $0x1;
	s8 =	sadd.s32 s9, s19  }
0xa1: {  	s12 =	simm.s32 $0x0;
	s20 =	sshll.u32 s10, $0x1;
	s10 =	sadd.s32 s21, s8  }
0xa2: {  	[timem:s12], [sflag:s22] =	dma.local [hbm:s10], s20  }
0xa3: {  	_ =	swait.ge [sflag:s22], s20  }
0xa4: {  	s9 =	ssub.s32 $0x0, s20;
	[sflag:s22] =	ssyncset.done $0x0  }
0xa5: {  	[sflag:s22] =	ssyncadd.s32 s9;
	_ =	sdelay $0x1  }
0xa6: {  	s23 =	simm.s32 $0x1B8B  }
0xa7: {  	_ =	swait.ge [sflag:s23], $0x1  }
0xa8: {  	[sflag:s23] =	ssyncset.done $0x0  }
0xa9: {  	s25 =	simm.s32 $0x1B8E;
	s24 =	sld [smem:$0x3FFE];
	[sflag:s23] =	ssyncadd.s32 $0xFFFFFFFF  }
0xaa: {  	s26 =	simm.s32 $execute0_lowered;
	[smem:$0x3FD2] =	sst s25  }
0xab: {  	s10 =	sshll.u32 s26, $0x1;
	_ =	strace $0x80000046;
	[dreg:$0x1] =	wrdreg $0xFFFFFFFF  }
0xac: {  	s28 =	simm.s32 $_size_execute0_lowered;
	s8 =	sadd.s32 s8, s10;
	[dreg:$0x0] =	wrdreg $0x0  }
0xad: {  	s10 =	sshll.u32 s28, $0x1;
	[dreg:$0x2] =	wrdreg s8  }
0xae: {  	[dreg:$0x3] =	wrdreg s10  }
0xaf: {  	[dreg:$0x4] =	wrdreg $0xC0  }
0xb0: {  	_ =	task [dreg:s12], $0x5FFFF  }
0xb1: {  	[dreg:$0x1] =	wrdreg $0xFFFFFFFF  }
0xb2: {  	[dreg:$0x0] =	wrdreg $0x60  }
0xb3: {  	[dreg:$0x2] =	wrdreg s2  }
0xb4: {  	[dreg:$0x3] =	wrdreg s24  }
0xb5: {  	[dreg:$0x4] =	wrdreg s18  }
0xb6: {  	[dreg:$0x5] =	wrdreg s4  }
0xb7: {  	[dreg:$0x6] =	wrdreg s5  }
0xb8: {  	[dreg:$0x7] =	wrdreg s6  }
0xb9: {  	[dreg:$0x8] =	wrdreg s7  }
0xba: {  	[dreg:$0x9] =	wrdreg $0x9  }
0xbb: {  	_ =	task.clear_ibuf [dreg:s12], $0xAFFFF;
	_ =	strace $0x90000046  }
0xbc: {  	s29 =	simm.s32 $0x9;
	_ =	strace $0x80000048  }
0xbd: {  	_ =	swait.ge [sflag:s29], $0x1  }
0xbe: {  	[sflag:s29] =	ssyncadd.s32 $0xFFFFFFFF  }
0xbf: {  	_ =	strace $0x90000048  }
0xc0: {  	_ =	sfence  }
0xc1: {  	s30 =	sld [smem:$0x0];
	_ =	sdelay $0x2  }
0xc2: {  	s31 =	sshll.u32 s1, $0xD;
	s1 =	sshrl.u32 s1, $0x2  }
0xc3: {  	s3 =	sand.u32 $0x4000, s31;
	s1 =	sadd.s32 s1, s30  }
0xc4: {  	s0 =	sor.u32 s3, s0;
	s1 =	sshll.u32 s1, $0x11  }
0xc5: {  	s0 =	sor.u32 s1, s0  }
0xc6: {  	s0 =	sadd.s32 $0x8F2B, s0  }
0xc7: {  	[sflag:s0] =	ssyncadd.remote.s32 $0x1  }
0xc8: {  	_ =	sfence.sel $0xFFFF  }
0xc9: {  	[dreg:$0x0] =	wrdreg $0xFFFFFFFF;
	(pc) =	sbr.abs _section_cstart, $3  }
0xca: {  	[dreg:$0x1] =	wrdreg $0xFFFFFFFF  }
0xcb: {  	_ =	task.clear_ibuf [dreg:s12], $0x2FFFF;
	_ =	strace $0x9FFFFFFF  }
0xcc: {  	(tm) =	ssettm $0x7FFFFFFF  }
0xcd: {  	_ =	shalt  }
tec
execute0_lowered:
.L_overlay_start_1:
0x0: {  	(tag) =	ssettag $0x1  }
0x1: {  	v0 =	vimm.s32 $0xF3A25100  }
0x2: {  	s0 =	rddreg [dreg:$0x0];
	v0 =	vunpack.c.0.s8.s32 v0  }
0x3: {  	s3 =	rddreg [dreg:$0x1]  }
0x4: {  	s1 =	rddreg [dreg:$0x2];
	vm0 =	vcmask $0xF00;
	v0 =	vand.u32 $0xFF, v0  }
0x5: {  	s2 =	rddreg [dreg:$0x3];
	vm5 =	vcmask $0x1310;
	v0 =	vnsel vm0, $0x4B7, v0  }
0x6: {  	s4 =	rddreg [dreg:$0x4];
	vm6 =	vcmask $0x1714;
	v0 =	vsel vm5, $0x144, v0  }
0x7: {  	s5 =	srdreg.scid;
	s14 =	simm.s32 $0x0;
	s8 =	stileid.u32;
	vm7 =	vcmask $0x1B18;
	v0 =	vsel vm6, $0x195, v0  }
0x8: {  	vm8 =	vcmask $0x1F1C;
	s13 =	simm.s32 $0x1;
	s24 =	simm.s32 $0x50;
	s20 =	simm.s32 $0x80;
	v0 =	vsel vm7, $0x1E6, v0  }
0x9: {  	vm9 =	vcmask $0x2320;
	s22 =	simm.s32 $0x5D0;
	s29 =	simm.s32 $0x2DD0;
	s30 =	simm.s32 $0x4;
	v0 =	vsel vm8, $0x237, v0  }
0xa: {  	vm10 =	vcmask $0x2724;
	s31 =	simm.s32 $0x6;
	s11 =	simm.s32 $0x7;
	s5 =	sand.u32 $0x1, s5;
	v0 =	vsel vm9, $0x280, v0  }
0xb: {  	vm11 =	vcmask $0x2B28;
	[smem:$0x7FF] =	sst s14;
	s25 =	sshll.u32 s8, $0x2;
	s9 =	sadd.s32 $0x400, s3;
	v0 =	vsel vm10, $0x2D1, v0  }
.Ltmp0:
0xc: {  	vm12 =	vcmask $0x2F2C;
	s3 =	simm.s32 $0x55D0;
	s6 =	ssub.s32 $0x2, s5;
	v0 =	vsel vm11, $0x322, v0;
	(pc) =	sbr.rel .LBB2_1-.Ltmp0, $4  }
0xd: {  	vm13 =	vcmask $0x3330;
	s8 =	simm.s32 $0x3;
	s5 =	sshll.u32 s5, $0x1;
	s7 =	sshrl.u32 s6, $0x1;
	v1 =	vsel vm12, $0x373, v0  }
0xe: {  	vm14 =	vcmask $0x3734;
	vm15 =	vcmask $0x3B38;
	_ =	strace $0x80000047;
	s26 =	sor.u32 s5, s25;
	s6 =	ssub.s32 s6, s7;
	v2 =	vsel vm13, $0x3C4, v1  }
0xf: {  	s5 =	simm.s32 $0x5;
	[dreg:$0x8] =	wrdreg s26;
	s28 =	smax.u32 s6, $0x1;
	v0 =	vimm.f32 $0.0e+00;
	v1 =	vlaneseq.u32;
	v3 =	vsel vm14, $0x415, v2  }
0x10: {  	s26 =	simm.s32 $0x2;
	s7 =	simm.s32 $0x0;
	[dreg:$0x9] =	wrdreg s28;
	v2 =	vmul.u32 $0x50, v1;
	v4 =	vand.u32 $0x7, v1;
	v3 =	vsel vm15, $0x466, v3  }
.LBB2_32:
0x11: {  	s7 =	rddreg [dreg:$0xa]  }
0x12: {  	s6 =	rddreg [dreg:$0x9];
	s7 =	sadd.s32 $0x1, s7  }
0x13: {  	p0 =	sne.s32 s7, s6  }
.Ltmp1:
0x14: {  	_ = 	snop;
	(pc) =	sbr.rel @!p0 .LBB2_33-.Ltmp1, $1  }
0x15: {  	_ =	sdelay $0x3  }
.LBB2_1:
0x16: {  	[dreg:$0xa] =	wrdreg s7  }
.Ltmp2:
0x17: {  	s6 =	rddreg [dreg:$0x5];
	s28 =	simm.s32 $0x8;
	(pc) =	sbr.rel .LBB2_2-.Ltmp2, $4  }
0x18: {  	[tilespmem:s14], [sflag:$0x8] =	stream.linear.gather [hbm4b:s6+s14], $0x50, $0x38;
	[tilespmem:$0x195D0] =	vst v63  }
0x19: {  	_ =	swait.ge [sflag:s28], $0x50  }
0x1a: {  	[sflag:s28] =	ssyncset.done $0x0  }
0x1b: {  	p1 =	por $0x1, $0x1;
	s6 =	simm.s32 $0x0;
	[sflag:s28] =	ssyncadd.s32 $0xFFFFFFB0  }
.LBB2_31:
0x1c: {  	_ =	swait.ge [sflag:s26], $0x80  }
0x1d: {  	[sflag:s26] =	ssyncset.done $0x0  }
0x1e: {  	[sflag:s26] =	ssyncadd.s32 $0xFFFFFF80  }
0x1f: {  	_ =	swait.ge [sflag:s26], $0x80  }
0x20: {  	[sflag:s26] =	ssyncset.done $0x0  }
0x21: {  	[sflag:s26] =	ssyncadd.s32 $0xFFFFFF80  }
0x22: {  	_ =	swait.ge [sflag:s26], $0x80  }
0x23: {  	[sflag:s26] =	ssyncset.done $0x0  }
0x24: {  	[sflag:s26] =	ssyncadd.s32 $0xFFFFFF80  }
0x25: {  	_ =	swait.ge [sflag:s30], $0x80  }
0x26: {  	[sflag:s30] =	ssyncset.done $0x0  }
0x27: {  	[sflag:s30] =	ssyncadd.s32 $0xFFFFFF80  }
0x28: {  	_ =	swait.ge [sflag:s31], $0x2800  }
0x29: {  	s6 =	rddreg [dreg:$0xb];
	[sflag:s31] =	ssyncset.done $0x0  }
0x2a: {  	s6 =	smul.u32 $0x2800, s6;
	[sflag:s31] =	ssyncadd.s32 $0xFFFFD800  }
0x2b: {  	s14 =	simm.s32 $0x0;
	s7 =	rddreg [dreg:$0x6]  }
.Ltmp3:
0x2c: {  	s28 =	simm.s32 $0x8;
	s6 =	sadd.s32 s7, s6;
	(pc) =	sbr.rel @!p0 .LBB2_32-.Ltmp3, $4  }
0x2d: {  	[hbm4b:s6+s14] =	stream.linear.scatter [tilespmem:s3], [sflag:$0x8], $0x14000, $0x38;
	[tilespmem:$0x195D0] =	vst v63  }
0x2e: {  	_ =	swait.ge [sflag:s28], $0x14000  }
0x2f: {  	[sflag:s28] =	ssyncset.done $0x0  }
0x30: {  	p1 =	por $0x0, $0x0;
	s6 =	simm.s32 $0x1;
	[sflag:s28] =	ssyncadd.s32 $0xFFFEC000  }
.LBB2_2:
0x31: {  	s7 =	rddreg [dreg:$0x8]  }
0x32: {  	s6 =	sor.u32 s7, s6  }
0x33: {  	[dreg:$0xb] =	wrdreg s6;
	v5 =	vld [tilespmem:s6+$0x0];
	s6 =	simm.s32 $0x5610  }
0x34: {  	[tilespmem:s6+$0xFFFFFFC0] =	vst v0  }
0x35: {  	[tilespmem:s6+$0x30] =	vst v0  }
0x36: {  	[tilespmem:s6+$0x20] =	vst v0  }
0x37: {  	[tilespmem:s6+$0x10] =	vst v0  }
0x38: {  	[tilespmem:s6+$0x0] =	vst v0  }
0x39: {  	[tilespmem:s6+$0xFFFFFFF0] =	vst v0  }
0x3a: {  	p0 =	por p1, p1;
	s7 =	simm.s32 $0x0;
	[tilespmem:s6+$0xFFFFFFE0] =	vst v0  }
.LBB2_3:
0x3b: {  	s7 =	sadd.s32 $0x8, s7;
	[tilespmem:s6+$0xFFFFFFD0] =	vst v0;
	s6 =	sadd.s32 $0x80, s6  }
0x3c: {  	[tilespmem:s6+$0xFFFFFFC0] =	vst v0;
	p1 =	slt.u32 s7, $0x13F8  }
0x3d: {  	[tilespmem:s6+$0x30] =	vst v0  }
.Ltmp4:
0x3e: {  	[tilespmem:s6+$0x20] =	vst v0;
	(pc) =	sbr.rel @p1 .LBB2_3-.Ltmp4, $4  }
0x3f: {  	[tilespmem:s6+$0x10] =	vst v0  }
0x40: {  	[tilespmem:s6+$0x0] =	vst v0  }
0x41: {  	[tilespmem:s6+$0xFFFFFFF0] =	vst v0  }
0x42: {  	[tilespmem:s6+$0xFFFFFFE0] =	vst v0  }
0x43: {  	(v2sf) =	vpush v5, $0x0;
	_ =	sdelay $0xe  }
0x44: {  	s7 =	spop (v2sf)  }
0x45: {  	s10 =	sand.u32 $0x7, s7  }
0x46: {  	s12 =	sshra.s32 s7, $0x1F;
	p1 =	slt.s32 s7, $0x1;
	p2 =	sne.s32 s10, $0x0  }
0x47: {  	s15 =	sshrl.u32 s12, $0x1D;
	p1 =	por !p1, !p2  }
0x48: {  	(v2sf) =	vpush v5, $0x1;
	s10 =	simm.s32 $0x1;
	s7 =	sadd.s32 s15, s7;
	p1 =	por !p1, !p1  }
0x49: {  	s7 =	sshrl.u32 s7, $0x3;
	s10 =	simm.s32 @!p1 $0x0  }
0x4a: {  	s7 =	ssub.s32 s7, s10  }
0x4b: {  	s15 =	sshll.u32 s7, $0x3  }
0x4c: {  	p1 =	slt.s32 s15, $0xF41C0;
	s7 =	smov.u32 s15  }
0x4d: {  	s7 =	simm.s32 @!p1 $0xF41C0  }
0x4e: {  	[tilespmem:s6+$0xFFFFFFD0] =	vst v0;
	s6 =	sadd.s32 $0x80, s15;
	s7 =	sshrl.u32 s7, $0x3  }
0x4f: {  	p1 =	slt.s32 s6, $0xF41C0;
	s16 =	sadd.s32 s1, s7  }
0x50: {  	[tilespmem:s24], [sflag:$0x1] =	stream.linear.gather [hbm4b:s16+s14], $0x80, $0x38;
	[tilespmem:$0x195D0] =	vst v63  }
0x51: {  	s10 =	simm.s32 $0x1D0;
	s6 =	simm.s32 @!p1 $0xF41C0;
	s17 =	sadd.s32 s2, s7  }
0x52: {  	[tilespmem:s10], [sflag:$0x1] =	stream.linear.gather [hbm4b:s17+s14], $0x80, $0x38;
	[tilespmem:$0x195D0] =	vst v63  }
0x53: {  	s19 =	simm.s32 $0x350;
	s18 =	sadd.s32 s4, s7;
	s6 =	sshrl.u32 s6, $0x3  }
0x54: {  	[tilespmem:s19], [sflag:$0x1] =	stream.linear.gather [hbm4b:s18+s14], $0x80, $0x38;
	[tilespmem:$0x195D0] =	vst v63  }
0x55: {  	s23 =	simm.s32 $0xD0;
	s21 =	sadd.s32 s1, s6  }
0x56: {  	[tilespmem:s23], [sflag:$0x2] =	stream.linear.gather [hbm4b:s21+s14], $0x80, $0x38;
	[tilespmem:$0x195D0] =	vst v63  }
0x57: {  	s28 =	simm.s32 $0x250;
	s25 =	sadd.s32 s2, s6;
	s16 =	spop (v2sf)  }
0x58: {  	[tilespmem:s28], [sflag:$0x2] =	stream.linear.gather [hbm4b:s25+s14], $0x80, $0x38;
	[tilespmem:$0x195D0] =	vst v63  }
0x59: {  	s6 =	sadd.s32 s4, s6;
	s17 =	simm.s32 $0x3D0;
	s18 =	ssub.s32 s16, s15  }
0x5a: {  	[tilespmem:s17], [sflag:$0x2] =	stream.linear.gather [hbm4b:s6+s14], $0x80, $0x38;
	[tilespmem:$0x195D0] =	vst v63  }
0x5b: {  	s6 =	sadd.s32 $0x7F, s18  }
0x5c: {  	s21 =	sand.u32 $0x7F, s6  }
0x5d: {  	s19 =	sshra.s32 s6, $0x1F;
	p3 =	slt.s32 s6, $0x1;
	p4 =	sne.s32 s21, $0x0  }
0x5e: {  	s7 =	sshrl.u32 s19, $0x19;
	p1 =	por !p3, !p4  }
0x5f: {  	s6 =	sadd.s32 s7, s6;
	s7 =	simm.s32 $0x1;
	p1 =	por !p1, !p1  }
0x60: {  	s6 =	sshra.s32 s6, $0x7;
	s7 =	simm.s32 @!p1 $0x0  }
0x61: {  	s6 =	ssub.s32 s6, s7  }
0x62: {  	s25 =	sadd.s32 $0x5, s6  }
0x63: {  	s28 =	smulhi.u32 $0x2AAAAAAB, s25;
	s7 =	sshra.s32 s25, $0x1F  }
0x64: {  	s7 =	smul.u32 $0x2AAAAAAB, s7;
	_ =	sdelay $0x1  }
0x65: {  	s7 =	sadd.s32 s7, s28  }
0x66: {  	s12 =	sshrl.u32 s7, $0x1F  }
0x67: {  	s7 =	sadd.s32 s12, s7  }
0x68: {  	_ =	swait.ge [sflag:s13], $0x80;
	s12 =	smul.u32 $0xFFFFFFFA, s7  }
0x69: {  	[sflag:s13] =	ssyncset.done $0x0;
	s16 =	ssub.s32 $0xFFFFFFFB, s6  }
0x6a: {  	[sflag:s13] =	ssyncadd.s32 $0xFFFFFF80;
	p5 =	slt.s32 s6, $0xFFFFFFFC;
	p6 =	sne.s32 s12, s16  }
0x6b: {  	_ =	swait.ge [sflag:s13], $0x80;
	p1 =	por !p5, !p6  }
0x6c: {  	[sflag:s13] =	ssyncset.done $0x0;
	s6 =	simm.s32 $0x1;
	p1 =	por !p1, !p1  }
0x6d: {  	[sflag:s13] =	ssyncadd.s32 $0xFFFFFF80;
	s6 =	simm.s32 @!p1 $0x0  }
0x6e: {  	_ =	swait.ge [sflag:s13], $0x80;
	s6 =	ssub.s32 s7, s6  }
0x6f: {  	[sflag:s13] =	ssyncset.done $0x0;
	p1 =	slt.s32 s6, $0x1  }
.Ltmp5:
0x70: {  	s23 =	simm.s32 $0x4D0;
	[sflag:s13] =	ssyncadd.s32 $0xFFFFFF80;
	(pc) =	sbr.rel @p1 .LBB2_31-.Ltmp5, $4  }
0x71: {  	[tilespmem:s23], [sflag:$0x4] =	stream.indirect.gather [hbm4b:s0+s20], $0x1, s24, s20, $0xb8;
	[tilespmem:$0x195D0] =	vst v63  }
0x72: {  	_ = 	snop  }
0x73: {  	[tilespmem:s22], [sflag:$0x6] =	stream.indirect.gather [hbm4b:s9+s20], $0x50, s10, s20, $0xb8;
	[tilespmem:$0x195D0] =	vst v63  }
0x74: {  	[dreg:$0xd] =	wrdreg s6  }
0x75: {  	s6 =	rddreg [dreg:$0xb]  }
0x76: {  	s7 =	sadd.s32 $0x100, s15;
	[dreg:$0xc] =	wrdreg s15  }
0x77: {  	s19 =	sadd.s32 $0x180, s15;
	[dreg:$0xe] =	wrdreg s7  }
0x78: {  	s21 =	sadd.s32 $0x200, s15;
	[dreg:$0xf] =	wrdreg s19  }
0x79: {  	s23 =	sadd.s32 $0x280, s15;
	[dreg:$0x10] =	wrdreg s21  }
0x7a: {  	s25 =	sadd.s32 $0x300, s15;
	[dreg:$0x11] =	wrdreg s23  }
0x7b: {  	s28 =	sadd.s32 $0x380, s15;
	s6 =	sshll.u32 s6, $0xA;
	[dreg:$0x12] =	wrdreg s25  }
0x7c: {  	v5 =	vbroadcast v5, $0x1;
	[dreg:$0x13] =	wrdreg s28;
	s25 =	simm.s32 $0x0;
	v6 =	vmov s6  }
.LBB2_6:
0x7d: {  	s16 =	smul.u32 $0x300, s25  }
0x7e: {  	s6 =	rddreg [dreg:$0xe]  }
0x7f: {  	s28 =	sadd.s32 s16, s6  }
0x80: {  	p1 =	slt.s32 s28, $0xF41C0;
	s19 =	smov.u32 s28  }
0x81: {  	s19 =	simm.s32 @!p1 $0xF41C0  }
0x82: {  	s23 =	sshrl.u32 s19, $0x3  }
0x83: {  	s10 =	simm.s32 $0x150;
	s12 =	simm.s32 $0x0;
	s7 =	sadd.s32 s1, s23  }
0x84: {  	[tilespmem:s10], [sflag:$0x3] =	stream.linear.gather [hbm4b:s7+s12], $0x80, $0x38;
	[tilespmem:$0x195D0] =	vst v63  }
0x85: {  	s14 =	simm.s32 $0x2D0;
	s10 =	sadd.s32 s2, s23  }
0x86: {  	[tilespmem:s14], [sflag:$0x3] =	stream.linear.gather [hbm4b:s10+s12], $0x80, $0x38;
	[tilespmem:$0x195D0] =	vst v63  }
0x87: {  	s17 =	simm.s32 $0x450;
	s6 =	sadd.s32 s4, s23  }
0x88: {  	[tilespmem:s17], [sflag:$0x3] =	stream.linear.gather [hbm4b:s6+s12], $0x80, $0x38;
	[tilespmem:$0x195D0] =	vst v63  }
0x89: {  	_ =	swait.ge [sflag:s26], $0x80  }
0x8a: {  	[sflag:s26] =	ssyncset.done $0x0  }
0x8b: {  	[sflag:s26] =	ssyncadd.s32 $0xFFFFFF80  }
0x8c: {  	_ =	swait.ge [sflag:s26], $0x80  }
0x8d: {  	[sflag:s26] =	ssyncset.done $0x0  }
0x8e: {  	[sflag:s26] =	ssyncadd.s32 $0xFFFFFF80  }
0x8f: {  	_ =	swait.ge [sflag:s26], $0x80  }
0x90: {  	[sflag:s26] =	ssyncset.done $0x0  }
0x91: {  	s18 =	simm.s32 $0xD0;
	s21 =	simm.s32 $0x550;
	[sflag:s26] =	ssyncadd.s32 $0xFFFFFF80  }
0x92: {  	[tilespmem:s21], [sflag:$0x5] =	stream.indirect.gather [hbm4b:s0+s20], $0x1, s18, s20, $0xb8;
	[tilespmem:$0x195D0] =	vst v63  }
0x93: {  	s23 =	simm.s32 $0x250  }
0x94: {  	[tilespmem:s29], [sflag:$0x7] =	stream.indirect.gather [hbm4b:s9+s20], $0x50, s23, s20, $0xb8;
	[tilespmem:$0x195D0] =	vst v63  }
0x95: {  	_ =	swait.ge [sflag:s30], $0x80  }
0x96: {  	[sflag:s30] =	ssyncset.done $0x0  }
0x97: {  	[sflag:s30] =	ssyncadd.s32 $0xFFFFFF80  }
0x98: {  	s6 =	sadd.s32 s15, s16;
	_ =	swait.ge [sflag:s31], $0x2800  }
0x99: {  	p1 =	slt.s32 s6, $0xF41C0;
	[sflag:s31] =	ssyncset.done $0x0  }
0x9a: {  	s7 =	simm.s32 $0x0;
	v7 =	vmov s6;
	s6 =	simm.s32 @!p1 $0xF41C0;
	[sflag:s31] =	ssyncadd.s32 $0xFFFFD800  }
.LBB2_7:
0x9b: {  	s12 =	sshll.u32 s7, $0x4;
	s23 =	simm.s32 $0x2  }
0x9c: {  	s18 =	simm.s32 $0x3;
	s10 =	simm.s32 $0x5;
	s14 =	simm.s32 $0x6;
	v8 =	vld [tilespmem:s12+$0x350];
	v11 =	vmov s12;
	v14 =	vadd.s32 s23, v1  }
0x9d: {  	s17 =	sadd.s32 s6, s12;
	v9 =	vld [tilespmem:s12+$0x4D0];
	s12 =	simm.s32 $0x0;
	v15 =	vadd.s32 s18, v1;
	v17 =	vadd.s32 s10, v1;
	v18 =	vadd.s32 s14, v1  }
0x9e: {  	v10 =	vadd.s32 s17, v1;
	v11 =	vmul.u32 $0x50, v11;
	v13 =	vadd.s32 s12, v1  }
0x9f: {  	v20 =	vand.u32 $0x7, v14;
	v21 =	vand.u32 $0x7, v15;
	v23 =	vand.u32 $0x7, v17  }
0xa0: {  	v24 =	vand.u32 $0x7, v18;
	v14 =	vand.u32 $0xF, v14;
	v15 =	vand.u32 $0xF, v15  }
0xa1: {  	s12 =	sand.u32 $0x70, s12;
	v17 =	vand.u32 $0xF, v17;
	v18 =	vand.u32 $0xF, v18;
	vm0 =	vge.s32 v10, v7  }
0xa2: {  	vm2 =	vlt.s32 v10, v5;
	v14 =	vor.u32 s12, v14;
	v15 =	vor.u32 s12, v15  }
0xa3: {  	v17 =	vor.u32 s12, v17;
	v18 =	vor.u32 s12, v18;
	v12 =	vbroadcast v11, $0x0  }
0xa4: {  	v29 =	vand.u32 $0x78, v14;
	v30 =	vand.u32 $0x78, v15;
	v32 =	vand.u32 $0x78, v17  }
0xa5: {  	v33 =	vand.u32 $0x78, v18;
	vm1 =	vge.s32 v8, v6;
	v8 =	vsub.s32 v8, v6  }
0xa6: {  	v11 =	vadd.s32 v2, v12;
	vm0 =	vmand vm0, vm1;
	vm15 =	vgt.s32 v8, $0x0  }
0xa7: {  	v29 =	vadd.s32 v11, v29;
	v30 =	vadd.s32 v11, v30;
	v32 =	vadd.s32 v11, v32  }
0xa8: {  	v33 =	vadd.s32 v11, v33;
	vm0 =	vmand vm0, vm2;
	v10 =	vnsel vm15, $0x0, v8  }
0xa9: {  	s21 =	simm.s32 $0x1;
	v29 =	vor.u32 v20, v29;
	v8 =	vnsel vm0, $0x0, v9;
	v9 =	vmin.u32 v10, $0x3FF  }
0xaa: {  	v10 =	vadd.s32 v3, v12;
	v12 =	vand.u32 $0xF, v13;
	v13 =	vadd.s32 s21, v1;
	s21 =	simm.s32 $0x4  }
0xab: {  	v30 =	vor.u32 v21, v30;
	v33 =	vor.u32 v24, v33;
	v16 =	vadd.s32 s21, v1;
	s21 =	simm.s32 $0x7  }
0xac: {  	v9 =	vmul.u32 $0x50, v9;
	v19 =	vand.u32 $0x7, v13;
	v25 =	vadd.s32 s21, v1  }
0xad: {  	v13 =	vand.u32 $0xF, v13;
	v22 =	vand.u32 $0x7, v16;
	v26 =	vand.u32 $0xF, v25  }
0xae: {  	v16 =	vand.u32 $0xF, v16;
	v13 =	vor.u32 s12, v13;
	v26 =	vor.u32 s12, v26  }
0xaf: {  	v16 =	vor.u32 s12, v16;
	v25 =	vand.u32 $0x7, v25;
	v27 =	vand.u32 $0x78, v26  }
0xb0: {  	v28 =	vand.u32 $0x78, v13;
	v13 =	vadd.s32 v9, v13;
	v27 =	vadd.s32 v11, v27  }
0xb1: {  	v14 =	vadd.s32 v9, v14;
	v28 =	vadd.s32 v11, v28;
	v27 =	vor.u32 v25, v27  }
0xb2: {  	v18 =	vadd.s32 v9, v18;
	v31 =	vand.u32 $0x78, v16;
	v28 =	vor.u32 v19, v28  }
0xb3: {  	v13 =	vand.u32 $0x3FFF8, v13;
	v14 =	vand.u32 $0x3FFF8, v14;
	v31 =	vadd.s32 v11, v31  }
0xb4: {  	v26 =	vadd.s32 v9, v26;
	v13 =	vor.u32 v19, v13;
	v19 =	vand.u32 $0x3FFF8, v18  }
0xb5: {  	v14 =	vor.u32 v20, v14;
	v31 =	vor.u32 v22, v31;
	v20 =	vor.u32 v24, v19;
	v24 =	vld.idx.msk [tilespmem:v33+s22+$0x0], $0xffff  }
0xb6: {  	s10 =	simm.s32 $0xA;
	v32 =	vor.u32 v23, v32;
	v12 =	vor.u32 s12, v12;
	v26 =	vand.u32 $0x3FFF8, v26;
	v27 =	vld.idx.msk [tilespmem:v27+s22+$0x0], $0xffff  }
0xb7: {  	v63 =	vadd.s32 s10, v1;
	v34 =	vand.u32 $0x78, v12;
	v25 =	vor.u32 v25, v26;
	v26 =	vld.idx.msk [tilespmem:v28+s22+$0x0], $0xffff  }
0xb8: {  	v34 =	vadd.s32 v10, v34;
	v15 =	vadd.s32 v9, v15;
	v12 =	vadd.s32 v9, v12;
	v28 =	vld.idx.msk [tilespmem:v29+s22+$0x0], $0xffff  }
0xb9: {  	v17 =	vadd.s32 v9, v17;
	v16 =	vadd.s32 v9, v16;
	v15 =	vand.u32 $0x3FFF8, v15;
	v29 =	vld.idx.msk [tilespmem:v30+s22+$0x0], $0xffff  }
0xba: {  	v17 =	vand.u32 $0x3FFF8, v17;
	v12 =	vand.u32 $0x3FFF8, v12;
	v16 =	vand.u32 $0x3FFF8, v16;
	v30 =	vld.idx.msk [tilespmem:v31+s22+$0x0], $0xffff  }
0xbb: {  	s21 =	simm.s32 $0xD;
	v18 =	vor.u32 v4, v12;
	v35 =	vor.u32 v23, v17;
	v12 =	vld.idx.msk [tilespmem:v32+s22+$0x0], $0xffff;
	v27 =	vmul.f32 v27, v8  }
0xbc: {  	s12 =	simm.s32 $0x8;
	v31 =	vor.u32 v22, v16;
	v22 =	vadd.s32 s21, v1;
	v24 =	vmul.f32 v24, v8  }
0xbd: {  	s23 =	simm.s32 $0x9;
	v16 =	vmul.f32 v26, v8;
	[tilespmem:v25+s3+$0x0] =	vst.idx.add.f32.msk $0xffff, v27;
	v27 =	vor.u32 v21, v15;
	v15 =	vadd.s32 s12, v1  }
0xbe: {  	v62 =	vld.idx.msk [tilespmem:v34+s22+$0x0], $0xffff;
	v26 =	vadd.s32 s23, v1;
	s23 =	simm.s32 $0xE;
	v19 =	vand.u32 $0xF, v15;
	v15 =	vmul.f32 v28, v8  }
0xbf: {  	s14 =	simm.s32 $0xB;
	v23 =	vadd.s32 s23, v1;
	[tilespmem:v13+s3+$0x0] =	vst.idx.add.f32.msk $0xffff, v16;
	v28 =	vmul.f32 v29, v8;
	v29 =	vmul.f32 v30, v8  }
0xc0: {  	s18 =	simm.s32 $0xC;
	v17 =	vand.u32 $0x7, v26;
	v21 =	vadd.s32 s14, v1;
	v30 =	vmul.f32 v12, v8;
	[tilespmem:v14+s3+$0x0] =	vst.idx.add.f32.msk $0xffff, v15  }
0xc1: {  	v13 =	vand.u32 $0x7, v22;
	v25 =	vadd.s32 s18, v1;
	v16 =	vand.u32 $0x7, v21;
	[tilespmem:v31+s3+$0x0] =	vst.idx.add.f32.msk $0xffff, v29  }
0xc2: {  	v12 =	vand.u32 $0x7, v23;
	v15 =	vand.u32 $0x7, v63;
	v14 =	vand.u32 $0x7, v25;
	[tilespmem:v35+s3+$0x0] =	vst.idx.add.f32.msk $0xffff, v30  }
0xc3: {  	s17 =	simm.s32 $0xF;
	s21 =	simm.s32 $0x10;
	[tilespmem:v27+s3+$0x0] =	vst.idx.add.f32.msk $0xffff, v28;
	v28 =	vand.u32 $0xF, v26;
	v27 =	vand.u32 $0xF, v63;
	v26 =	vmul.f32 v62, v8  }
.LBB2_8:
0xc4: {  	p1 =	slt.u32 s21, $0x48;
	v21 =	vand.u32 $0xF, v21;
	v25 =	vand.u32 $0xF, v25;
	v29 =	vadd.s32 s17, v1;
	[tilespmem:v20+s3+$0x0] =	vst.idx.add.f32.msk $0xffff, v24  }
0xc5: {  	s17 =	sand.u32 $0x70, s12;
	v20 =	vand.u32 $0xF, v22;
	v22 =	vand.u32 $0xF, v23;
	s12 =	smov.u32 s21;
	v23 =	vand.u32 $0xF, v29;
	[tilespmem:v18+s3+$0x0] =	vst.idx.add.f32.msk $0xffff, v26  }
0xc6: {  	v18 =	vor.u32 s17, v28;
	v24 =	vor.u32 s17, v27;
	v23 =	vor.u32 s17, v23  }
0xc7: {  	v21 =	vor.u32 s17, v21;
	v25 =	vor.u32 s17, v25;
	v26 =	vand.u32 $0x78, v23  }
0xc8: {  	v20 =	vor.u32 s17, v20;
	v27 =	vand.u32 $0x7, v29;
	v26 =	vadd.s32 v11, v26  }
0xc9: {  	v22 =	vor.u32 s17, v22;
	v28 =	vand.u32 $0x78, v18;
	v26 =	vor.u32 v27, v26  }
0xca: {  	v29 =	vand.u32 $0x78, v24;
	v30 =	vand.u32 $0x78, v21;
	v31 =	vand.u32 $0x78, v25  }
0xcb: {  	v19 =	vor.u32 s17, v19;
	v32 =	vand.u32 $0x78, v20;
	v33 =	vand.u32 $0x78, v22  }
0xcc: {  	v28 =	vadd.s32 v11, v28;
	v29 =	vadd.s32 v11, v29;
	v30 =	vadd.s32 v11, v30  }
0xcd: {  	v31 =	vadd.s32 v11, v31;
	v32 =	vadd.s32 v11, v32;
	v33 =	vadd.s32 v11, v33  }
0xce: {  	v34 =	vand.u32 $0x78, v19;
	v28 =	vor.u32 v17, v28;
	v29 =	vor.u32 v15, v29;
	v26 =	vld.idx.msk [tilespmem:v26+s22+$0x0], $0xffff  }
0xcf: {  	v23 =	vadd.s32 v9, v23;
	v30 =	vor.u32 v16, v30;
	v31 =	vor.u32 v14, v31  }
0xd0: {  	v32 =	vor.u32 v13, v32;
	v33 =	vor.u32 v12, v33;
	v23 =	vand.u32 $0x3FFF8, v23  }
0xd1: {  	v18 =	vadd.s32 v9, v18;
	v34 =	vadd.s32 v10, v34;
	v23 =	vor.u32 v27, v23  }
0xd2: {  	v24 =	vadd.s32 v9, v24;
	v21 =	vadd.s32 v9, v21;
	v25 =	vadd.s32 v9, v25  }
0xd3: {  	v19 =	vadd.s32 v9, v19;
	v20 =	vadd.s32 v9, v20;
	v22 =	vadd.s32 v9, v22;
	v27 =	vld.idx.msk [tilespmem:v28+s22+$0x0], $0xffff  }
0xd4: {  	v18 =	vand.u32 $0x3FFF8, v18;
	v24 =	vand.u32 $0x3FFF8, v24;
	v26 =	vmul.f32 v26, v8;
	v28 =	vld.idx.msk [tilespmem:v29+s22+$0x0], $0xffff  }
0xd5: {  	v21 =	vand.u32 $0x3FFF8, v21;
	v25 =	vand.u32 $0x3FFF8, v25;
	v20 =	vand.u32 $0x3FFF8, v20;
	v29 =	vld.idx.msk [tilespmem:v30+s22+$0x0], $0xffff  }
0xd6: {  	v19 =	vand.u32 $0x3FFF8, v19;
	v22 =	vand.u32 $0x3FFF8, v22;
	v17 =	vor.u32 v17, v18;
	[tilespmem:v23+s3+$0x0] =	vst.idx.add.f32.msk $0xffff, v26  }
0xd7: {  	v15 =	vor.u32 v15, v24;
	v16 =	vor.u32 v16, v21;
	v26 =	vor.u32 v14, v25;
	v24 =	vld.idx.msk [tilespmem:v31+s22+$0x0], $0xffff  }
0xd8: {  	v18 =	vor.u32 v4, v19;
	v31 =	vor.u32 v13, v20;
	v20 =	vor.u32 v12, v22;
	v30 =	vld.idx.msk [tilespmem:v32+s22+$0x0], $0xffff  }
0xd9: {  	s17 =	sadd.s32 $0x1, s21;
	v12 =	vadd.s32 s21, v1;
	v13 =	vmul.f32 v27, v8;
	v27 =	vld.idx.msk [tilespmem:v33+s22+$0x0], $0xffff  }
0xda: {  	s18 =	sadd.s32 $0x3, s21;
	v19 =	vand.u32 $0xF, v12;
	v32 =	vadd.s32 s17, v1;
	s17 =	sadd.s32 $0x2, s21;
	v12 =	vmul.f32 v28, v8;
	v33 =	vld.idx.msk [tilespmem:v34+s22+$0x0], $0xffff  }
0xdb: {  	s23 =	sadd.s32 $0x6, s21;
	v21 =	vadd.s32 s18, v1;
	s18 =	sadd.s32 $0x5, s21;
	v34 =	vadd.s32 s17, v1;
	s17 =	sadd.s32 $0x4, s21;
	[tilespmem:v17+s3+$0x0] =	vst.idx.add.f32.msk $0xffff, v13;
	v13 =	vmul.f32 v29, v8  }
.Ltmp6:
0xdc: {  	v23 =	vadd.s32 s23, v1;
	v22 =	vadd.s32 s18, v1;
	v25 =	vadd.s32 s17, v1;
	[tilespmem:v15+s3+$0x0] =	vst.idx.add.f32.msk $0xffff, v12;
	(pc) =	sbr.rel @p1 .LBB2_8-.Ltmp6, $4  }
0xdd: {  	v17 =	vand.u32 $0x7, v32;
	v15 =	vand.u32 $0x7, v34;
	v24 =	vmul.f32 v24, v8;
	[tilespmem:v16+s3+$0x0] =	vst.idx.add.f32.msk $0xffff, v13  }
0xde: {  	v14 =	vand.u32 $0x7, v25;
	v16 =	vand.u32 $0x7, v21;
	v29 =	vmul.f32 v30, v8  }
0xdf: {  	v12 =	vand.u32 $0x7, v23;
	v13 =	vand.u32 $0x7, v22;
	[tilespmem:v26+s3+$0x0] =	vst.idx.add.f32.msk $0xffff, v24;
	v24 =	vmul.f32 v27, v8  }
0xe0: {  	v28 =	vand.u32 $0xF, v32;
	s21 =	sadd.s32 $0x8, s21;
	s17 =	sadd.s32 $0x7, s12;
	v27 =	vand.u32 $0xF, v34;
	v26 =	vmul.f32 v33, v8;
	[tilespmem:v31+s3+$0x0] =	vst.idx.add.f32.msk $0xffff, v29  }
0xe1: {  	v29 =	vadd.s32 s17, v1;
	v21 =	vand.u32 $0xF, v21  }
0xe2: {  	s12 =	sand.u32 $0x70, s12;
	v25 =	vand.u32 $0xF, v25;
	v22 =	vand.u32 $0xF, v22;
	v23 =	vand.u32 $0xF, v23  }
0xe3: {  	v30 =	vand.u32 $0xF, v29;
	v28 =	vor.u32 s12, v28;
	v29 =	vand.u32 $0x7, v29  }
0xe4: {  	v27 =	vor.u32 s12, v27;
	v21 =	vor.u32 s12, v21;
	v25 =	vor.u32 s12, v25  }
0xe5: {  	v22 =	vor.u32 s12, v22;
	v23 =	vor.u32 s12, v23;
	v19 =	vor.u32 s12, v19  }
0xe6: {  	v30 =	vor.u32 s12, v30;
	v32 =	vand.u32 $0x78, v28;
	v33 =	vand.u32 $0x78, v27  }
0xe7: {  	v34 =	vand.u32 $0x78, v21;
	v35 =	vand.u32 $0x78, v25;
	v43 =	vand.u32 $0x78, v19  }
0xe8: {  	v39 =	vand.u32 $0x78, v22;
	v32 =	vadd.s32 v11, v32;
	v10 =	vadd.s32 v10, v43  }
0xe9: {  	[tilespmem:v20+s3+$0x0] =	vst.idx.add.f32.msk $0xffff, v24;
	v40 =	vand.u32 $0x78, v23;
	v33 =	vadd.s32 v11, v33;
	v32 =	vor.u32 v17, v32  }
0xea: {  	v47 =	vadd.s32 v9, v28;
	v34 =	vadd.s32 v11, v34;
	v33 =	vor.u32 v15, v33  }
0xeb: {  	[tilespmem:v18+s3+$0x0] =	vst.idx.add.f32.msk $0xffff, v26;
	v31 =	vand.u32 $0x78, v30;
	v41 =	vadd.s32 v11, v35;
	v34 =	vor.u32 v16, v34  }
0xec: {  	v30 =	vadd.s32 v9, v30;
	v31 =	vadd.s32 v11, v31;
	v44 =	vor.u32 v14, v41  }
0xed: {  	v42 =	vadd.s32 v11, v40;
	v30 =	vand.u32 $0x3FFF8, v30;
	v31 =	vor.u32 v29, v31;
	v10 =	vld.idx.msk [tilespmem:v10+s22+$0x0], $0xffff  }
0xee: {  	v29 =	vor.u32 v29, v30;
	v30 =	vadd.s32 v11, v39;
	v11 =	vor.u32 v12, v42;
	v46 =	vld.idx.msk [tilespmem:v32+s22+$0x0], $0xffff  }
0xef: {  	v27 =	vadd.s32 v9, v27;
	v26 =	vand.u32 $0x3FFF8, v47;
	v45 =	vor.u32 v13, v30;
	v48 =	vld.idx.msk [tilespmem:v33+s22+$0x0], $0xffff  }
0xf0: {  	v21 =	vadd.s32 v9, v21;
	v27 =	vand.u32 $0x3FFF8, v27;
	v51 =	vor.u32 v17, v26;
	v50 =	vld.idx.msk [tilespmem:v34+s22+$0x0], $0xffff  }
0xf1: {  	v25 =	vadd.s32 v9, v25;
	v21 =	vand.u32 $0x3FFF8, v21;
	v52 =	vor.u32 v15, v27;
	v20 =	vld.idx.msk [tilespmem:v44+s22+$0x0], $0xffff  }
0xf2: {  	v19 =	vadd.s32 v9, v19;
	v54 =	vand.u32 $0x3FFF8, v25;
	v55 =	vor.u32 v16, v21;
	v31 =	vld.idx.msk [tilespmem:v31+s22+$0x0], $0xffff  }
0xf3: {  	v53 =	vadd.s32 v9, v23;
	v57 =	vor.u32 v14, v54;
	v11 =	vld.idx.msk [tilespmem:v11+s22+$0x0], $0xffff;
	v18 =	vmul.f32 v46, v8  }
0xf4: {  	v22 =	vadd.s32 v9, v22;
	v9 =	vand.u32 $0x3FFF8, v53;
	v56 =	vld.idx.msk [tilespmem:v45+s22+$0x0], $0xffff;
	v59 =	vmul.f32 v48, v8  }
0xf5: {  	v22 =	vand.u32 $0x3FFF8, v22;
	v9 =	vor.u32 v12, v9;
	v60 =	vmul.f32 v50, v8;
	[tilespmem:v51+s3+$0x0] =	vst.idx.add.f32.msk $0xffff, v18  }
0xf6: {  	s7 =	sadd.s32 $0x1, s7;
	v19 =	vand.u32 $0x3FFF8, v19;
	v58 =	vor.u32 v13, v22;
	v62 =	vmul.f32 v20, v8;
	[tilespmem:v52+s3+$0x0] =	vst.idx.add.f32.msk $0xffff, v59  }
0xf7: {  	p1 =	sne.s32 s7, $0x8;
	v61 =	vor.u32 v4, v19;
	v49 =	vmul.f32 v31, v8;
	[tilespmem:v55+s3+$0x0] =	vst.idx.add.f32.msk $0xffff, v60  }
.Ltmp7:
0xf8: {  	v11 =	vmul.f32 v11, v8;
	[tilespmem:v57+s3+$0x0] =	vst.idx.add.f32.msk $0xffff, v62;
	(pc) =	sbr.rel @p1 .LBB2_7-.Ltmp7, $4  }
0xf9: {  	v63 =	vmul.f32 v56, v8;
	[tilespmem:v29+s3+$0x0] =	vst.idx.add.f32.msk $0xffff, v49  }
0xfa: {  	v8 =	vmul.f32 v10, v8;
	[tilespmem:v9+s3+$0x0] =	vst.idx.add.f32.msk $0xffff, v11  }
0xfb: {  	[tilespmem:v58+s3+$0x0] =	vst.idx.add.f32.msk $0xffff, v63  }
0xfc: {  	[tilespmem:v61+s3+$0x0] =	vst.idx.add.f32.msk $0xffff, v8  }
0xfd: {  	s6 =	rddreg [dreg:$0xf]  }
0xfe: {  	s21 =	sadd.s32 s16, s6  }
0xff: {  	p1 =	slt.s32 s21, $0xF41C0;
	s7 =	smov.u32 s21  }
0x100: {  	s7 =	simm.s32 @!p1 $0xF41C0  }
0x101: {  	s12 =	sshrl.u32 s7, $0x3  }
0x102: {  	s6 =	simm.s32 $0x0;
	s17 =	sadd.s32 s1, s12  }
0x103: {  	[tilespmem:s24], [sflag:$0x1] =	stream.linear.gather [hbm4b:s17+s6], $0x80, $0x38;
	[tilespmem:$0x195D0] =	vst v63  }
0x104: {  	s14 =	simm.s32 $0x1D0;
	s23 =	sadd.s32 s2, s12  }
0x105: {  	[tilespmem:s14], [sflag:$0x1] =	stream.linear.gather [hbm4b:s23+s6], $0x80, $0x38;
	[tilespmem:$0x195D0] =	vst v63  }
0x106: {  	s12 =	sadd.s32 s4, s12;
	s24 =	simm.s32 $0x350  }
0x107: {  	[tilespmem:s24], [sflag:$0x1] =	stream.linear.gather [hbm4b:s12+s6], $0x80, $0x38;
	[tilespmem:$0x195D0] =	vst v63  }
0x108: {  	_ =	swait.ge [sflag:s8], $0x80  }
0x109: {  	[sflag:s8] =	ssyncset.done $0x0  }
0x10a: {  	[sflag:s8] =	ssyncadd.s32 $0xFFFFFF80  }
0x10b: {  	_ =	swait.ge [sflag:s8], $0x80  }
0x10c: {  	[sflag:s8] =	ssyncset.done $0x0  }
0x10d: {  	[sflag:s8] =	ssyncadd.s32 $0xFFFFFF80  }
0x10e: {  	_ =	swait.ge [sflag:s8], $0x80  }
0x10f: {  	[sflag:s8] =	ssyncset.done $0x0  }
0x110: {  	s18 =	simm.s32 $0x150;
	s17 =	simm.s32 $0x4D0;
	[sflag:s8] =	ssyncadd.s32 $0xFFFFFF80  }
0x111: {  	[tilespmem:s17], [sflag:$0x4] =	stream.indirect.gather [hbm4b:s0+s20], $0x1, s18, s20, $0xb8;
	[tilespmem:$0x195D0] =	vst v63  }
0x112: {  	s23 =	simm.s32 $0x2D0  }
0x113: {  	[tilespmem:s22], [sflag:$0x6] =	stream.indirect.gather [hbm4b:s9+s20], $0x50, s23, s20, $0xb8;
	[tilespmem:$0x195D0] =	vst v63  }
0x114: {  	_ =	swait.ge [sflag:s5], $0x80  }
0x115: {  	[sflag:s5] =	ssyncset.done $0x0  }
0x116: {  	s24 =	sadd.s32 s16, s15;
	[sflag:s5] =	ssyncadd.s32 $0xFFFFFF80  }
0x117: {  	s12 =	sadd.s32 $0x80, s24;
	_ =	swait.ge [sflag:s11], $0x2800  }
0x118: {  	s10 =	simm.s32 $0x50;
	p1 =	slt.s32 s12, $0xF41C0;
	[sflag:s11] =	ssyncset.done $0x0  }
0x119: {  	v7 =	vmov s12;
	s12 =	simm.s32 @!p1 $0xF41C0;
	s23 =	simm.s32 $0x0;
	[sflag:s11] =	ssyncadd.s32 $0xFFFFD800  }
.LBB2_11:
0x11a: {  	s17 =	sshll.u32 s23, $0x4;
	v13 =	vadd.s32 s6, v1;
	s14 =	simm.s32 $0x2;
	s15 =	simm.s32 $0x3  }
0x11b: {  	s18 =	sadd.s32 s12, s17;
	v11 =	vmov s17;
	v14 =	vadd.s32 s14, v1;
	v15 =	vadd.s32 s15, v1;
	s14 =	simm.s32 $0x5  }
0x11c: {  	s15 =	simm.s32 $0x6;
	v10 =	vadd.s32 s18, v1;
	v11 =	vmul.u32 $0x50, v11;
	v17 =	vadd.s32 s14, v1  }
0x11d: {  	v18 =	vadd.s32 s15, v1;
	v20 =	vand.u32 $0x7, v14;
	v21 =	vand.u32 $0x7, v15  }
0x11e: {  	v14 =	vand.u32 $0xF, v14;
	v15 =	vand.u32 $0xF, v15;
	vm0 =	vge.s32 v10, v7  }
0x11f: {  	s14 =	simm.s32 $0x7;
	vm2 =	vlt.s32 v10, v5;
	v23 =	vand.u32 $0x7, v17;
	v24 =	vand.u32 $0x7, v18  }
0x120: {  	v8 =	vld [tilespmem:s17+$0x3D0];
	s15 =	sand.u32 $0x70, s6;
	v25 =	vadd.s32 s14, v1;
	v17 =	vand.u32 $0xF, v17;
	v18 =	vand.u32 $0xF, v18  }
0x121: {  	v14 =	vor.u32 s15, v14;
	v15 =	vor.u32 s15, v15;
	v12 =	vbroadcast v11, $0x0  }
0x122: {  	v26 =	vand.u32 $0xF, v25;
	v17 =	vor.u32 s15, v17;
	v25 =	vand.u32 $0x7, v25  }
0x123: {  	v18 =	vor.u32 s15, v18;
	v29 =	vand.u32 $0x78, v14;
	v30 =	vand.u32 $0x78, v15  }
0x124: {  	v26 =	vor.u32 s15, v26;
	v32 =	vand.u32 $0x78, v17;
	v33 =	vand.u32 $0x78, v18  }
0x125: {  	vm1 =	vge.s32 v8, v6;
	v8 =	vsub.s32 v8, v6;
	v11 =	vadd.s32 v2, v12  }
0x126: {  	v9 =	vld [tilespmem:s17+$0x550];
	v27 =	vand.u32 $0x78, v26;
	vm0 =	vmand vm0, vm1;
	vm15 =	vgt.s32 v8, $0x0  }
0x127: {  	v27 =	vadd.s32 v11, v27;
	v29 =	vadd.s32 v11, v29;
	v30 =	vadd.s32 v11, v30  }
0x128: {  	v32 =	vadd.s32 v11, v32;
	v33 =	vadd.s32 v11, v33;
	vm0 =	vmand vm0, vm2  }
0x129: {  	v10 =	vnsel vm15, $0x0, v8;
	v27 =	vor.u32 v25, v27;
	v29 =	vor.u32 v20, v29  }
0x12a: {  	v30 =	vor.u32 v21, v30;
	v32 =	vor.u32 v23, v32;
	v33 =	vor.u32 v24, v33  }
0x12b: {  	s24 =	simm.s32 $0x1;
	v8 =	vnsel vm0, $0x0, v9;
	v9 =	vmin.u32 v10, $0x3FF;
	v10 =	vadd.s32 v3, v12  }
0x12c: {  	v12 =	vand.u32 $0xF, v13;
	v13 =	vadd.s32 s24, v1;
	s24 =	simm.s32 $0x4;
	v9 =	vmul.u32 $0x50, v9  }
0x12d: {  	v16 =	vadd.s32 s24, v1;
	v19 =	vand.u32 $0x7, v13;
	v13 =	vand.u32 $0xF, v13  }
0x12e: {  	v12 =	vor.u32 s15, v12;
	v22 =	vand.u32 $0x7, v16;
	v16 =	vand.u32 $0xF, v16  }
0x12f: {  	v13 =	vor.u32 s15, v13;
	v34 =	vand.u32 $0x78, v12;
	v16 =	vor.u32 s15, v16  }
0x130: {  	v28 =	vand.u32 $0x78, v13;
	v26 =	vadd.s32 v9, v26;
	v13 =	vadd.s32 v9, v13  }
0x131: {  	v14 =	vadd.s32 v9, v14;
	v12 =	vadd.s32 v9, v12;
	v28 =	vadd.s32 v11, v28  }
0x132: {  	v18 =	vadd.s32 v9, v18;
	v31 =	vand.u32 $0x78, v16;
	v28 =	vor.u32 v19, v28  }
0x133: {  	v26 =	vand.u32 $0x3FFF8, v26;
	v13 =	vand.u32 $0x3FFF8, v13;
	v14 =	vand.u32 $0x3FFF8, v14  }
0x134: {  	v27 =	vld.idx.msk [tilespmem:v27+s29+$0x0], $0xffff;
	v12 =	vand.u32 $0x3FFF8, v12;
	v31 =	vadd.s32 v11, v31;
	v13 =	vor.u32 v19, v13  }
0x135: {  	v19 =	vand.u32 $0x3FFF8, v18;
	v18 =	vor.u32 v4, v12;
	v12 =	vld.idx.msk [tilespmem:v32+s29+$0x0], $0xffff;
	v31 =	vor.u32 v22, v31  }
0x136: {  	s14 =	simm.s32 $0xA;
	v25 =	vor.u32 v25, v26;
	v14 =	vor.u32 v20, v14;
	v20 =	vor.u32 v24, v19;
	v24 =	vld.idx.msk [tilespmem:v33+s29+$0x0], $0xffff  }
0x137: {  	v63 =	vadd.s32 s14, v1;
	v26 =	vld.idx.msk [tilespmem:v28+s29+$0x0], $0xffff  }
0x138: {  	v34 =	vadd.s32 v10, v34;
	v15 =	vadd.s32 v9, v15;
	v17 =	vadd.s32 v9, v17;
	v28 =	vld.idx.msk [tilespmem:v29+s29+$0x0], $0xffff  }
0x139: {  	v16 =	vadd.s32 v9, v16;
	v17 =	vand.u32 $0x3FFF8, v17;
	v27 =	vmul.f32 v27, v8;
	v29 =	vld.idx.msk [tilespmem:v30+s29+$0x0], $0xffff  }
0x13a: {  	s14 =	simm.s32 $0xE;
	v15 =	vand.u32 $0x3FFF8, v15;
	v16 =	vand.u32 $0x3FFF8, v16;
	v35 =	vor.u32 v23, v17;
	v30 =	vld.idx.msk [tilespmem:v31+s29+$0x0], $0xffff  }
0x13b: {  	s24 =	simm.s32 $0x8;
	s15 =	simm.s32 $0xB;
	v23 =	vadd.s32 s14, v1;
	[tilespmem:v25+s3+$0x0] =	vst.idx.add.f32.msk $0xffff, v27;
	v27 =	vor.u32 v21, v15;
	v31 =	vor.u32 v22, v16  }
0x13c: {  	v15 =	vadd.s32 s24, v1;
	v21 =	vadd.s32 s15, v1;
	v16 =	vmul.f32 v26, v8  }
0x13d: {  	s18 =	simm.s32 $0x9;
	v62 =	vld.idx.msk [tilespmem:v34+s29+$0x0], $0xffff;
	s15 =	simm.s32 $0xD;
	v24 =	vmul.f32 v24, v8;
	v19 =	vand.u32 $0xF, v15;
	v15 =	vmul.f32 v28, v8  }
0x13e: {  	v22 =	vadd.s32 s15, v1;
	v26 =	vadd.s32 s18, v1;
	s18 =	simm.s32 $0xC;
	v28 =	vmul.f32 v29, v8;
	[tilespmem:v13+s3+$0x0] =	vst.idx.add.f32.msk $0xffff, v16  }
0x13f: {  	v25 =	vadd.s32 s18, v1;
	v17 =	vand.u32 $0x7, v26;
	v29 =	vmul.f32 v30, v8;
	[tilespmem:v14+s3+$0x0] =	vst.idx.add.f32.msk $0xffff, v15  }
0x140: {  	v30 =	vmul.f32 v12, v8;
	v12 =	vand.u32 $0x7, v23;
	v15 =	vand.u32 $0x7, v63;
	[tilespmem:v27+s3+$0x0] =	vst.idx.add.f32.msk $0xffff, v28  }
0x141: {  	v16 =	vand.u32 $0x7, v21;
	v14 =	vand.u32 $0x7, v25;
	v13 =	vand.u32 $0x7, v22;
	[tilespmem:v31+s3+$0x0] =	vst.idx.add.f32.msk $0xffff, v29  }
0x142: {  	s17 =	simm.s32 $0x10;
	s18 =	simm.s32 $0xF;
	v28 =	vand.u32 $0xF, v26;
	v27 =	vand.u32 $0xF, v63;
	v26 =	vmul.f32 v62, v8;
	[tilespmem:v35+s3+$0x0] =	vst.idx.add.f32.msk $0xffff, v30  }
.LBB2_12:
0x143: {  	p1 =	slt.u32 s17, $0x48;
	v21 =	vand.u32 $0xF, v21;
	v25 =	vand.u32 $0xF, v25;
	v29 =	vadd.s32 s18, v1;
	[tilespmem:v20+s3+$0x0] =	vst.idx.add.f32.msk $0xffff, v24  }
0x144: {  	s14 =	sand.u32 $0x70, s24;
	v20 =	vand.u32 $0xF, v22;
	v22 =	vand.u32 $0xF, v23;
	s24 =	smov.u32 s17;
	v23 =	vand.u32 $0xF, v29;
	[tilespmem:v18+s3+$0x0] =	vst.idx.add.f32.msk $0xffff, v26  }
0x145: {  	v18 =	vor.u32 s14, v28;
	v24 =	vor.u32 s14, v27;
	v23 =	vor.u32 s14, v23  }
0x146: {  	v21 =	vor.u32 s14, v21;
	v25 =	vor.u32 s14, v25;
	v26 =	vand.u32 $0x78, v23  }
0x147: {  	v20 =	vor.u32 s14, v20;
	v27 =	vand.u32 $0x7, v29;
	v26 =	vadd.s32 v11, v26  }
0x148: {  	v22 =	vor.u32 s14, v22;
	v28 =	vand.u32 $0x78, v18;
	v26 =	vor.u32 v27, v26  }
0x149: {  	v29 =	vand.u32 $0x78, v24;
	v30 =	vand.u32 $0x78, v21;
	v31 =	vand.u32 $0x78, v25  }
0x14a: {  	v19 =	vor.u32 s14, v19;
	v32 =	vand.u32 $0x78, v20;
	v33 =	vand.u32 $0x78, v22  }
0x14b: {  	v28 =	vadd.s32 v11, v28;
	v29 =	vadd.s32 v11, v29;
	v30 =	vadd.s32 v11, v30  }
0x14c: {  	v31 =	vadd.s32 v11, v31;
	v32 =	vadd.s32 v11, v32;
	v33 =	vadd.s32 v11, v33  }
0x14d: {  	v34 =	vand.u32 $0x78, v19;
	v28 =	vor.u32 v17, v28;
	v29 =	vor.u32 v15, v29;
	v26 =	vld.idx.msk [tilespmem:v26+s29+$0x0], $0xffff  }
0x14e: {  	v23 =	vadd.s32 v9, v23;
	v30 =	vor.u32 v16, v30;
	v31 =	vor.u32 v14, v31  }
0x14f: {  	v32 =	vor.u32 v13, v32;
	v33 =	vor.u32 v12, v33;
	v23 =	vand.u32 $0x3FFF8, v23  }
0x150: {  	v18 =	vadd.s32 v9, v18;
	v34 =	vadd.s32 v10, v34;
	v23 =	vor.u32 v27, v23  }
0x151: {  	v24 =	vadd.s32 v9, v24;
	v21 =	vadd.s32 v9, v21;
	v25 =	vadd.s32 v9, v25  }
0x152: {  	v19 =	vadd.s32 v9, v19;
	v20 =	vadd.s32 v9, v20;
	v22 =	vadd.s32 v9, v22;
	v27 =	vld.idx.msk [tilespmem:v28+s29+$0x0], $0xffff  }
0x153: {  	v18 =	vand.u32 $0x3FFF8, v18;
	v24 =	vand.u32 $0x3FFF8, v24;
	v26 =	vmul.f32 v26, v8;
	v28 =	vld.idx.msk [tilespmem:v29+s29+$0x0], $0xffff  }
0x154: {  	v21 =	vand.u32 $0x3FFF8, v21;
	v25 =	vand.u32 $0x3FFF8, v25;
	v20 =	vand.u32 $0x3FFF8, v20;
	v29 =	vld.idx.msk [tilespmem:v30+s29+$0x0], $0xffff  }
0x155: {  	v19 =	vand.u32 $0x3FFF8, v19;
	v22 =	vand.u32 $0x3FFF8, v22;
	v17 =	vor.u32 v17, v18;
	[tilespmem:v23+s3+$0x0] =	vst.idx.add.f32.msk $0xffff, v26  }
0x156: {  	v15 =	vor.u32 v15, v24;
	v16 =	vor.u32 v16, v21;
	v26 =	vor.u32 v14, v25;
	v24 =	vld.idx.msk [tilespmem:v31+s29+$0x0], $0xffff  }
0x157: {  	v18 =	vor.u32 v4, v19;
	v31 =	vor.u32 v13, v20;
	v20 =	vor.u32 v12, v22;
	v30 =	vld.idx.msk [tilespmem:v32+s29+$0x0], $0xffff  }
0x158: {  	s14 =	sadd.s32 $0x1, s17;
	v12 =	vadd.s32 s17, v1;
	v13 =	vmul.f32 v27, v8;
	v27 =	vld.idx.msk [tilespmem:v33+s29+$0x0], $0xffff  }
0x159: {  	s18 =	sadd.s32 $0x3, s17;
	v19 =	vand.u32 $0xF, v12;
	v32 =	vadd.s32 s14, v1;
	s14 =	sadd.s32 $0x2, s17;
	v12 =	vmul.f32 v28, v8;
	v33 =	vld.idx.msk [tilespmem:v34+s29+$0x0], $0xffff  }
0x15a: {  	s15 =	sadd.s32 $0x6, s17;
	v21 =	vadd.s32 s18, v1;
	s18 =	sadd.s32 $0x5, s17;
	v34 =	vadd.s32 s14, v1;
	s14 =	sadd.s32 $0x4, s17;
	[tilespmem:v17+s3+$0x0] =	vst.idx.add.f32.msk $0xffff, v13;
	v13 =	vmul.f32 v29, v8  }
.Ltmp8:
0x15b: {  	v23 =	vadd.s32 s15, v1;
	v22 =	vadd.s32 s18, v1;
	v25 =	vadd.s32 s14, v1;
	[tilespmem:v15+s3+$0x0] =	vst.idx.add.f32.msk $0xffff, v12;
	(pc) =	sbr.rel @p1 .LBB2_12-.Ltmp8, $4  }
0x15c: {  	v17 =	vand.u32 $0x7, v32;
	v15 =	vand.u32 $0x7, v34;
	v24 =	vmul.f32 v24, v8;
	[tilespmem:v16+s3+$0x0] =	vst.idx.add.f32.msk $0xffff, v13  }
0x15d: {  	v14 =	vand.u32 $0x7, v25;
	v16 =	vand.u32 $0x7, v21;
	v29 =	vmul.f32 v30, v8  }
0x15e: {  	v12 =	vand.u32 $0x7, v23;
	v13 =	vand.u32 $0x7, v22;
	[tilespmem:v26+s3+$0x0] =	vst.idx.add.f32.msk $0xffff, v24;
	v24 =	vmul.f32 v27, v8  }
0x15f: {  	s18 =	sadd.s32 $0x7, s24;
	v28 =	vand.u32 $0xF, v32;
	s17 =	sadd.s32 $0x8, s17;
	v27 =	vand.u32 $0xF, v34;
	v26 =	vmul.f32 v33, v8;
	[tilespmem:v31+s3+$0x0] =	vst.idx.add.f32.msk $0xffff, v29  }
0x160: {  	v29 =	vadd.s32 s18, v1;
	v21 =	vand.u32 $0xF, v21  }
0x161: {  	s14 =	sand.u32 $0x70, s24;
	v25 =	vand.u32 $0xF, v25;
	v22 =	vand.u32 $0xF, v22;
	v23 =	vand.u32 $0xF, v23  }
0x162: {  	v30 =	vand.u32 $0xF, v29;
	v28 =	vor.u32 s14, v28;
	v29 =	vand.u32 $0x7, v29  }
0x163: {  	v27 =	vor.u32 s14, v27;
	v21 =	vor.u32 s14, v21;
	v25 =	vor.u32 s14, v25  }
0x164: {  	v22 =	vor.u32 s14, v22;
	v23 =	vor.u32 s14, v23;
	v19 =	vor.u32 s14, v19  }
0x165: {  	v30 =	vor.u32 s14, v30;
	v32 =	vand.u32 $0x78, v28;
	v33 =	vand.u32 $0x78, v27  }
0x166: {  	v34 =	vand.u32 $0x78, v21;
	v35 =	vand.u32 $0x78, v25;
	v43 =	vand.u32 $0x78, v19  }
0x167: {  	v39 =	vand.u32 $0x78, v22;
	v32 =	vadd.s32 v11, v32;
	v10 =	vadd.s32 v10, v43  }
0x168: {  	[tilespmem:v20+s3+$0x0] =	vst.idx.add.f32.msk $0xffff, v24;
	v40 =	vand.u32 $0x78, v23;
	v33 =	vadd.s32 v11, v33;
	v32 =	vor.u32 v17, v32  }
0x169: {  	v47 =	vadd.s32 v9, v28;
	v34 =	vadd.s32 v11, v34;
	v33 =	vor.u32 v15, v33  }
0x16a: {  	[tilespmem:v18+s3+$0x0] =	vst.idx.add.f32.msk $0xffff, v26;
	v31 =	vand.u32 $0x78, v30;
	v41 =	vadd.s32 v11, v35;
	v34 =	vor.u32 v16, v34  }
0x16b: {  	v30 =	vadd.s32 v9, v30;
	v31 =	vadd.s32 v11, v31;
	v44 =	vor.u32 v14, v41  }
0x16c: {  	v42 =	vadd.s32 v11, v40;
	v30 =	vand.u32 $0x3FFF8, v30;
	v31 =	vor.u32 v29, v31;
	v10 =	vld.idx.msk [tilespmem:v10+s29+$0x0], $0xffff  }
0x16d: {  	v29 =	vor.u32 v29, v30;
	v30 =	vadd.s32 v11, v39;
	v11 =	vor.u32 v12, v42;
	v46 =	vld.idx.msk [tilespmem:v32+s29+$0x0], $0xffff  }
0x16e: {  	v27 =	vadd.s32 v9, v27;
	v26 =	vand.u32 $0x3FFF8, v47;
	v45 =	vor.u32 v13, v30;
	v48 =	vld.idx.msk [tilespmem:v33+s29+$0x0], $0xffff  }
0x16f: {  	v21 =	vadd.s32 v9, v21;
	v27 =	vand.u32 $0x3FFF8, v27;
	v51 =	vor.u32 v17, v26;
	v50 =	vld.idx.msk [tilespmem:v34+s29+$0x0], $0xffff  }
0x170: {  	v25 =	vadd.s32 v9, v25;
	v21 =	vand.u32 $0x3FFF8, v21;
	v52 =	vor.u32 v15, v27;
	v20 =	vld.idx.msk [tilespmem:v44+s29+$0x0], $0xffff  }
0x171: {  	v19 =	vadd.s32 v9, v19;
	v54 =	vand.u32 $0x3FFF8, v25;
	v55 =	vor.u32 v16, v21;
	v31 =	vld.idx.msk [tilespmem:v31+s29+$0x0], $0xffff  }
0x172: {  	v53 =	vadd.s32 v9, v23;
	v57 =	vor.u32 v14, v54;
	v11 =	vld.idx.msk [tilespmem:v11+s29+$0x0], $0xffff;
	v18 =	vmul.f32 v46, v8  }
0x173: {  	v22 =	vadd.s32 v9, v22;
	v9 =	vand.u32 $0x3FFF8, v53;
	v56 =	vld.idx.msk [tilespmem:v45+s29+$0x0], $0xffff;
	v59 =	vmul.f32 v48, v8  }
0x174: {  	v22 =	vand.u32 $0x3FFF8, v22;
	v9 =	vor.u32 v12, v9;
	v60 =	vmul.f32 v50, v8;
	[tilespmem:v51+s3+$0x0] =	vst.idx.add.f32.msk $0xffff, v18  }
0x175: {  	s23 =	sadd.s32 $0x1, s23;
	v19 =	vand.u32 $0x3FFF8, v19;
	v58 =	vor.u32 v13, v22;
	v62 =	vmul.f32 v20, v8;
	[tilespmem:v52+s3+$0x0] =	vst.idx.add.f32.msk $0xffff, v59  }
0x176: {  	p1 =	sne.s32 s23, $0x8;
	v61 =	vor.u32 v4, v19;
	v49 =	vmul.f32 v31, v8;
	[tilespmem:v55+s3+$0x0] =	vst.idx.add.f32.msk $0xffff, v60  }
.Ltmp9:
0x177: {  	v11 =	vmul.f32 v11, v8;
	[tilespmem:v57+s3+$0x0] =	vst.idx.add.f32.msk $0xffff, v62;
	(pc) =	sbr.rel @p1 .LBB2_11-.Ltmp9, $4  }
0x178: {  	v63 =	vmul.f32 v56, v8;
	[tilespmem:v29+s3+$0x0] =	vst.idx.add.f32.msk $0xffff, v49  }
0x179: {  	v8 =	vmul.f32 v10, v8;
	[tilespmem:v9+s3+$0x0] =	vst.idx.add.f32.msk $0xffff, v11  }
0x17a: {  	[tilespmem:v58+s3+$0x0] =	vst.idx.add.f32.msk $0xffff, v63  }
0x17b: {  	[tilespmem:v61+s3+$0x0] =	vst.idx.add.f32.msk $0xffff, v8  }
0x17c: {  	s6 =	rddreg [dreg:$0x10]  }
0x17d: {  	s6 =	sadd.s32 s16, s6  }
0x17e: {  	p1 =	slt.s32 s6, $0xF41C0;
	s12 =	smov.u32 s6  }
0x17f: {  	s12 =	simm.s32 @!p1 $0xF41C0  }
0x180: {  	s14 =	sshrl.u32 s12, $0x3  }
0x181: {  	s23 =	simm.s32 $0x0;
	s17 =	simm.s32 $0xD0;
	s15 =	sadd.s32 s1, s14  }
0x182: {  	[tilespmem:s17], [sflag:$0x2] =	stream.linear.gather [hbm4b:s15+s23], $0x80, $0x38;
	[tilespmem:$0x195D0] =	vst v63  }
0x183: {  	s24 =	simm.s32 $0x250;
	s18 =	sadd.s32 s2, s14  }
0x184: {  	[tilespmem:s24], [sflag:$0x2] =	stream.linear.gather [hbm4b:s18+s23], $0x80, $0x38;
	[tilespmem:$0x195D0] =	vst v63  }
0x185: {  	s14 =	sadd.s32 s4, s14;
	s17 =	simm.s32 $0x3D0  }
0x186: {  	[tilespmem:s17], [sflag:$0x2] =	stream.linear.gather [hbm4b:s14+s23], $0x80, $0x38;
	[tilespmem:$0x195D0] =	vst v63  }
0x187: {  	_ =	swait.ge [sflag:s13], $0x80  }
0x188: {  	[sflag:s13] =	ssyncset.done $0x0  }
0x189: {  	[sflag:s13] =	ssyncadd.s32 $0xFFFFFF80  }
0x18a: {  	_ =	swait.ge [sflag:s13], $0x80  }
0x18b: {  	[sflag:s13] =	ssyncset.done $0x0  }
0x18c: {  	[sflag:s13] =	ssyncadd.s32 $0xFFFFFF80  }
0x18d: {  	_ =	swait.ge [sflag:s13], $0x80  }
0x18e: {  	[sflag:s13] =	ssyncset.done $0x0  }
0x18f: {  	s18 =	simm.s32 $0x550;
	[sflag:s13] =	ssyncadd.s32 $0xFFFFFF80  }
0x190: {  	[tilespmem:s18], [sflag:$0x5] =	stream.indirect.gather [hbm4b:s0+s20], $0x1, s10, s20, $0xb8;
	[tilespmem:$0x195D0] =	vst v63  }
0x191: {  	s24 =	simm.s32 $0x1D0  }
0x192: {  	[tilespmem:s29], [sflag:$0x7] =	stream.indirect.gather [hbm4b:s9+s20], $0x50, s24, s20, $0xb8;
	[tilespmem:$0x195D0] =	vst v63  }
0x193: {  	_ =	swait.ge [sflag:s30], $0x80  }
0x194: {  	[sflag:s30] =	ssyncset.done $0x0  }
0x195: {  	[sflag:s30] =	ssyncadd.s32 $0xFFFFFF80  }
0x196: {  	_ =	swait.ge [sflag:s31], $0x2800  }
0x197: {  	[sflag:s31] =	ssyncset.done $0x0  }
0x198: {  	v7 =	vmov s28;
	s28 =	simm.s32 $0x0;
	[sflag:s31] =	ssyncadd.s32 $0xFFFFD800  }
.LBB2_15:
0x199: {  	s14 =	sshll.u32 s28, $0x4  }
0x19a: {  	v13 =	vadd.s32 s23, v1;
	s24 =	simm.s32 $0x2;
	s10 =	simm.s32 $0x3;
	s17 =	simm.s32 $0x4;
	v11 =	vmov s14  }
0x19b: {  	s15 =	sadd.s32 s19, s14;
	v14 =	vadd.s32 s24, v1;
	v15 =	vadd.s32 s10, v1;
	s24 =	simm.s32 $0x6;
	v16 =	vadd.s32 s17, v1  }
0x19c: {  	v10 =	vadd.s32 s15, v1;
	v11 =	vmul.u32 $0x50, v11;
	v18 =	vadd.s32 s24, v1  }
0x19d: {  	v20 =	vand.u32 $0x7, v14;
	v21 =	vand.u32 $0x7, v15;
	v22 =	vand.u32 $0x7, v16  }
0x19e: {  	s10 =	simm.s32 $0x7;
	v14 =	vand.u32 $0xF, v14;
	v15 =	vand.u32 $0xF, v15;
	v16 =	vand.u32 $0xF, v16  }
0x19f: {  	v25 =	vadd.s32 s10, v1;
	vm0 =	vge.s32 v10, v7;
	vm2 =	vlt.s32 v10, v5  }
0x1a0: {  	v8 =	vld [tilespmem:s14+$0x450];
	s15 =	sand.u32 $0x70, s23;
	v24 =	vand.u32 $0x7, v18;
	v18 =	vand.u32 $0xF, v18;
	v26 =	vand.u32 $0xF, v25  }
0x1a1: {  	v14 =	vor.u32 s15, v14;
	v15 =	vor.u32 s15, v15;
	v16 =	vor.u32 s15, v16  }
0x1a2: {  	v25 =	vand.u32 $0x7, v25;
	v12 =	vbroadcast v11, $0x0;
	v26 =	vor.u32 s15, v26  }
0x1a3: {  	v18 =	vor.u32 s15, v18;
	v29 =	vand.u32 $0x78, v14;
	v30 =	vand.u32 $0x78, v15  }
0x1a4: {  	v31 =	vand.u32 $0x78, v16;
	v27 =	vand.u32 $0x78, v26;
	v33 =	vand.u32 $0x78, v18  }
0x1a5: {  	v9 =	vld [tilespmem:s14+$0x4D0];
	vm1 =	vge.s32 v8, v6;
	v8 =	vsub.s32 v8, v6;
	v11 =	vadd.s32 v2, v12  }
0x1a6: {  	vm0 =	vmand vm0, vm1;
	vm15 =	vgt.s32 v8, $0x0;
	v27 =	vadd.s32 v11, v27  }
0x1a7: {  	v29 =	vadd.s32 v11, v29;
	v30 =	vadd.s32 v11, v30;
	v31 =	vadd.s32 v11, v31  }
0x1a8: {  	v33 =	vadd.s32 v11, v33;
	vm0 =	vmand vm0, vm2;
	v10 =	vnsel vm15, $0x0, v8  }
0x1a9: {  	v27 =	vor.u32 v25, v27;
	v29 =	vor.u32 v20, v29;
	v30 =	vor.u32 v21, v30  }
0x1aa: {  	s18 =	simm.s32 $0x1;
	v31 =	vor.u32 v22, v31;
	v8 =	vnsel vm0, $0x0, v9;
	v9 =	vmin.u32 v10, $0x3FF  }
0x1ab: {  	v10 =	vadd.s32 v3, v12;
	v12 =	vand.u32 $0xF, v13;
	v13 =	vadd.s32 s18, v1  }
0x1ac: {  	v33 =	vor.u32 v24, v33;
	s18 =	simm.s32 $0x5;
	v19 =	vand.u32 $0x7, v13;
	v13 =	vand.u32 $0xF, v13  }
0x1ad: {  	v9 =	vmul.u32 $0x50, v9;
	v17 =	vadd.s32 s18, v1;
	v13 =	vor.u32 s15, v13  }
0x1ae: {  	v23 =	vand.u32 $0x7, v17;
	v17 =	vand.u32 $0xF, v17;
	v28 =	vand.u32 $0x78, v13  }
0x1af: {  	v12 =	vor.u32 s15, v12;
	v17 =	vor.u32 s15, v17;
	v28 =	vadd.s32 v11, v28  }
0x1b0: {  	v26 =	vadd.s32 v9, v26;
	v13 =	vadd.s32 v9, v13;
	v28 =	vor.u32 v19, v28  }
0x1b1: {  	v14 =	vadd.s32 v9, v14;
	v18 =	vadd.s32 v9, v18;
	v32 =	vand.u32 $0x78, v17  }
0x1b2: {  	v27 =	vld.idx.msk [tilespmem:v27+s22+$0x0], $0xffff;
	v26 =	vand.u32 $0x3FFF8, v26;
	v13 =	vand.u32 $0x3FFF8, v13;
	v14 =	vand.u32 $0x3FFF8, v14  }
0x1b3: {  	v32 =	vadd.s32 v11, v32;
	v13 =	vor.u32 v19, v13;
	v19 =	vand.u32 $0x3FFF8, v18  }
0x1b4: {  	s18 =	simm.s32 $0xA;
	v25 =	vor.u32 v25, v26;
	v14 =	vor.u32 v20, v14;
	v20 =	vor.u32 v24, v19;
	v24 =	vld.idx.msk [tilespmem:v33+s22+$0x0], $0xffff  }
0x1b5: {  	v34 =	vand.u32 $0x78, v12;
	v63 =	vadd.s32 s18, v1;
	v32 =	vor.u32 v23, v32;
	v26 =	vld.idx.msk [tilespmem:v28+s22+$0x0], $0xffff  }
0x1b6: {  	v34 =	vadd.s32 v10, v34;
	v15 =	vadd.s32 v9, v15;
	v16 =	vadd.s32 v9, v16;
	v28 =	vld.idx.msk [tilespmem:v29+s22+$0x0], $0xffff  }
0x1b7: {  	v12 =	vadd.s32 v9, v12;
	v17 =	vadd.s32 v9, v17;
	v27 =	vmul.f32 v27, v8;
	v29 =	vld.idx.msk [tilespmem:v30+s22+$0x0], $0xffff  }
0x1b8: {  	v15 =	vand.u32 $0x3FFF8, v15;
	v12 =	vand.u32 $0x3FFF8, v12;
	v17 =	vand.u32 $0x3FFF8, v17;
	v30 =	vld.idx.msk [tilespmem:v31+s22+$0x0], $0xffff  }
0x1b9: {  	s18 =	simm.s32 $0xE;
	v16 =	vand.u32 $0x3FFF8, v16;
	v18 =	vor.u32 v4, v12;
	v35 =	vor.u32 v23, v17;
	[tilespmem:v25+s3+$0x0] =	vst.idx.add.f32.msk $0xffff, v27  }
0x1ba: {  	s24 =	simm.s32 $0x8;
	s10 =	simm.s32 $0xB;
	v23 =	vadd.s32 s18, v1;
	v31 =	vor.u32 v22, v16;
	v27 =	vor.u32 v21, v15;
	v12 =	vld.idx.msk [tilespmem:v32+s22+$0x0], $0xffff  }
0x1bb: {  	s15 =	simm.s32 $0xC;
	v15 =	vadd.s32 s24, v1;
	v21 =	vadd.s32 s10, v1;
	v16 =	vmul.f32 v26, v8  }
0x1bc: {  	s17 =	simm.s32 $0x9;
	v62 =	vld.idx.msk [tilespmem:v34+s22+$0x0], $0xffff;
	v25 =	vadd.s32 s15, v1;
	v19 =	vand.u32 $0xF, v15;
	v15 =	vmul.f32 v28, v8  }
0x1bd: {  	v24 =	vmul.f32 v24, v8;
	v26 =	vadd.s32 s17, v1;
	s17 =	simm.s32 $0xD;
	v28 =	vmul.f32 v29, v8;
	[tilespmem:v13+s3+$0x0] =	vst.idx.add.f32.msk $0xffff, v16  }
0x1be: {  	v29 =	vmul.f32 v30, v8;
	v22 =	vadd.s32 s17, v1;
	v17 =	vand.u32 $0x7, v26;
	[tilespmem:v14+s3+$0x0] =	vst.idx.add.f32.msk $0xffff, v15  }
0x1bf: {  	v30 =	vmul.f32 v12, v8;
	v12 =	vand.u32 $0x7, v23;
	v15 =	vand.u32 $0x7, v63;
	[tilespmem:v27+s3+$0x0] =	vst.idx.add.f32.msk $0xffff, v28  }
0x1c0: {  	v16 =	vand.u32 $0x7, v21;
	v14 =	vand.u32 $0x7, v25;
	v13 =	vand.u32 $0x7, v22;
	[tilespmem:v31+s3+$0x0] =	vst.idx.add.f32.msk $0xffff, v29  }
0x1c1: {  	s18 =	simm.s32 $0xF;
	s17 =	simm.s32 $0x10;
	v28 =	vand.u32 $0xF, v26;
	v27 =	vand.u32 $0xF, v63;
	v26 =	vmul.f32 v62, v8;
	[tilespmem:v35+s3+$0x0] =	vst.idx.add.f32.msk $0xffff, v30  }
.LBB2_16:
0x1c2: {  	p1 =	slt.u32 s17, $0x48;
	v21 =	vand.u32 $0xF, v21;
	v25 =	vand.u32 $0xF, v25;
	v29 =	vadd.s32 s18, v1;
	[tilespmem:v20+s3+$0x0] =	vst.idx.add.f32.msk $0xffff, v24  }
0x1c3: {  	s14 =	sand.u32 $0x70, s24;
	v20 =	vand.u32 $0xF, v22;
	v22 =	vand.u32 $0xF, v23;
	s24 =	smov.u32 s17;
	v23 =	vand.u32 $0xF, v29;
	[tilespmem:v18+s3+$0x0] =	vst.idx.add.f32.msk $0xffff, v26  }
0x1c4: {  	v18 =	vor.u32 s14, v28;
	v24 =	vor.u32 s14, v27;
	v23 =	vor.u32 s14, v23  }
0x1c5: {  	v21 =	vor.u32 s14, v21;
	v25 =	vor.u32 s14, v25;
	v26 =	vand.u32 $0x78, v23  }
0x1c6: {  	v20 =	vor.u32 s14, v20;
	v27 =	vand.u32 $0x7, v29;
	v26 =	vadd.s32 v11, v26  }
0x1c7: {  	v22 =	vor.u32 s14, v22;
	v28 =	vand.u32 $0x78, v18;
	v26 =	vor.u32 v27, v26  }
0x1c8: {  	v29 =	vand.u32 $0x78, v24;
	v30 =	vand.u32 $0x78, v21;
	v31 =	vand.u32 $0x78, v25  }
0x1c9: {  	v19 =	vor.u32 s14, v19;
	v32 =	vand.u32 $0x78, v20;
	v33 =	vand.u32 $0x78, v22  }
0x1ca: {  	v28 =	vadd.s32 v11, v28;
	v29 =	vadd.s32 v11, v29;
	v30 =	vadd.s32 v11, v30  }
0x1cb: {  	v31 =	vadd.s32 v11, v31;
	v32 =	vadd.s32 v11, v32;
	v33 =	vadd.s32 v11, v33  }
0x1cc: {  	v34 =	vand.u32 $0x78, v19;
	v28 =	vor.u32 v17, v28;
	v29 =	vor.u32 v15, v29;
	v26 =	vld.idx.msk [tilespmem:v26+s22+$0x0], $0xffff  }
0x1cd: {  	v23 =	vadd.s32 v9, v23;
	v30 =	vor.u32 v16, v30;
	v31 =	vor.u32 v14, v31  }
0x1ce: {  	v32 =	vor.u32 v13, v32;
	v33 =	vor.u32 v12, v33;
	v23 =	vand.u32 $0x3FFF8, v23  }
0x1cf: {  	v18 =	vadd.s32 v9, v18;
	v34 =	vadd.s32 v10, v34;
	v23 =	vor.u32 v27, v23  }
0x1d0: {  	v24 =	vadd.s32 v9, v24;
	v21 =	vadd.s32 v9, v21;
	v25 =	vadd.s32 v9, v25  }
0x1d1: {  	v19 =	vadd.s32 v9, v19;
	v20 =	vadd.s32 v9, v20;
	v22 =	vadd.s32 v9, v22;
	v27 =	vld.idx.msk [tilespmem:v28+s22+$0x0], $0xffff  }
0x1d2: {  	v18 =	vand.u32 $0x3FFF8, v18;
	v24 =	vand.u32 $0x3FFF8, v24;
	v26 =	vmul.f32 v26, v8;
	v28 =	vld.idx.msk [tilespmem:v29+s22+$0x0], $0xffff  }
0x1d3: {  	v21 =	vand.u32 $0x3FFF8, v21;
	v25 =	vand.u32 $0x3FFF8, v25;
	v20 =	vand.u32 $0x3FFF8, v20;
	v29 =	vld.idx.msk [tilespmem:v30+s22+$0x0], $0xffff  }
0x1d4: {  	v19 =	vand.u32 $0x3FFF8, v19;
	v22 =	vand.u32 $0x3FFF8, v22;
	v17 =	vor.u32 v17, v18;
	[tilespmem:v23+s3+$0x0] =	vst.idx.add.f32.msk $0xffff, v26  }
0x1d5: {  	v15 =	vor.u32 v15, v24;
	v16 =	vor.u32 v16, v21;
	v26 =	vor.u32 v14, v25;
	v24 =	vld.idx.msk [tilespmem:v31+s22+$0x0], $0xffff  }
0x1d6: {  	v18 =	vor.u32 v4, v19;
	v31 =	vor.u32 v13, v20;
	v20 =	vor.u32 v12, v22;
	v30 =	vld.idx.msk [tilespmem:v32+s22+$0x0], $0xffff  }
0x1d7: {  	s14 =	sadd.s32 $0x1, s17;
	v12 =	vadd.s32 s17, v1;
	v13 =	vmul.f32 v27, v8;
	v27 =	vld.idx.msk [tilespmem:v33+s22+$0x0], $0xffff  }
0x1d8: {  	s15 =	sadd.s32 $0x3, s17;
	v19 =	vand.u32 $0xF, v12;
	v32 =	vadd.s32 s14, v1;
	s14 =	sadd.s32 $0x2, s17;
	v12 =	vmul.f32 v28, v8;
	v33 =	vld.idx.msk [tilespmem:v34+s22+$0x0], $0xffff  }
0x1d9: {  	s18 =	sadd.s32 $0x6, s17;
	v21 =	vadd.s32 s15, v1;
	s15 =	sadd.s32 $0x5, s17;
	v34 =	vadd.s32 s14, v1;
	s14 =	sadd.s32 $0x4, s17;
	[tilespmem:v17+s3+$0x0] =	vst.idx.add.f32.msk $0xffff, v13;
	v13 =	vmul.f32 v29, v8  }
.Ltmp10:
0x1da: {  	v23 =	vadd.s32 s18, v1;
	v22 =	vadd.s32 s15, v1;
	v25 =	vadd.s32 s14, v1;
	[tilespmem:v15+s3+$0x0] =	vst.idx.add.f32.msk $0xffff, v12;
	(pc) =	sbr.rel @p1 .LBB2_16-.Ltmp10, $4  }
0x1db: {  	v17 =	vand.u32 $0x7, v32;
	v15 =	vand.u32 $0x7, v34;
	v24 =	vmul.f32 v24, v8;
	[tilespmem:v16+s3+$0x0] =	vst.idx.add.f32.msk $0xffff, v13  }
0x1dc: {  	v14 =	vand.u32 $0x7, v25;
	v16 =	vand.u32 $0x7, v21;
	v29 =	vmul.f32 v30, v8  }
0x1dd: {  	v12 =	vand.u32 $0x7, v23;
	v13 =	vand.u32 $0x7, v22;
	[tilespmem:v26+s3+$0x0] =	vst.idx.add.f32.msk $0xffff, v24;
	v24 =	vmul.f32 v27, v8  }
0x1de: {  	s18 =	sadd.s32 $0x7, s24;
	v28 =	vand.u32 $0xF, v32;
	s17 =	sadd.s32 $0x8, s17;
	v27 =	vand.u32 $0xF, v34;
	v26 =	vmul.f32 v33, v8;
	[tilespmem:v31+s3+$0x0] =	vst.idx.add.f32.msk $0xffff, v29  }
0x1df: {  	v29 =	vadd.s32 s18, v1;
	v21 =	vand.u32 $0xF, v21  }
0x1e0: {  	s14 =	sand.u32 $0x70, s24;
	v25 =	vand.u32 $0xF, v25;
	v22 =	vand.u32 $0xF, v22;
	v23 =	vand.u32 $0xF, v23  }
0x1e1: {  	v30 =	vand.u32 $0xF, v29;
	v28 =	vor.u32 s14, v28;
	v29 =	vand.u32 $0x7, v29  }
0x1e2: {  	v27 =	vor.u32 s14, v27;
	v21 =	vor.u32 s14, v21;
	v25 =	vor.u32 s14, v25  }
0x1e3: {  	v22 =	vor.u32 s14, v22;
	v23 =	vor.u32 s14, v23;
	v19 =	vor.u32 s14, v19  }
0x1e4: {  	v30 =	vor.u32 s14, v30;
	v32 =	vand.u32 $0x78, v28;
	v33 =	vand.u32 $0x78, v27  }
0x1e5: {  	v34 =	vand.u32 $0x78, v21;
	v35 =	vand.u32 $0x78, v25;
	v43 =	vand.u32 $0x78, v19  }
0x1e6: {  	v39 =	vand.u32 $0x78, v22;
	v32 =	vadd.s32 v11, v32;
	v10 =	vadd.s32 v10, v43  }
0x1e7: {  	[tilespmem:v20+s3+$0x0] =	vst.idx.add.f32.msk $0xffff, v24;
	v40 =	vand.u32 $0x78, v23;
	v33 =	vadd.s32 v11, v33;
	v32 =	vor.u32 v17, v32  }
0x1e8: {  	v47 =	vadd.s32 v9, v28;
	v34 =	vadd.s32 v11, v34;
	v33 =	vor.u32 v15, v33  }
0x1e9: {  	[tilespmem:v18+s3+$0x0] =	vst.idx.add.f32.msk $0xffff, v26;
	v31 =	vand.u32 $0x78, v30;
	v41 =	vadd.s32 v11, v35;
	v34 =	vor.u32 v16, v34  }
0x1ea: {  	v30 =	vadd.s32 v9, v30;
	v31 =	vadd.s32 v11, v31;
	v44 =	vor.u32 v14, v41  }
0x1eb: {  	v42 =	vadd.s32 v11, v40;
	v30 =	vand.u32 $0x3FFF8, v30;
	v31 =	vor.u32 v29, v31;
	v10 =	vld.idx.msk [tilespmem:v10+s22+$0x0], $0xffff  }
0x1ec: {  	v29 =	vor.u32 v29, v30;
	v30 =	vadd.s32 v11, v39;
	v11 =	vor.u32 v12, v42;
	v46 =	vld.idx.msk [tilespmem:v32+s22+$0x0], $0xffff  }
0x1ed: {  	v27 =	vadd.s32 v9, v27;
	v26 =	vand.u32 $0x3FFF8, v47;
	v45 =	vor.u32 v13, v30;
	v48 =	vld.idx.msk [tilespmem:v33+s22+$0x0], $0xffff  }
0x1ee: {  	v21 =	vadd.s32 v9, v21;
	v27 =	vand.u32 $0x3FFF8, v27;
	v51 =	vor.u32 v17, v26;
	v50 =	vld.idx.msk [tilespmem:v34+s22+$0x0], $0xffff  }
0x1ef: {  	v25 =	vadd.s32 v9, v25;
	v21 =	vand.u32 $0x3FFF8, v21;
	v52 =	vor.u32 v15, v27;
	v20 =	vld.idx.msk [tilespmem:v44+s22+$0x0], $0xffff  }
0x1f0: {  	v19 =	vadd.s32 v9, v19;
	v54 =	vand.u32 $0x3FFF8, v25;
	v55 =	vor.u32 v16, v21;
	v31 =	vld.idx.msk [tilespmem:v31+s22+$0x0], $0xffff  }
0x1f1: {  	v53 =	vadd.s32 v9, v23;
	v57 =	vor.u32 v14, v54;
	v11 =	vld.idx.msk [tilespmem:v11+s22+$0x0], $0xffff;
	v18 =	vmul.f32 v46, v8  }
0x1f2: {  	v22 =	vadd.s32 v9, v22;
	v9 =	vand.u32 $0x3FFF8, v53;
	v56 =	vld.idx.msk [tilespmem:v45+s22+$0x0], $0xffff;
	v59 =	vmul.f32 v48, v8  }
0x1f3: {  	v22 =	vand.u32 $0x3FFF8, v22;
	v9 =	vor.u32 v12, v9;
	v60 =	vmul.f32 v50, v8;
	[tilespmem:v51+s3+$0x0] =	vst.idx.add.f32.msk $0xffff, v18  }
0x1f4: {  	s28 =	sadd.s32 $0x1, s28;
	v19 =	vand.u32 $0x3FFF8, v19;
	v58 =	vor.u32 v13, v22;
	v62 =	vmul.f32 v20, v8;
	[tilespmem:v52+s3+$0x0] =	vst.idx.add.f32.msk $0xffff, v59  }
0x1f5: {  	p1 =	sne.s32 s28, $0x8;
	v61 =	vor.u32 v4, v19;
	v49 =	vmul.f32 v31, v8;
	[tilespmem:v55+s3+$0x0] =	vst.idx.add.f32.msk $0xffff, v60  }
.Ltmp11:
0x1f6: {  	v11 =	vmul.f32 v11, v8;
	[tilespmem:v57+s3+$0x0] =	vst.idx.add.f32.msk $0xffff, v62;
	(pc) =	sbr.rel @p1 .LBB2_15-.Ltmp11, $4  }
0x1f7: {  	v63 =	vmul.f32 v56, v8;
	[tilespmem:v29+s3+$0x0] =	vst.idx.add.f32.msk $0xffff, v49  }
0x1f8: {  	v8 =	vmul.f32 v10, v8;
	[tilespmem:v9+s3+$0x0] =	vst.idx.add.f32.msk $0xffff, v11  }
0x1f9: {  	[tilespmem:v58+s3+$0x0] =	vst.idx.add.f32.msk $0xffff, v63  }
0x1fa: {  	[tilespmem:v61+s3+$0x0] =	vst.idx.add.f32.msk $0xffff, v8  }
0x1fb: {  	s10 =	rddreg [dreg:$0x11]  }
0x1fc: {  	s28 =	sadd.s32 s16, s10  }
0x1fd: {  	p1 =	slt.s32 s28, $0xF41C0;
	s19 =	smov.u32 s28  }
0x1fe: {  	s19 =	simm.s32 @!p1 $0xF41C0  }
0x1ff: {  	s14 =	sshrl.u32 s19, $0x3  }
0x200: {  	s23 =	simm.s32 $0x0;
	s17 =	simm.s32 $0x150;
	s15 =	sadd.s32 s1, s14  }
0x201: {  	[tilespmem:s17], [sflag:$0x3] =	stream.linear.gather [hbm4b:s15+s23], $0x80, $0x38;
	[tilespmem:$0x195D0] =	vst v63  }
0x202: {  	s24 =	simm.s32 $0x2D0;
	s18 =	sadd.s32 s2, s14  }
0x203: {  	[tilespmem:s24], [sflag:$0x3] =	stream.linear.gather [hbm4b:s18+s23], $0x80, $0x38;
	[tilespmem:$0x195D0] =	vst v63  }
0x204: {  	s14 =	sadd.s32 s4, s14;
	s15 =	simm.s32 $0x450  }
0x205: {  	[tilespmem:s15], [sflag:$0x3] =	stream.linear.gather [hbm4b:s14+s23], $0x80, $0x38;
	[tilespmem:$0x195D0] =	vst v63  }
0x206: {  	_ =	swait.ge [sflag:s26], $0x80  }
0x207: {  	[sflag:s26] =	ssyncset.done $0x0  }
0x208: {  	[sflag:s26] =	ssyncadd.s32 $0xFFFFFF80  }
0x209: {  	_ =	swait.ge [sflag:s26], $0x80  }
0x20a: {  	[sflag:s26] =	ssyncset.done $0x0  }
0x20b: {  	[sflag:s26] =	ssyncadd.s32 $0xFFFFFF80  }
0x20c: {  	_ =	swait.ge [sflag:s26], $0x80  }
0x20d: {  	[sflag:s26] =	ssyncset.done $0x0  }
0x20e: {  	s17 =	simm.s32 $0xD0;
	s18 =	simm.s32 $0x4D0;
	[sflag:s26] =	ssyncadd.s32 $0xFFFFFF80  }
0x20f: {  	[tilespmem:s18], [sflag:$0x4] =	stream.indirect.gather [hbm4b:s0+s20], $0x1, s17, s20, $0xb8;
	[tilespmem:$0x195D0] =	vst v63  }
0x210: {  	s24 =	simm.s32 $0x250  }
0x211: {  	[tilespmem:s22], [sflag:$0x6] =	stream.indirect.gather [hbm4b:s9+s20], $0x50, s24, s20, $0xb8;
	[tilespmem:$0x195D0] =	vst v63  }
0x212: {  	_ =	swait.ge [sflag:s5], $0x80  }
0x213: {  	[sflag:s5] =	ssyncset.done $0x0  }
0x214: {  	[sflag:s5] =	ssyncadd.s32 $0xFFFFFF80  }
0x215: {  	_ =	swait.ge [sflag:s11], $0x2800  }
0x216: {  	[sflag:s11] =	ssyncset.done $0x0  }
0x217: {  	v7 =	vmov s21;
	s21 =	simm.s32 $0x0;
	[sflag:s11] =	ssyncadd.s32 $0xFFFFD800  }
.LBB2_19:
0x218: {  	s14 =	sshll.u32 s21, $0x4  }
0x219: {  	v13 =	vadd.s32 s23, v1;
	s24 =	simm.s32 $0x2;
	s10 =	simm.s32 $0x3;
	s17 =	simm.s32 $0x4;
	v11 =	vmov s14  }
0x21a: {  	s15 =	sadd.s32 s7, s14;
	v14 =	vadd.s32 s24, v1;
	v15 =	vadd.s32 s10, v1;
	s24 =	simm.s32 $0x6;
	v16 =	vadd.s32 s17, v1  }
0x21b: {  	v10 =	vadd.s32 s15, v1;
	v11 =	vmul.u32 $0x50, v11;
	v18 =	vadd.s32 s24, v1  }
0x21c: {  	v20 =	vand.u32 $0x7, v14;
	v21 =	vand.u32 $0x7, v15;
	v22 =	vand.u32 $0x7, v16  }
0x21d: {  	s10 =	simm.s32 $0x7;
	v14 =	vand.u32 $0xF, v14;
	v15 =	vand.u32 $0xF, v15;
	v16 =	vand.u32 $0xF, v16  }
0x21e: {  	v25 =	vadd.s32 s10, v1;
	vm0 =	vge.s32 v10, v7;
	vm2 =	vlt.s32 v10, v5  }
0x21f: {  	v8 =	vld [tilespmem:s14+$0x350];
	s15 =	sand.u32 $0x70, s23;
	v24 =	vand.u32 $0x7, v18;
	v18 =	vand.u32 $0xF, v18;
	v26 =	vand.u32 $0xF, v25  }
0x220: {  	v14 =	vor.u32 s15, v14;
	v15 =	vor.u32 s15, v15;
	v16 =	vor.u32 s15, v16  }
0x221: {  	v25 =	vand.u32 $0x7, v25;
	v12 =	vbroadcast v11, $0x0;
	v26 =	vor.u32 s15, v26  }
0x222: {  	v18 =	vor.u32 s15, v18;
	v29 =	vand.u32 $0x78, v14;
	v30 =	vand.u32 $0x78, v15  }
0x223: {  	v31 =	vand.u32 $0x78, v16;
	v27 =	vand.u32 $0x78, v26;
	v33 =	vand.u32 $0x78, v18  }
0x224: {  	v9 =	vld [tilespmem:s14+$0x550];
	vm1 =	vge.s32 v8, v6;
	v8 =	vsub.s32 v8, v6;
	v11 =	vadd.s32 v2, v12  }
0x225: {  	vm0 =	vmand vm0, vm1;
	vm15 =	vgt.s32 v8, $0x0;
	v27 =	vadd.s32 v11, v27  }
0x226: {  	v29 =	vadd.s32 v11, v29;
	v30 =	vadd.s32 v11, v30;
	v31 =	vadd.s32 v11, v31  }
0x227: {  	v33 =	vadd.s32 v11, v33;
	vm0 =	vmand vm0, vm2;
	v10 =	vnsel vm15, $0x0, v8  }
0x228: {  	v27 =	vor.u32 v25, v27;
	v29 =	vor.u32 v20, v29;
	v30 =	vor.u32 v21, v30  }
0x229: {  	s18 =	simm.s32 $0x1;
	v31 =	vor.u32 v22, v31;
	v8 =	vnsel vm0, $0x0, v9;
	v9 =	vmin.u32 v10, $0x3FF  }
0x22a: {  	v10 =	vadd.s32 v3, v12;
	v12 =	vand.u32 $0xF, v13;
	v13 =	vadd.s32 s18, v1  }
0x22b: {  	v33 =	vor.u32 v24, v33;
	s18 =	simm.s32 $0x5;
	v19 =	vand.u32 $0x7, v13;
	v13 =	vand.u32 $0xF, v13  }
0x22c: {  	v9 =	vmul.u32 $0x50, v9;
	v17 =	vadd.s32 s18, v1;
	v13 =	vor.u32 s15, v13  }
0x22d: {  	v23 =	vand.u32 $0x7, v17;
	v17 =	vand.u32 $0xF, v17;
	v28 =	vand.u32 $0x78, v13  }
0x22e: {  	v12 =	vor.u32 s15, v12;
	v17 =	vor.u32 s15, v17;
	v28 =	vadd.s32 v11, v28  }
0x22f: {  	v26 =	vadd.s32 v9, v26;
	v13 =	vadd.s32 v9, v13;
	v28 =	vor.u32 v19, v28  }
0x230: {  	v14 =	vadd.s32 v9, v14;
	v18 =	vadd.s32 v9, v18;
	v32 =	vand.u32 $0x78, v17  }
0x231: {  	v27 =	vld.idx.msk [tilespmem:v27+s29+$0x0], $0xffff;
	v26 =	vand.u32 $0x3FFF8, v26;
	v13 =	vand.u32 $0x3FFF8, v13;
	v14 =	vand.u32 $0x3FFF8, v14  }
0x232: {  	v32 =	vadd.s32 v11, v32;
	v13 =	vor.u32 v19, v13;
	v19 =	vand.u32 $0x3FFF8, v18  }
0x233: {  	s18 =	simm.s32 $0xA;
	v25 =	vor.u32 v25, v26;
	v14 =	vor.u32 v20, v14;
	v20 =	vor.u32 v24, v19;
	v24 =	vld.idx.msk [tilespmem:v33+s29+$0x0], $0xffff  }
0x234: {  	v34 =	vand.u32 $0x78, v12;
	v63 =	vadd.s32 s18, v1;
	v32 =	vor.u32 v23, v32;
	v26 =	vld.idx.msk [tilespmem:v28+s29+$0x0], $0xffff  }
0x235: {  	v34 =	vadd.s32 v10, v34;
	v15 =	vadd.s32 v9, v15;
	v16 =	vadd.s32 v9, v16;
	v28 =	vld.idx.msk [tilespmem:v29+s29+$0x0], $0xffff  }
0x236: {  	v12 =	vadd.s32 v9, v12;
	v17 =	vadd.s32 v9, v17;
	v27 =	vmul.f32 v27, v8;
	v29 =	vld.idx.msk [tilespmem:v30+s29+$0x0], $0xffff  }
0x237: {  	v15 =	vand.u32 $0x3FFF8, v15;
	v12 =	vand.u32 $0x3FFF8, v12;
	v17 =	vand.u32 $0x3FFF8, v17;
	v30 =	vld.idx.msk [tilespmem:v31+s29+$0x0], $0xffff  }
0x238: {  	s18 =	simm.s32 $0xE;
	v16 =	vand.u32 $0x3FFF8, v16;
	v18 =	vor.u32 v4, v12;
	v35 =	vor.u32 v23, v17;
	[tilespmem:v25+s3+$0x0] =	vst.idx.add.f32.msk $0xffff, v27  }
0x239: {  	s24 =	simm.s32 $0x8;
	s10 =	simm.s32 $0xB;
	v23 =	vadd.s32 s18, v1;
	v31 =	vor.u32 v22, v16;
	v27 =	vor.u32 v21, v15;
	v12 =	vld.idx.msk [tilespmem:v32+s29+$0x0], $0xffff  }
0x23a: {  	s15 =	simm.s32 $0xC;
	v15 =	vadd.s32 s24, v1;
	v21 =	vadd.s32 s10, v1;
	v16 =	vmul.f32 v26, v8  }
0x23b: {  	s17 =	simm.s32 $0x9;
	v62 =	vld.idx.msk [tilespmem:v34+s29+$0x0], $0xffff;
	v25 =	vadd.s32 s15, v1;
	v19 =	vand.u32 $0xF, v15;
	v15 =	vmul.f32 v28, v8  }
0x23c: {  	v24 =	vmul.f32 v24, v8;
	v26 =	vadd.s32 s17, v1;
	s17 =	simm.s32 $0xD;
	v28 =	vmul.f32 v29, v8;
	[tilespmem:v13+s3+$0x0] =	vst.idx.add.f32.msk $0xffff, v16  }
0x23d: {  	v29 =	vmul.f32 v30, v8;
	v22 =	vadd.s32 s17, v1;
	v17 =	vand.u32 $0x7, v26;
	[tilespmem:v14+s3+$0x0] =	vst.idx.add.f32.msk $0xffff, v15  }
0x23e: {  	v30 =	vmul.f32 v12, v8;
	v12 =	vand.u32 $0x7, v23;
	v15 =	vand.u32 $0x7, v63;
	[tilespmem:v27+s3+$0x0] =	vst.idx.add.f32.msk $0xffff, v28  }
0x23f: {  	v16 =	vand.u32 $0x7, v21;
	v14 =	vand.u32 $0x7, v25;
	v13 =	vand.u32 $0x7, v22;
	[tilespmem:v31+s3+$0x0] =	vst.idx.add.f32.msk $0xffff, v29  }
0x240: {  	s18 =	simm.s32 $0xF;
	s17 =	simm.s32 $0x10;
	v28 =	vand.u32 $0xF, v26;
	v27 =	vand.u32 $0xF, v63;
	v26 =	vmul.f32 v62, v8;
	[tilespmem:v35+s3+$0x0] =	vst.idx.add.f32.msk $0xffff, v30  }
.LBB2_20:
0x241: {  	p1 =	slt.u32 s17, $0x48;
	v21 =	vand.u32 $0xF, v21;
	v25 =	vand.u32 $0xF, v25;
	v29 =	vadd.s32 s18, v1;
	[tilespmem:v20+s3+$0x0] =	vst.idx.add.f32.msk $0xffff, v24  }
0x242: {  	s14 =	sand.u32 $0x70, s24;
	v20 =	vand.u32 $0xF, v22;
	v22 =	vand.u32 $0xF, v23;
	s24 =	smov.u32 s17;
	v23 =	vand.u32 $0xF, v29;
	[tilespmem:v18+s3+$0x0] =	vst.idx.add.f32.msk $0xffff, v26  }
0x243: {  	v18 =	vor.u32 s14, v28;
	v24 =	vor.u32 s14, v27;
	v23 =	vor.u32 s14, v23  }
0x244: {  	v21 =	vor.u32 s14, v21;
	v25 =	vor.u32 s14, v25;
	v26 =	vand.u32 $0x78, v23  }
0x245: {  	v20 =	vor.u32 s14, v20;
	v27 =	vand.u32 $0x7, v29;
	v26 =	vadd.s32 v11, v26  }
0x246: {  	v22 =	vor.u32 s14, v22;
	v28 =	vand.u32 $0x78, v18;
	v26 =	vor.u32 v27, v26  }
0x247: {  	v29 =	vand.u32 $0x78, v24;
	v30 =	vand.u32 $0x78, v21;
	v31 =	vand.u32 $0x78, v25  }
0x248: {  	v19 =	vor.u32 s14, v19;
	v32 =	vand.u32 $0x78, v20;
	v33 =	vand.u32 $0x78, v22  }
0x249: {  	v28 =	vadd.s32 v11, v28;
	v29 =	vadd.s32 v11, v29;
	v30 =	vadd.s32 v11, v30  }
0x24a: {  	v31 =	vadd.s32 v11, v31;
	v32 =	vadd.s32 v11, v32;
	v33 =	vadd.s32 v11, v33  }
0x24b: {  	v34 =	vand.u32 $0x78, v19;
	v28 =	vor.u32 v17, v28;
	v29 =	vor.u32 v15, v29;
	v26 =	vld.idx.msk [tilespmem:v26+s29+$0x0], $0xffff  }
0x24c: {  	v23 =	vadd.s32 v9, v23;
	v30 =	vor.u32 v16, v30;
	v31 =	vor.u32 v14, v31  }
0x24d: {  	v32 =	vor.u32 v13, v32;
	v33 =	vor.u32 v12, v33;
	v23 =	vand.u32 $0x3FFF8, v23  }
0x24e: {  	v18 =	vadd.s32 v9, v18;
	v34 =	vadd.s32 v10, v34;
	v23 =	vor.u32 v27, v23  }
0x24f: {  	v24 =	vadd.s32 v9, v24;
	v21 =	vadd.s32 v9, v21;
	v25 =	vadd.s32 v9, v25  }
0x250: {  	v19 =	vadd.s32 v9, v19;
	v20 =	vadd.s32 v9, v20;
	v22 =	vadd.s32 v9, v22;
	v27 =	vld.idx.msk [tilespmem:v28+s29+$0x0], $0xffff  }
0x251: {  	v18 =	vand.u32 $0x3FFF8, v18;
	v24 =	vand.u32 $0x3FFF8, v24;
	v26 =	vmul.f32 v26, v8;
	v28 =	vld.idx.msk [tilespmem:v29+s29+$0x0], $0xffff  }
0x252: {  	v21 =	vand.u32 $0x3FFF8, v21;
	v25 =	vand.u32 $0x3FFF8, v25;
	v20 =	vand.u32 $0x3FFF8, v20;
	v29 =	vld.idx.msk [tilespmem:v30+s29+$0x0], $0xffff  }
0x253: {  	v19 =	vand.u32 $0x3FFF8, v19;
	v22 =	vand.u32 $0x3FFF8, v22;
	v17 =	vor.u32 v17, v18;
	[tilespmem:v23+s3+$0x0] =	vst.idx.add.f32.msk $0xffff, v26  }
0x254: {  	v15 =	vor.u32 v15, v24;
	v16 =	vor.u32 v16, v21;
	v26 =	vor.u32 v14, v25;
	v24 =	vld.idx.msk [tilespmem:v31+s29+$0x0], $0xffff  }
0x255: {  	v18 =	vor.u32 v4, v19;
	v31 =	vor.u32 v13, v20;
	v20 =	vor.u32 v12, v22;
	v30 =	vld.idx.msk [tilespmem:v32+s29+$0x0], $0xffff  }
0x256: {  	s14 =	sadd.s32 $0x1, s17;
	v12 =	vadd.s32 s17, v1;
	v13 =	vmul.f32 v27, v8;
	v27 =	vld.idx.msk [tilespmem:v33+s29+$0x0], $0xffff  }
0x257: {  	s15 =	sadd.s32 $0x3, s17;
	v19 =	vand.u32 $0xF, v12;
	v32 =	vadd.s32 s14, v1;
	s14 =	sadd.s32 $0x2, s17;
	v12 =	vmul.f32 v28, v8;
	v33 =	vld.idx.msk [tilespmem:v34+s29+$0x0], $0xffff  }
0x258: {  	s18 =	sadd.s32 $0x6, s17;
	v21 =	vadd.s32 s15, v1;
	s15 =	sadd.s32 $0x5, s17;
	v34 =	vadd.s32 s14, v1;
	s14 =	sadd.s32 $0x4, s17;
	[tilespmem:v17+s3+$0x0] =	vst.idx.add.f32.msk $0xffff, v13;
	v13 =	vmul.f32 v29, v8  }
.Ltmp12:
0x259: {  	v23 =	vadd.s32 s18, v1;
	v22 =	vadd.s32 s15, v1;
	v25 =	vadd.s32 s14, v1;
	[tilespmem:v15+s3+$0x0] =	vst.idx.add.f32.msk $0xffff, v12;
	(pc) =	sbr.rel @p1 .LBB2_20-.Ltmp12, $4  }
0x25a: {  	v17 =	vand.u32 $0x7, v32;
	v15 =	vand.u32 $0x7, v34;
	v24 =	vmul.f32 v24, v8;
	[tilespmem:v16+s3+$0x0] =	vst.idx.add.f32.msk $0xffff, v13  }
0x25b: {  	v14 =	vand.u32 $0x7, v25;
	v16 =	vand.u32 $0x7, v21;
	v29 =	vmul.f32 v30, v8  }
0x25c: {  	v12 =	vand.u32 $0x7, v23;
	v13 =	vand.u32 $0x7, v22;
	[tilespmem:v26+s3+$0x0] =	vst.idx.add.f32.msk $0xffff, v24;
	v24 =	vmul.f32 v27, v8  }
0x25d: {  	s18 =	sadd.s32 $0x7, s24;
	v28 =	vand.u32 $0xF, v32;
	s17 =	sadd.s32 $0x8, s17;
	v27 =	vand.u32 $0xF, v34;
	v26 =	vmul.f32 v33, v8;
	[tilespmem:v31+s3+$0x0] =	vst.idx.add.f32.msk $0xffff, v29  }
0x25e: {  	v29 =	vadd.s32 s18, v1;
	v21 =	vand.u32 $0xF, v21  }
0x25f: {  	s14 =	sand.u32 $0x70, s24;
	v25 =	vand.u32 $0xF, v25;
	v22 =	vand.u32 $0xF, v22;
	v23 =	vand.u32 $0xF, v23  }
0x260: {  	v30 =	vand.u32 $0xF, v29;
	v28 =	vor.u32 s14, v28;
	v29 =	vand.u32 $0x7, v29  }
0x261: {  	v27 =	vor.u32 s14, v27;
	v21 =	vor.u32 s14, v21;
	v25 =	vor.u32 s14, v25  }
0x262: {  	v22 =	vor.u32 s14, v22;
	v23 =	vor.u32 s14, v23;
	v19 =	vor.u32 s14, v19  }
0x263: {  	v30 =	vor.u32 s14, v30;
	v32 =	vand.u32 $0x78, v28;
	v33 =	vand.u32 $0x78, v27  }
0x264: {  	v34 =	vand.u32 $0x78, v21;
	v35 =	vand.u32 $0x78, v25;
	v43 =	vand.u32 $0x78, v19  }
0x265: {  	v39 =	vand.u32 $0x78, v22;
	v32 =	vadd.s32 v11, v32;
	v10 =	vadd.s32 v10, v43  }
0x266: {  	[tilespmem:v20+s3+$0x0] =	vst.idx.add.f32.msk $0xffff, v24;
	v40 =	vand.u32 $0x78, v23;
	v33 =	vadd.s32 v11, v33;
	v32 =	vor.u32 v17, v32  }
0x267: {  	v47 =	vadd.s32 v9, v28;
	v34 =	vadd.s32 v11, v34;
	v33 =	vor.u32 v15, v33  }
0x268: {  	[tilespmem:v18+s3+$0x0] =	vst.idx.add.f32.msk $0xffff, v26;
	v31 =	vand.u32 $0x78, v30;
	v41 =	vadd.s32 v11, v35;
	v34 =	vor.u32 v16, v34  }
0x269: {  	v30 =	vadd.s32 v9, v30;
	v31 =	vadd.s32 v11, v31;
	v44 =	vor.u32 v14, v41  }
0x26a: {  	v42 =	vadd.s32 v11, v40;
	v30 =	vand.u32 $0x3FFF8, v30;
	v31 =	vor.u32 v29, v31;
	v10 =	vld.idx.msk [tilespmem:v10+s29+$0x0], $0xffff  }
0x26b: {  	v29 =	vor.u32 v29, v30;
	v30 =	vadd.s32 v11, v39;
	v11 =	vor.u32 v12, v42;
	v46 =	vld.idx.msk [tilespmem:v32+s29+$0x0], $0xffff  }
0x26c: {  	v27 =	vadd.s32 v9, v27;
	v26 =	vand.u32 $0x3FFF8, v47;
	v45 =	vor.u32 v13, v30;
	v48 =	vld.idx.msk [tilespmem:v33+s29+$0x0], $0xffff  }
0x26d: {  	v21 =	vadd.s32 v9, v21;
	v27 =	vand.u32 $0x3FFF8, v27;
	v51 =	vor.u32 v17, v26;
	v50 =	vld.idx.msk [tilespmem:v34+s29+$0x0], $0xffff  }
0x26e: {  	v25 =	vadd.s32 v9, v25;
	v21 =	vand.u32 $0x3FFF8, v21;
	v52 =	vor.u32 v15, v27;
	v20 =	vld.idx.msk [tilespmem:v44+s29+$0x0], $0xffff  }
0x26f: {  	v19 =	vadd.s32 v9, v19;
	v54 =	vand.u32 $0x3FFF8, v25;
	v55 =	vor.u32 v16, v21;
	v31 =	vld.idx.msk [tilespmem:v31+s29+$0x0], $0xffff  }
0x270: {  	v53 =	vadd.s32 v9, v23;
	v57 =	vor.u32 v14, v54;
	v11 =	vld.idx.msk [tilespmem:v11+s29+$0x0], $0xffff;
	v18 =	vmul.f32 v46, v8  }
0x271: {  	v22 =	vadd.s32 v9, v22;
	v9 =	vand.u32 $0x3FFF8, v53;
	v56 =	vld.idx.msk [tilespmem:v45+s29+$0x0], $0xffff;
	v59 =	vmul.f32 v48, v8  }
0x272: {  	v22 =	vand.u32 $0x3FFF8, v22;
	v9 =	vor.u32 v12, v9;
	v60 =	vmul.f32 v50, v8;
	[tilespmem:v51+s3+$0x0] =	vst.idx.add.f32.msk $0xffff, v18  }
0x273: {  	s21 =	sadd.s32 $0x1, s21;
	v19 =	vand.u32 $0x3FFF8, v19;
	v58 =	vor.u32 v13, v22;
	v62 =	vmul.f32 v20, v8;
	[tilespmem:v52+s3+$0x0] =	vst.idx.add.f32.msk $0xffff, v59  }
0x274: {  	p1 =	sne.s32 s21, $0x8;
	v61 =	vor.u32 v4, v19;
	v49 =	vmul.f32 v31, v8;
	[tilespmem:v55+s3+$0x0] =	vst.idx.add.f32.msk $0xffff, v60  }
.Ltmp13:
0x275: {  	v11 =	vmul.f32 v11, v8;
	[tilespmem:v57+s3+$0x0] =	vst.idx.add.f32.msk $0xffff, v62;
	(pc) =	sbr.rel @p1 .LBB2_19-.Ltmp13, $4  }
0x276: {  	v63 =	vmul.f32 v56, v8;
	[tilespmem:v29+s3+$0x0] =	vst.idx.add.f32.msk $0xffff, v49  }
0x277: {  	v8 =	vmul.f32 v10, v8;
	[tilespmem:v9+s3+$0x0] =	vst.idx.add.f32.msk $0xffff, v11  }
0x278: {  	[tilespmem:v58+s3+$0x0] =	vst.idx.add.f32.msk $0xffff, v63  }
0x279: {  	[tilespmem:v61+s3+$0x0] =	vst.idx.add.f32.msk $0xffff, v8  }
0x27a: {  	s7 =	rddreg [dreg:$0x12]  }
0x27b: {  	s7 =	sadd.s32 s16, s7  }
0x27c: {  	p1 =	slt.s32 s7, $0xF41C0  }
0x27d: {  	s7 =	simm.s32 @!p1 $0xF41C0  }
0x27e: {  	s14 =	sshrl.u32 s7, $0x3  }
0x27f: {  	s24 =	simm.s32 $0x50;
	s7 =	simm.s32 $0x0;
	s15 =	sadd.s32 s1, s14  }
0x280: {  	[tilespmem:s24], [sflag:$0x1] =	stream.linear.gather [hbm4b:s15+s7], $0x80, $0x38;
	[tilespmem:$0x195D0] =	vst v63  }
0x281: {  	s10 =	simm.s32 $0x1D0;
	s23 =	sadd.s32 s2, s14  }
0x282: {  	[tilespmem:s10], [sflag:$0x1] =	stream.linear.gather [hbm4b:s23+s7], $0x80, $0x38;
	[tilespmem:$0x195D0] =	vst v63  }
0x283: {  	s17 =	simm.s32 $0x350;
	s14 =	sadd.s32 s4, s14  }
0x284: {  	[tilespmem:s17], [sflag:$0x1] =	stream.linear.gather [hbm4b:s14+s7], $0x80, $0x38;
	[tilespmem:$0x195D0] =	vst v63  }
0x285: {  	_ =	swait.ge [sflag:s8], $0x80  }
0x286: {  	[sflag:s8] =	ssyncset.done $0x0  }
0x287: {  	[sflag:s8] =	ssyncadd.s32 $0xFFFFFF80  }
0x288: {  	_ =	swait.ge [sflag:s8], $0x80  }
0x289: {  	[sflag:s8] =	ssyncset.done $0x0  }
0x28a: {  	[sflag:s8] =	ssyncadd.s32 $0xFFFFFF80  }
0x28b: {  	_ =	swait.ge [sflag:s8], $0x80  }
0x28c: {  	[sflag:s8] =	ssyncset.done $0x0  }
0x28d: {  	s18 =	simm.s32 $0x150;
	s21 =	simm.s32 $0x550;
	[sflag:s8] =	ssyncadd.s32 $0xFFFFFF80  }
0x28e: {  	[tilespmem:s21], [sflag:$0x5] =	stream.indirect.gather [hbm4b:s0+s20], $0x1, s18, s20, $0xb8;
	[tilespmem:$0x195D0] =	vst v63  }
0x28f: {  	s23 =	simm.s32 $0x2D0  }
0x290: {  	[tilespmem:s29], [sflag:$0x7] =	stream.indirect.gather [hbm4b:s9+s20], $0x50, s23, s20, $0xb8;
	[tilespmem:$0x195D0] =	vst v63  }
0x291: {  	_ =	swait.ge [sflag:s30], $0x80  }
0x292: {  	[sflag:s30] =	ssyncset.done $0x0  }
0x293: {  	[sflag:s30] =	ssyncadd.s32 $0xFFFFFF80  }
0x294: {  	_ =	swait.ge [sflag:s31], $0x2800  }
0x295: {  	[sflag:s31] =	ssyncset.done $0x0  }
0x296: {  	v7 =	vmov s6;
	s6 =	simm.s32 $0x0;
	[sflag:s31] =	ssyncadd.s32 $0xFFFFD800  }
.LBB2_23:
0x297: {  	s14 =	sshll.u32 s6, $0x4  }
0x298: {  	v13 =	vadd.s32 s7, v1;
	s18 =	simm.s32 $0x2;
	s21 =	simm.s32 $0x3;
	s23 =	simm.s32 $0x5;
	v11 =	vmov s14  }
0x299: {  	s10 =	simm.s32 $0x6;
	s15 =	sadd.s32 s12, s14;
	v14 =	vadd.s32 s18, v1;
	v15 =	vadd.s32 s21, v1;
	v17 =	vadd.s32 s23, v1  }
0x29a: {  	v8 =	vld [tilespmem:s14+$0x3D0];
	v18 =	vadd.s32 s10, v1;
	v10 =	vadd.s32 s15, v1;
	v11 =	vmul.u32 $0x50, v11  }
0x29b: {  	v20 =	vand.u32 $0x7, v14;
	v21 =	vand.u32 $0x7, v15;
	v23 =	vand.u32 $0x7, v17  }
0x29c: {  	s23 =	simm.s32 $0xA;
	v24 =	vand.u32 $0x7, v18;
	v14 =	vand.u32 $0xF, v14;
	v15 =	vand.u32 $0xF, v15  }
0x29d: {  	v9 =	vld [tilespmem:s14+$0x4D0];
	s15 =	simm.s32 $0x7;
	v17 =	vand.u32 $0xF, v17;
	v18 =	vand.u32 $0xF, v18;
	v63 =	vadd.s32 s23, v1  }
0x29e: {  	vm0 =	vge.s32 v10, v7;
	vm2 =	vlt.s32 v10, v5;
	v25 =	vadd.s32 s15, v1  }
0x29f: {  	v12 =	vbroadcast v11, $0x0;
	vm1 =	vge.s32 v8, v6;
	v8 =	vsub.s32 v8, v6  }
0x2a0: {  	v26 =	vand.u32 $0xF, v25;
	vm0 =	vmand vm0, vm1;
	vm15 =	vgt.s32 v8, $0x0  }
0x2a1: {  	v25 =	vand.u32 $0x7, v25;
	vm0 =	vmand vm0, vm2;
	v10 =	vnsel vm15, $0x0, v8  }
0x2a2: {  	s17 =	simm.s32 $0x1;
	v11 =	vadd.s32 v2, v12;
	v8 =	vnsel vm0, $0x0, v9;
	v9 =	vmin.u32 v10, $0x3FF  }
0x2a3: {  	v10 =	vadd.s32 v3, v12;
	v12 =	vand.u32 $0xF, v13;
	v13 =	vadd.s32 s17, v1;
	s17 =	simm.s32 $0x4  }
0x2a4: {  	v9 =	vmul.u32 $0x50, v9;
	v16 =	vadd.s32 s17, v1;
	v19 =	vand.u32 $0x7, v13  }
0x2a5: {  	v13 =	vand.u32 $0xF, v13;
	s17 =	sand.u32 $0x70, s7;
	v22 =	vand.u32 $0x7, v16;
	v16 =	vand.u32 $0xF, v16  }
0x2a6: {  	v13 =	vor.u32 s17, v13;
	v14 =	vor.u32 s17, v14;
	v26 =	vor.u32 s17, v26  }
0x2a7: {  	v15 =	vor.u32 s17, v15;
	v17 =	vor.u32 s17, v17;
	v18 =	vor.u32 s17, v18  }
0x2a8: {  	v12 =	vor.u32 s17, v12;
	v16 =	vor.u32 s17, v16;
	v27 =	vand.u32 $0x78, v26  }
0x2a9: {  	v28 =	vand.u32 $0x78, v13;
	v29 =	vand.u32 $0x78, v14;
	v30 =	vand.u32 $0x78, v15  }
0x2aa: {  	v32 =	vand.u32 $0x78, v17;
	v33 =	vand.u32 $0x78, v18;
	v34 =	vand.u32 $0x78, v12  }
0x2ab: {  	v26 =	vadd.s32 v9, v26;
	v13 =	vadd.s32 v9, v13;
	v27 =	vadd.s32 v11, v27  }
0x2ac: {  	v14 =	vadd.s32 v9, v14;
	v28 =	vadd.s32 v11, v28;
	v27 =	vor.u32 v25, v27  }
0x2ad: {  	v15 =	vadd.s32 v9, v15;
	v29 =	vadd.s32 v11, v29;
	v28 =	vor.u32 v19, v28  }
0x2ae: {  	v12 =	vadd.s32 v9, v12;
	v30 =	vadd.s32 v11, v30;
	v29 =	vor.u32 v20, v29  }
0x2af: {  	v31 =	vand.u32 $0x78, v16;
	v33 =	vadd.s32 v11, v33;
	v30 =	vor.u32 v21, v30  }
0x2b0: {  	v17 =	vadd.s32 v9, v17;
	v31 =	vadd.s32 v11, v31;
	v33 =	vor.u32 v24, v33  }
0x2b1: {  	v32 =	vadd.s32 v11, v32;
	v26 =	vand.u32 $0x3FFF8, v26;
	v31 =	vor.u32 v22, v31;
	v27 =	vld.idx.msk [tilespmem:v27+s22+$0x0], $0xffff  }
0x2b2: {  	v18 =	vadd.s32 v9, v18;
	v32 =	vor.u32 v23, v32;
	v25 =	vor.u32 v25, v26;
	v26 =	vld.idx.msk [tilespmem:v28+s22+$0x0], $0xffff  }
0x2b3: {  	v34 =	vadd.s32 v10, v34;
	v16 =	vadd.s32 v9, v16;
	v13 =	vand.u32 $0x3FFF8, v13;
	v28 =	vld.idx.msk [tilespmem:v29+s22+$0x0], $0xffff  }
0x2b4: {  	v14 =	vand.u32 $0x3FFF8, v14;
	v13 =	vor.u32 v19, v13;
	v19 =	vand.u32 $0x3FFF8, v18;
	v29 =	vld.idx.msk [tilespmem:v30+s22+$0x0], $0xffff  }
0x2b5: {  	v15 =	vand.u32 $0x3FFF8, v15;
	v14 =	vor.u32 v20, v14;
	v20 =	vor.u32 v24, v19;
	v24 =	vld.idx.msk [tilespmem:v33+s22+$0x0], $0xffff  }
0x2b6: {  	v17 =	vand.u32 $0x3FFF8, v17;
	v12 =	vand.u32 $0x3FFF8, v12;
	v16 =	vand.u32 $0x3FFF8, v16;
	v30 =	vld.idx.msk [tilespmem:v31+s22+$0x0], $0xffff  }
0x2b7: {  	s23 =	simm.s32 $0xE;
	v18 =	vor.u32 v4, v12;
	v35 =	vor.u32 v23, v17;
	v12 =	vld.idx.msk [tilespmem:v32+s22+$0x0], $0xffff;
	v27 =	vmul.f32 v27, v8  }
0x2b8: {  	s21 =	simm.s32 $0x8;
	s18 =	simm.s32 $0x9;
	v23 =	vadd.s32 s23, v1;
	v31 =	vor.u32 v22, v16;
	v16 =	vmul.f32 v26, v8  }
0x2b9: {  	v26 =	vadd.s32 s18, v1;
	[tilespmem:v25+s3+$0x0] =	vst.idx.add.f32.msk $0xffff, v27;
	v27 =	vor.u32 v21, v15;
	v15 =	vadd.s32 s21, v1  }
0x2ba: {  	v62 =	vld.idx.msk [tilespmem:v34+s22+$0x0], $0xffff;
	s18 =	simm.s32 $0xD;
	v24 =	vmul.f32 v24, v8;
	v19 =	vand.u32 $0xF, v15;
	v15 =	vmul.f32 v28, v8  }
0x2bb: {  	s10 =	simm.s32 $0xB;
	v22 =	vadd.s32 s18, v1;
	[tilespmem:v13+s3+$0x0] =	vst.idx.add.f32.msk $0xffff, v16;
	v28 =	vmul.f32 v29, v8;
	v29 =	vmul.f32 v30, v8  }
0x2bc: {  	s17 =	simm.s32 $0xC;
	v17 =	vand.u32 $0x7, v26;
	v21 =	vadd.s32 s10, v1;
	v30 =	vmul.f32 v12, v8;
	[tilespmem:v14+s3+$0x0] =	vst.idx.add.f32.msk $0xffff, v15  }
0x2bd: {  	v25 =	vadd.s32 s17, v1;
	v13 =	vand.u32 $0x7, v22;
	v16 =	vand.u32 $0x7, v21;
	[tilespmem:v31+s3+$0x0] =	vst.idx.add.f32.msk $0xffff, v29  }
0x2be: {  	v12 =	vand.u32 $0x7, v23;
	v15 =	vand.u32 $0x7, v63;
	v14 =	vand.u32 $0x7, v25;
	[tilespmem:v35+s3+$0x0] =	vst.idx.add.f32.msk $0xffff, v30  }
0x2bf: {  	s18 =	simm.s32 $0xF;
	s17 =	simm.s32 $0x10;
	[tilespmem:v27+s3+$0x0] =	vst.idx.add.f32.msk $0xffff, v28;
	v28 =	vand.u32 $0xF, v26;
	v27 =	vand.u32 $0xF, v63;
	v26 =	vmul.f32 v62, v8  }
.LBB2_24:
0x2c0: {  	p1 =	slt.u32 s17, $0x48;
	v21 =	vand.u32 $0xF, v21;
	v25 =	vand.u32 $0xF, v25;
	v29 =	vadd.s32 s18, v1;
	[tilespmem:v20+s3+$0x0] =	vst.idx.add.f32.msk $0xffff, v24  }
0x2c1: {  	s14 =	sand.u32 $0x70, s21;
	v20 =	vand.u32 $0xF, v22;
	v22 =	vand.u32 $0xF, v23;
	s21 =	smov.u32 s17;
	v23 =	vand.u32 $0xF, v29;
	[tilespmem:v18+s3+$0x0] =	vst.idx.add.f32.msk $0xffff, v26  }
0x2c2: {  	v18 =	vor.u32 s14, v28;
	v24 =	vor.u32 s14, v27;
	v23 =	vor.u32 s14, v23  }
0x2c3: {  	v21 =	vor.u32 s14, v21;
	v25 =	vor.u32 s14, v25;
	v26 =	vand.u32 $0x78, v23  }
0x2c4: {  	v20 =	vor.u32 s14, v20;
	v27 =	vand.u32 $0x7, v29;
	v26 =	vadd.s32 v11, v26  }
0x2c5: {  	v22 =	vor.u32 s14, v22;
	v28 =	vand.u32 $0x78, v18;
	v26 =	vor.u32 v27, v26  }
0x2c6: {  	v29 =	vand.u32 $0x78, v24;
	v30 =	vand.u32 $0x78, v21;
	v31 =	vand.u32 $0x78, v25  }
0x2c7: {  	v19 =	vor.u32 s14, v19;
	v32 =	vand.u32 $0x78, v20;
	v33 =	vand.u32 $0x78, v22  }
0x2c8: {  	v28 =	vadd.s32 v11, v28;
	v29 =	vadd.s32 v11, v29;
	v30 =	vadd.s32 v11, v30  }
0x2c9: {  	v31 =	vadd.s32 v11, v31;
	v32 =	vadd.s32 v11, v32;
	v33 =	vadd.s32 v11, v33  }
0x2ca: {  	v34 =	vand.u32 $0x78, v19;
	v28 =	vor.u32 v17, v28;
	v29 =	vor.u32 v15, v29;
	v26 =	vld.idx.msk [tilespmem:v26+s22+$0x0], $0xffff  }
0x2cb: {  	v23 =	vadd.s32 v9, v23;
	v30 =	vor.u32 v16, v30;
	v31 =	vor.u32 v14, v31  }
0x2cc: {  	v32 =	vor.u32 v13, v32;
	v33 =	vor.u32 v12, v33;
	v23 =	vand.u32 $0x3FFF8, v23  }
0x2cd: {  	v18 =	vadd.s32 v9, v18;
	v34 =	vadd.s32 v10, v34;
	v23 =	vor.u32 v27, v23  }
0x2ce: {  	v24 =	vadd.s32 v9, v24;
	v21 =	vadd.s32 v9, v21;
	v25 =	vadd.s32 v9, v25  }
0x2cf: {  	v19 =	vadd.s32 v9, v19;
	v20 =	vadd.s32 v9, v20;
	v22 =	vadd.s32 v9, v22;
	v27 =	vld.idx.msk [tilespmem:v28+s22+$0x0], $0xffff  }
0x2d0: {  	v18 =	vand.u32 $0x3FFF8, v18;
	v24 =	vand.u32 $0x3FFF8, v24;
	v26 =	vmul.f32 v26, v8;
	v28 =	vld.idx.msk [tilespmem:v29+s22+$0x0], $0xffff  }
0x2d1: {  	v21 =	vand.u32 $0x3FFF8, v21;
	v25 =	vand.u32 $0x3FFF8, v25;
	v20 =	vand.u32 $0x3FFF8, v20;
	v29 =	vld.idx.msk [tilespmem:v30+s22+$0x0], $0xffff  }
0x2d2: {  	v19 =	vand.u32 $0x3FFF8, v19;
	v22 =	vand.u32 $0x3FFF8, v22;
	v17 =	vor.u32 v17, v18;
	[tilespmem:v23+s3+$0x0] =	vst.idx.add.f32.msk $0xffff, v26  }
0x2d3: {  	v15 =	vor.u32 v15, v24;
	v16 =	vor.u32 v16, v21;
	v26 =	vor.u32 v14, v25;
	v24 =	vld.idx.msk [tilespmem:v31+s22+$0x0], $0xffff  }
0x2d4: {  	v18 =	vor.u32 v4, v19;
	v31 =	vor.u32 v13, v20;
	v20 =	vor.u32 v12, v22;
	v30 =	vld.idx.msk [tilespmem:v32+s22+$0x0], $0xffff  }
0x2d5: {  	s14 =	sadd.s32 $0x1, s17;
	v12 =	vadd.s32 s17, v1;
	v13 =	vmul.f32 v27, v8;
	v27 =	vld.idx.msk [tilespmem:v33+s22+$0x0], $0xffff  }
0x2d6: {  	s15 =	sadd.s32 $0x3, s17;
	v19 =	vand.u32 $0xF, v12;
	v32 =	vadd.s32 s14, v1;
	s14 =	sadd.s32 $0x2, s17;
	v12 =	vmul.f32 v28, v8;
	v33 =	vld.idx.msk [tilespmem:v34+s22+$0x0], $0xffff  }
0x2d7: {  	s18 =	sadd.s32 $0x6, s17;
	v21 =	vadd.s32 s15, v1;
	s15 =	sadd.s32 $0x5, s17;
	v34 =	vadd.s32 s14, v1;
	s14 =	sadd.s32 $0x4, s17;
	[tilespmem:v17+s3+$0x0] =	vst.idx.add.f32.msk $0xffff, v13;
	v13 =	vmul.f32 v29, v8  }
.Ltmp14:
0x2d8: {  	v23 =	vadd.s32 s18, v1;
	v22 =	vadd.s32 s15, v1;
	v25 =	vadd.s32 s14, v1;
	[tilespmem:v15+s3+$0x0] =	vst.idx.add.f32.msk $0xffff, v12;
	(pc) =	sbr.rel @p1 .LBB2_24-.Ltmp14, $4  }
0x2d9: {  	v17 =	vand.u32 $0x7, v32;
	v15 =	vand.u32 $0x7, v34;
	v24 =	vmul.f32 v24, v8;
	[tilespmem:v16+s3+$0x0] =	vst.idx.add.f32.msk $0xffff, v13  }
0x2da: {  	v14 =	vand.u32 $0x7, v25;
	v16 =	vand.u32 $0x7, v21;
	v29 =	vmul.f32 v30, v8  }
0x2db: {  	v12 =	vand.u32 $0x7, v23;
	v13 =	vand.u32 $0x7, v22;
	[tilespmem:v26+s3+$0x0] =	vst.idx.add.f32.msk $0xffff, v24;
	v24 =	vmul.f32 v27, v8  }
0x2dc: {  	s18 =	sadd.s32 $0x7, s21;
	v28 =	vand.u32 $0xF, v32;
	s17 =	sadd.s32 $0x8, s17;
	v27 =	vand.u32 $0xF, v34;
	v26 =	vmul.f32 v33, v8;
	[tilespmem:v31+s3+$0x0] =	vst.idx.add.f32.msk $0xffff, v29  }
0x2dd: {  	v29 =	vadd.s32 s18, v1;
	v21 =	vand.u32 $0xF, v21  }
0x2de: {  	s14 =	sand.u32 $0x70, s21;
	v25 =	vand.u32 $0xF, v25;
	v22 =	vand.u32 $0xF, v22;
	v23 =	vand.u32 $0xF, v23  }
0x2df: {  	v30 =	vand.u32 $0xF, v29;
	v28 =	vor.u32 s14, v28;
	v29 =	vand.u32 $0x7, v29  }
0x2e0: {  	v27 =	vor.u32 s14, v27;
	v21 =	vor.u32 s14, v21;
	v25 =	vor.u32 s14, v25  }
0x2e1: {  	v22 =	vor.u32 s14, v22;
	v23 =	vor.u32 s14, v23;
	v19 =	vor.u32 s14, v19  }
0x2e2: {  	v30 =	vor.u32 s14, v30;
	v32 =	vand.u32 $0x78, v28;
	v33 =	vand.u32 $0x78, v27  }
0x2e3: {  	v34 =	vand.u32 $0x78, v21;
	v35 =	vand.u32 $0x78, v25;
	v43 =	vand.u32 $0x78, v19  }
0x2e4: {  	v39 =	vand.u32 $0x78, v22;
	v32 =	vadd.s32 v11, v32;
	v10 =	vadd.s32 v10, v43  }
0x2e5: {  	[tilespmem:v20+s3+$0x0] =	vst.idx.add.f32.msk $0xffff, v24;
	v40 =	vand.u32 $0x78, v23;
	v33 =	vadd.s32 v11, v33;
	v32 =	vor.u32 v17, v32  }
0x2e6: {  	v47 =	vadd.s32 v9, v28;
	v34 =	vadd.s32 v11, v34;
	v33 =	vor.u32 v15, v33  }
0x2e7: {  	[tilespmem:v18+s3+$0x0] =	vst.idx.add.f32.msk $0xffff, v26;
	v31 =	vand.u32 $0x78, v30;
	v41 =	vadd.s32 v11, v35;
	v34 =	vor.u32 v16, v34  }
0x2e8: {  	v30 =	vadd.s32 v9, v30;
	v31 =	vadd.s32 v11, v31;
	v44 =	vor.u32 v14, v41  }
0x2e9: {  	v42 =	vadd.s32 v11, v40;
	v30 =	vand.u32 $0x3FFF8, v30;
	v31 =	vor.u32 v29, v31;
	v10 =	vld.idx.msk [tilespmem:v10+s22+$0x0], $0xffff  }
0x2ea: {  	v29 =	vor.u32 v29, v30;
	v30 =	vadd.s32 v11, v39;
	v11 =	vor.u32 v12, v42;
	v46 =	vld.idx.msk [tilespmem:v32+s22+$0x0], $0xffff  }
0x2eb: {  	v27 =	vadd.s32 v9, v27;
	v26 =	vand.u32 $0x3FFF8, v47;
	v45 =	vor.u32 v13, v30;
	v48 =	vld.idx.msk [tilespmem:v33+s22+$0x0], $0xffff  }
0x2ec: {  	v21 =	vadd.s32 v9, v21;
	v27 =	vand.u32 $0x3FFF8, v27;
	v51 =	vor.u32 v17, v26;
	v50 =	vld.idx.msk [tilespmem:v34+s22+$0x0], $0xffff  }
0x2ed: {  	v25 =	vadd.s32 v9, v25;
	v21 =	vand.u32 $0x3FFF8, v21;
	v52 =	vor.u32 v15, v27;
	v20 =	vld.idx.msk [tilespmem:v44+s22+$0x0], $0xffff  }
0x2ee: {  	v19 =	vadd.s32 v9, v19;
	v54 =	vand.u32 $0x3FFF8, v25;
	v55 =	vor.u32 v16, v21;
	v31 =	vld.idx.msk [tilespmem:v31+s22+$0x0], $0xffff  }
0x2ef: {  	v53 =	vadd.s32 v9, v23;
	v57 =	vor.u32 v14, v54;
	v11 =	vld.idx.msk [tilespmem:v11+s22+$0x0], $0xffff;
	v18 =	vmul.f32 v46, v8  }
0x2f0: {  	v22 =	vadd.s32 v9, v22;
	v9 =	vand.u32 $0x3FFF8, v53;
	v56 =	vld.idx.msk [tilespmem:v45+s22+$0x0], $0xffff;
	v59 =	vmul.f32 v48, v8  }
0x2f1: {  	v22 =	vand.u32 $0x3FFF8, v22;
	v9 =	vor.u32 v12, v9;
	v60 =	vmul.f32 v50, v8;
	[tilespmem:v51+s3+$0x0] =	vst.idx.add.f32.msk $0xffff, v18  }
0x2f2: {  	s6 =	sadd.s32 $0x1, s6;
	v19 =	vand.u32 $0x3FFF8, v19;
	v58 =	vor.u32 v13, v22;
	v62 =	vmul.f32 v20, v8;
	[tilespmem:v52+s3+$0x0] =	vst.idx.add.f32.msk $0xffff, v59  }
0x2f3: {  	p1 =	sne.s32 s6, $0x8;
	v61 =	vor.u32 v4, v19;
	v49 =	vmul.f32 v31, v8;
	[tilespmem:v55+s3+$0x0] =	vst.idx.add.f32.msk $0xffff, v60  }
.Ltmp15:
0x2f4: {  	v11 =	vmul.f32 v11, v8;
	[tilespmem:v57+s3+$0x0] =	vst.idx.add.f32.msk $0xffff, v62;
	(pc) =	sbr.rel @p1 .LBB2_23-.Ltmp15, $4  }
0x2f5: {  	v63 =	vmul.f32 v56, v8;
	[tilespmem:v29+s3+$0x0] =	vst.idx.add.f32.msk $0xffff, v49  }
0x2f6: {  	v8 =	vmul.f32 v10, v8;
	[tilespmem:v9+s3+$0x0] =	vst.idx.add.f32.msk $0xffff, v11  }
0x2f7: {  	[tilespmem:v58+s3+$0x0] =	vst.idx.add.f32.msk $0xffff, v63  }
0x2f8: {  	[tilespmem:v61+s3+$0x0] =	vst.idx.add.f32.msk $0xffff, v8  }
0x2f9: {  	s6 =	rddreg [dreg:$0x13]  }
0x2fa: {  	s6 =	sadd.s32 s16, s6  }
0x2fb: {  	p1 =	slt.s32 s6, $0xF41C0  }
0x2fc: {  	s6 =	simm.s32 @!p1 $0xF41C0  }
0x2fd: {  	s7 =	sshrl.u32 s6, $0x3  }
0x2fe: {  	s10 =	simm.s32 $0xD0;
	s6 =	simm.s32 $0x0;
	s12 =	sadd.s32 s1, s7  }
0x2ff: {  	[tilespmem:s10], [sflag:$0x2] =	stream.linear.gather [hbm4b:s12+s6], $0x80, $0x38;
	[tilespmem:$0x195D0] =	vst v63  }
0x300: {  	s17 =	simm.s32 $0x250;
	s16 =	sadd.s32 s2, s7  }
0x301: {  	[tilespmem:s17], [sflag:$0x2] =	stream.linear.gather [hbm4b:s16+s6], $0x80, $0x38;
	[tilespmem:$0x195D0] =	vst v63  }
0x302: {  	s18 =	simm.s32 $0x3D0;
	s7 =	sadd.s32 s4, s7  }
0x303: {  	[tilespmem:s18], [sflag:$0x2] =	stream.linear.gather [hbm4b:s7+s6], $0x80, $0x38;
	[tilespmem:$0x195D0] =	vst v63  }
0x304: {  	_ =	swait.ge [sflag:s13], $0x80  }
0x305: {  	[sflag:s13] =	ssyncset.done $0x0  }
0x306: {  	[sflag:s13] =	ssyncadd.s32 $0xFFFFFF80  }
0x307: {  	_ =	swait.ge [sflag:s13], $0x80  }
0x308: {  	[sflag:s13] =	ssyncset.done $0x0  }
0x309: {  	[sflag:s13] =	ssyncadd.s32 $0xFFFFFF80  }
0x30a: {  	_ =	swait.ge [sflag:s13], $0x80  }
0x30b: {  	[sflag:s13] =	ssyncset.done $0x0  }
0x30c: {  	s21 =	simm.s32 $0x4D0;
	[sflag:s13] =	ssyncadd.s32 $0xFFFFFF80  }
0x30d: {  	[tilespmem:s21], [sflag:$0x4] =	stream.indirect.gather [hbm4b:s0+s20], $0x1, s24, s20, $0xb8;
	[tilespmem:$0x195D0] =	vst v63  }
0x30e: {  	s23 =	simm.s32 $0x1D0  }
0x30f: {  	[tilespmem:s22], [sflag:$0x6] =	stream.indirect.gather [hbm4b:s9+s20], $0x50, s23, s20, $0xb8;
	[tilespmem:$0x195D0] =	vst v63  }
0x310: {  	_ =	swait.ge [sflag:s5], $0x80  }
0x311: {  	[sflag:s5] =	ssyncset.done $0x0  }
0x312: {  	[sflag:s5] =	ssyncadd.s32 $0xFFFFFF80  }
0x313: {  	_ =	swait.ge [sflag:s11], $0x2800  }
0x314: {  	[sflag:s11] =	ssyncset.done $0x0  }
0x315: {  	v7 =	vmov s28;
	s7 =	simm.s32 $0x0;
	[sflag:s11] =	ssyncadd.s32 $0xFFFFD800  }
.LBB2_27:
0x316: {  	s12 =	sshll.u32 s7, $0x4;
	v13 =	vadd.s32 s6, v1;
	s21 =	simm.s32 $0x2;
	s23 =	simm.s32 $0x3  }
0x317: {  	s15 =	simm.s32 $0x4;
	s28 =	simm.s32 $0x5;
	s10 =	simm.s32 $0x6;
	v11 =	vmov s12;
	v14 =	vadd.s32 s21, v1;
	v15 =	vadd.s32 s23, v1  }
0x318: {  	s14 =	sadd.s32 s19, s12;
	v16 =	vadd.s32 s15, v1;
	v17 =	vadd.s32 s28, v1;
	v18 =	vadd.s32 s10, v1  }
0x319: {  	v10 =	vadd.s32 s14, v1;
	v11 =	vmul.u32 $0x50, v11;
	v20 =	vand.u32 $0x7, v14  }
0x31a: {  	v21 =	vand.u32 $0x7, v15;
	v22 =	vand.u32 $0x7, v16;
	v23 =	vand.u32 $0x7, v17  }
0x31b: {  	s15 =	simm.s32 $0x7;
	v24 =	vand.u32 $0x7, v18;
	v14 =	vand.u32 $0xF, v14;
	v15 =	vand.u32 $0xF, v15  }
0x31c: {  	v16 =	vand.u32 $0xF, v16;
	v25 =	vadd.s32 s15, v1;
	v17 =	vand.u32 $0xF, v17  }
0x31d: {  	s16 =	sand.u32 $0x70, s6;
	v18 =	vand.u32 $0xF, v18;
	vm0 =	vge.s32 v10, v7;
	vm2 =	vlt.s32 v10, v5  }
0x31e: {  	v8 =	vld [tilespmem:s12+$0x450];
	v26 =	vand.u32 $0xF, v25;
	v14 =	vor.u32 s16, v14;
	v15 =	vor.u32 s16, v15  }
0x31f: {  	v16 =	vor.u32 s16, v16;
	v17 =	vor.u32 s16, v17;
	v25 =	vand.u32 $0x7, v25  }
0x320: {  	v18 =	vor.u32 s16, v18;
	v12 =	vbroadcast v11, $0x0;
	v26 =	vor.u32 s16, v26  }
0x321: {  	v29 =	vand.u32 $0x78, v14;
	v30 =	vand.u32 $0x78, v15;
	v31 =	vand.u32 $0x78, v16  }
0x322: {  	v32 =	vand.u32 $0x78, v17;
	v33 =	vand.u32 $0x78, v18;
	v27 =	vand.u32 $0x78, v26  }
0x323: {  	v9 =	vld [tilespmem:s12+$0x550];
	vm1 =	vge.s32 v8, v6;
	v8 =	vsub.s32 v8, v6;
	v11 =	vadd.s32 v2, v12  }
0x324: {  	vm0 =	vmand vm0, vm1;
	vm15 =	vgt.s32 v8, $0x0;
	v27 =	vadd.s32 v11, v27  }
0x325: {  	v29 =	vadd.s32 v11, v29;
	v30 =	vadd.s32 v11, v30;
	v31 =	vadd.s32 v11, v31  }
0x326: {  	v32 =	vadd.s32 v11, v32;
	v33 =	vadd.s32 v11, v33;
	vm0 =	vmand vm0, vm2  }
0x327: {  	v10 =	vnsel vm15, $0x0, v8;
	v27 =	vor.u32 v25, v27;
	v29 =	vor.u32 v20, v29  }
0x328: {  	s18 =	simm.s32 $0x1;
	v30 =	vor.u32 v21, v30;
	v8 =	vnsel vm0, $0x0, v9;
	v9 =	vmin.u32 v10, $0x3FF  }
0x329: {  	v10 =	vadd.s32 v3, v12;
	v12 =	vand.u32 $0xF, v13;
	v13 =	vadd.s32 s18, v1  }
0x32a: {  	v31 =	vor.u32 v22, v31;
	v19 =	vand.u32 $0x7, v13;
	v13 =	vand.u32 $0xF, v13  }
0x32b: {  	v32 =	vor.u32 v23, v32;
	v9 =	vmul.u32 $0x50, v9;
	v13 =	vor.u32 s16, v13  }
0x32c: {  	v33 =	vor.u32 v24, v33;
	v12 =	vor.u32 s16, v12;
	v28 =	vand.u32 $0x78, v13  }
0x32d: {  	v34 =	vand.u32 $0x78, v12;
	v26 =	vadd.s32 v9, v26;
	v28 =	vadd.s32 v11, v28  }
0x32e: {  	v13 =	vadd.s32 v9, v13;
	v14 =	vadd.s32 v9, v14;
	v28 =	vor.u32 v19, v28  }
0x32f: {  	v12 =	vadd.s32 v9, v12;
	v18 =	vadd.s32 v9, v18;
	v26 =	vand.u32 $0x3FFF8, v26  }
0x330: {  	v27 =	vld.idx.msk [tilespmem:v27+s29+$0x0], $0xffff;
	v13 =	vand.u32 $0x3FFF8, v13;
	v14 =	vand.u32 $0x3FFF8, v14;
	v12 =	vand.u32 $0x3FFF8, v12  }
0x331: {  	v13 =	vor.u32 v19, v13;
	v19 =	vand.u32 $0x3FFF8, v18;
	v18 =	vor.u32 v4, v12;
	v12 =	vld.idx.msk [tilespmem:v32+s29+$0x0], $0xffff  }
0x332: {  	s18 =	simm.s32 $0xA;
	v25 =	vor.u32 v25, v26;
	v14 =	vor.u32 v20, v14;
	v20 =	vor.u32 v24, v19;
	v24 =	vld.idx.msk [tilespmem:v33+s29+$0x0], $0xffff  }
0x333: {  	v63 =	vadd.s32 s18, v1;
	v26 =	vld.idx.msk [tilespmem:v28+s29+$0x0], $0xffff  }
0x334: {  	v34 =	vadd.s32 v10, v34;
	v15 =	vadd.s32 v9, v15;
	v17 =	vadd.s32 v9, v17;
	v28 =	vld.idx.msk [tilespmem:v29+s29+$0x0], $0xffff  }
0x335: {  	v16 =	vadd.s32 v9, v16;
	v17 =	vand.u32 $0x3FFF8, v17;
	v27 =	vmul.f32 v27, v8;
	v29 =	vld.idx.msk [tilespmem:v30+s29+$0x0], $0xffff  }
0x336: {  	s16 =	simm.s32 $0xE;
	v15 =	vand.u32 $0x3FFF8, v15;
	v16 =	vand.u32 $0x3FFF8, v16;
	v35 =	vor.u32 v23, v17;
	v30 =	vld.idx.msk [tilespmem:v31+s29+$0x0], $0xffff  }
0x337: {  	s12 =	simm.s32 $0x8;
	s28 =	simm.s32 $0xD;
	v23 =	vadd.s32 s16, v1;
	v31 =	vor.u32 v22, v16;
	[tilespmem:v25+s3+$0x0] =	vst.idx.add.f32.msk $0xffff, v27;
	v27 =	vor.u32 v21, v15  }
0x338: {  	s21 =	simm.s32 $0xB;
	v22 =	vadd.s32 s28, v1;
	v15 =	vadd.s32 s12, v1;
	v16 =	vmul.f32 v26, v8  }
0x339: {  	s23 =	simm.s32 $0xC;
	v62 =	vld.idx.msk [tilespmem:v34+s29+$0x0], $0xffff;
	v21 =	vadd.s32 s21, v1;
	v19 =	vand.u32 $0xF, v15;
	v15 =	vmul.f32 v28, v8  }
0x33a: {  	s17 =	simm.s32 $0x9;
	v25 =	vadd.s32 s23, v1;
	v24 =	vmul.f32 v24, v8;
	v28 =	vmul.f32 v29, v8;
	[tilespmem:v13+s3+$0x0] =	vst.idx.add.f32.msk $0xffff, v16  }
0x33b: {  	v26 =	vadd.s32 s17, v1;
	v29 =	vmul.f32 v30, v8;
	v30 =	vmul.f32 v12, v8;
	[tilespmem:v14+s3+$0x0] =	vst.idx.add.f32.msk $0xffff, v15  }
0x33c: {  	v12 =	vand.u32 $0x7, v23;
	v17 =	vand.u32 $0x7, v26;
	v15 =	vand.u32 $0x7, v63;
	[tilespmem:v27+s3+$0x0] =	vst.idx.add.f32.msk $0xffff, v28  }
0x33d: {  	v16 =	vand.u32 $0x7, v21;
	v14 =	vand.u32 $0x7, v25;
	v13 =	vand.u32 $0x7, v22;
	[tilespmem:v31+s3+$0x0] =	vst.idx.add.f32.msk $0xffff, v29  }
0x33e: {  	s16 =	simm.s32 $0x10;
	s17 =	simm.s32 $0xF;
	v28 =	vand.u32 $0xF, v26;
	v27 =	vand.u32 $0xF, v63;
	v26 =	vmul.f32 v62, v8;
	[tilespmem:v35+s3+$0x0] =	vst.idx.add.f32.msk $0xffff, v30  }
.LBB2_28:
0x33f: {  	p1 =	slt.u32 s16, $0x48;
	v21 =	vand.u32 $0xF, v21;
	v25 =	vand.u32 $0xF, v25;
	v29 =	vadd.s32 s17, v1;
	[tilespmem:v20+s3+$0x0] =	vst.idx.add.f32.msk $0xffff, v24  }
0x340: {  	s14 =	sand.u32 $0x70, s12;
	v20 =	vand.u32 $0xF, v22;
	v22 =	vand.u32 $0xF, v23;
	s12 =	smov.u32 s16;
	v23 =	vand.u32 $0xF, v29;
	[tilespmem:v18+s3+$0x0] =	vst.idx.add.f32.msk $0xffff, v26  }
0x341: {  	v18 =	vor.u32 s14, v28;
	v24 =	vor.u32 s14, v27;
	v23 =	vor.u32 s14, v23  }
0x342: {  	v21 =	vor.u32 s14, v21;
	v25 =	vor.u32 s14, v25;
	v26 =	vand.u32 $0x78, v23  }
0x343: {  	v20 =	vor.u32 s14, v20;
	v27 =	vand.u32 $0x7, v29;
	v26 =	vadd.s32 v11, v26  }
0x344: {  	v22 =	vor.u32 s14, v22;
	v28 =	vand.u32 $0x78, v18;
	v26 =	vor.u32 v27, v26  }
0x345: {  	v29 =	vand.u32 $0x78, v24;
	v30 =	vand.u32 $0x78, v21;
	v31 =	vand.u32 $0x78, v25  }
0x346: {  	v19 =	vor.u32 s14, v19;
	v32 =	vand.u32 $0x78, v20;
	v33 =	vand.u32 $0x78, v22  }
0x347: {  	v28 =	vadd.s32 v11, v28;
	v29 =	vadd.s32 v11, v29;
	v30 =	vadd.s32 v11, v30  }
0x348: {  	v31 =	vadd.s32 v11, v31;
	v32 =	vadd.s32 v11, v32;
	v33 =	vadd.s32 v11, v33  }
0x349: {  	v34 =	vand.u32 $0x78, v19;
	v28 =	vor.u32 v17, v28;
	v29 =	vor.u32 v15, v29;
	v26 =	vld.idx.msk [tilespmem:v26+s29+$0x0], $0xffff  }
0x34a: {  	v23 =	vadd.s32 v9, v23;
	v30 =	vor.u32 v16, v30;
	v31 =	vor.u32 v14, v31  }
0x34b: {  	v32 =	vor.u32 v13, v32;
	v33 =	vor.u32 v12, v33;
	v23 =	vand.u32 $0x3FFF8, v23  }
0x34c: {  	v18 =	vadd.s32 v9, v18;
	v34 =	vadd.s32 v10, v34;
	v23 =	vor.u32 v27, v23  }
0x34d: {  	v24 =	vadd.s32 v9, v24;
	v21 =	vadd.s32 v9, v21;
	v25 =	vadd.s32 v9, v25  }
0x34e: {  	v19 =	vadd.s32 v9, v19;
	v20 =	vadd.s32 v9, v20;
	v22 =	vadd.s32 v9, v22;
	v27 =	vld.idx.msk [tilespmem:v28+s29+$0x0], $0xffff  }
0x34f: {  	v18 =	vand.u32 $0x3FFF8, v18;
	v24 =	vand.u32 $0x3FFF8, v24;
	v26 =	vmul.f32 v26, v8;
	v28 =	vld.idx.msk [tilespmem:v29+s29+$0x0], $0xffff  }
0x350: {  	v21 =	vand.u32 $0x3FFF8, v21;
	v25 =	vand.u32 $0x3FFF8, v25;
	v20 =	vand.u32 $0x3FFF8, v20;
	v29 =	vld.idx.msk [tilespmem:v30+s29+$0x0], $0xffff  }
0x351: {  	v19 =	vand.u32 $0x3FFF8, v19;
	v22 =	vand.u32 $0x3FFF8, v22;
	v17 =	vor.u32 v17, v18;
	[tilespmem:v23+s3+$0x0] =	vst.idx.add.f32.msk $0xffff, v26  }
0x352: {  	v15 =	vor.u32 v15, v24;
	v16 =	vor.u32 v16, v21;
	v26 =	vor.u32 v14, v25;
	v24 =	vld.idx.msk [tilespmem:v31+s29+$0x0], $0xffff  }
0x353: {  	v18 =	vor.u32 v4, v19;
	v31 =	vor.u32 v13, v20;
	v20 =	vor.u32 v12, v22;
	v30 =	vld.idx.msk [tilespmem:v32+s29+$0x0], $0xffff  }
0x354: {  	s14 =	sadd.s32 $0x1, s16;
	v12 =	vadd.s32 s16, v1;
	v13 =	vmul.f32 v27, v8;
	v27 =	vld.idx.msk [tilespmem:v33+s29+$0x0], $0xffff  }
0x355: {  	s15 =	sadd.s32 $0x3, s16;
	v19 =	vand.u32 $0xF, v12;
	v32 =	vadd.s32 s14, v1;
	s14 =	sadd.s32 $0x2, s16;
	v12 =	vmul.f32 v28, v8;
	v33 =	vld.idx.msk [tilespmem:v34+s29+$0x0], $0xffff  }
0x356: {  	s17 =	sadd.s32 $0x6, s16;
	v21 =	vadd.s32 s15, v1;
	s15 =	sadd.s32 $0x5, s16;
	v34 =	vadd.s32 s14, v1;
	s14 =	sadd.s32 $0x4, s16;
	[tilespmem:v17+s3+$0x0] =	vst.idx.add.f32.msk $0xffff, v13;
	v13 =	vmul.f32 v29, v8  }
.Ltmp16:
0x357: {  	v23 =	vadd.s32 s17, v1;
	v22 =	vadd.s32 s15, v1;
	v25 =	vadd.s32 s14, v1;
	[tilespmem:v15+s3+$0x0] =	vst.idx.add.f32.msk $0xffff, v12;
	(pc) =	sbr.rel @p1 .LBB2_28-.Ltmp16, $4  }
0x358: {  	v17 =	vand.u32 $0x7, v32;
	v15 =	vand.u32 $0x7, v34;
	v24 =	vmul.f32 v24, v8;
	[tilespmem:v16+s3+$0x0] =	vst.idx.add.f32.msk $0xffff, v13  }
0x359: {  	v14 =	vand.u32 $0x7, v25;
	v16 =	vand.u32 $0x7, v21;
	v29 =	vmul.f32 v30, v8  }
0x35a: {  	v12 =	vand.u32 $0x7, v23;
	v13 =	vand.u32 $0x7, v22;
	[tilespmem:v26+s3+$0x0] =	vst.idx.add.f32.msk $0xffff, v24;
	v24 =	vmul.f32 v27, v8  }
0x35b: {  	s17 =	sadd.s32 $0x7, s12;
	v28 =	vand.u32 $0xF, v32;
	s16 =	sadd.s32 $0x8, s16;
	v27 =	vand.u32 $0xF, v34;
	v26 =	vmul.f32 v33, v8;
	[tilespmem:v31+s3+$0x0] =	vst.idx.add.f32.msk $0xffff, v29  }
0x35c: {  	v29 =	vadd.s32 s17, v1;
	v21 =	vand.u32 $0xF, v21  }
0x35d: {  	s12 =	sand.u32 $0x70, s12;
	v25 =	vand.u32 $0xF, v25;
	v22 =	vand.u32 $0xF, v22;
	v23 =	vand.u32 $0xF, v23  }
0x35e: {  	v30 =	vand.u32 $0xF, v29;
	v28 =	vor.u32 s12, v28;
	v29 =	vand.u32 $0x7, v29  }
0x35f: {  	v27 =	vor.u32 s12, v27;
	v21 =	vor.u32 s12, v21;
	v25 =	vor.u32 s12, v25  }
0x360: {  	v22 =	vor.u32 s12, v22;
	v23 =	vor.u32 s12, v23;
	v19 =	vor.u32 s12, v19  }
0x361: {  	v30 =	vor.u32 s12, v30;
	v32 =	vand.u32 $0x78, v28;
	v33 =	vand.u32 $0x78, v27  }
0x362: {  	v34 =	vand.u32 $0x78, v21;
	v35 =	vand.u32 $0x78, v25;
	v43 =	vand.u32 $0x78, v19  }
0x363: {  	v39 =	vand.u32 $0x78, v22;
	v32 =	vadd.s32 v11, v32;
	v10 =	vadd.s32 v10, v43  }
0x364: {  	[tilespmem:v20+s3+$0x0] =	vst.idx.add.f32.msk $0xffff, v24;
	v40 =	vand.u32 $0x78, v23;
	v33 =	vadd.s32 v11, v33;
	v32 =	vor.u32 v17, v32  }
0x365: {  	v47 =	vadd.s32 v9, v28;
	v34 =	vadd.s32 v11, v34;
	v33 =	vor.u32 v15, v33  }
0x366: {  	[tilespmem:v18+s3+$0x0] =	vst.idx.add.f32.msk $0xffff, v26;
	v31 =	vand.u32 $0x78, v30;
	v41 =	vadd.s32 v11, v35;
	v34 =	vor.u32 v16, v34  }
0x367: {  	v30 =	vadd.s32 v9, v30;
	v31 =	vadd.s32 v11, v31;
	v44 =	vor.u32 v14, v41  }
0x368: {  	v42 =	vadd.s32 v11, v40;
	v30 =	vand.u32 $0x3FFF8, v30;
	v31 =	vor.u32 v29, v31;
	v10 =	vld.idx.msk [tilespmem:v10+s29+$0x0], $0xffff  }
0x369: {  	v29 =	vor.u32 v29, v30;
	v30 =	vadd.s32 v11, v39;
	v11 =	vor.u32 v12, v42;
	v46 =	vld.idx.msk [tilespmem:v32+s29+$0x0], $0xffff  }
0x36a: {  	v27 =	vadd.s32 v9, v27;
	v26 =	vand.u32 $0x3FFF8, v47;
	v45 =	vor.u32 v13, v30;
	v48 =	vld.idx.msk [tilespmem:v33+s29+$0x0], $0xffff  }
0x36b: {  	v21 =	vadd.s32 v9, v21;
	v27 =	vand.u32 $0x3FFF8, v27;
	v51 =	vor.u32 v17, v26;
	v50 =	vld.idx.msk [tilespmem:v34+s29+$0x0], $0xffff  }
0x36c: {  	v25 =	vadd.s32 v9, v25;
	v21 =	vand.u32 $0x3FFF8, v21;
	v52 =	vor.u32 v15, v27;
	v20 =	vld.idx.msk [tilespmem:v44+s29+$0x0], $0xffff  }
0x36d: {  	v19 =	vadd.s32 v9, v19;
	v54 =	vand.u32 $0x3FFF8, v25;
	v55 =	vor.u32 v16, v21;
	v31 =	vld.idx.msk [tilespmem:v31+s29+$0x0], $0xffff  }
0x36e: {  	v53 =	vadd.s32 v9, v23;
	v57 =	vor.u32 v14, v54;
	v11 =	vld.idx.msk [tilespmem:v11+s29+$0x0], $0xffff;
	v18 =	vmul.f32 v46, v8  }
0x36f: {  	v22 =	vadd.s32 v9, v22;
	v9 =	vand.u32 $0x3FFF8, v53;
	v56 =	vld.idx.msk [tilespmem:v45+s29+$0x0], $0xffff;
	v59 =	vmul.f32 v48, v8  }
0x370: {  	v22 =	vand.u32 $0x3FFF8, v22;
	v9 =	vor.u32 v12, v9;
	v60 =	vmul.f32 v50, v8;
	[tilespmem:v51+s3+$0x0] =	vst.idx.add.f32.msk $0xffff, v18  }
0x371: {  	s7 =	sadd.s32 $0x1, s7;
	v19 =	vand.u32 $0x3FFF8, v19;
	v58 =	vor.u32 v13, v22;
	v62 =	vmul.f32 v20, v8;
	[tilespmem:v52+s3+$0x0] =	vst.idx.add.f32.msk $0xffff, v59  }
0x372: {  	p1 =	sne.s32 s7, $0x8;
	v61 =	vor.u32 v4, v19;
	v49 =	vmul.f32 v31, v8;
	[tilespmem:v55+s3+$0x0] =	vst.idx.add.f32.msk $0xffff, v60  }
.Ltmp17:
0x373: {  	v11 =	vmul.f32 v11, v8;
	[tilespmem:v57+s3+$0x0] =	vst.idx.add.f32.msk $0xffff, v62;
	(pc) =	sbr.rel @p1 .LBB2_27-.Ltmp17, $4  }
0x374: {  	v63 =	vmul.f32 v56, v8;
	[tilespmem:v29+s3+$0x0] =	vst.idx.add.f32.msk $0xffff, v49  }
0x375: {  	v8 =	vmul.f32 v10, v8;
	[tilespmem:v9+s3+$0x0] =	vst.idx.add.f32.msk $0xffff, v11  }
0x376: {  	[tilespmem:v58+s3+$0x0] =	vst.idx.add.f32.msk $0xffff, v63  }
0x377: {  	[tilespmem:v61+s3+$0x0] =	vst.idx.add.f32.msk $0xffff, v8  }
0x378: {  	s25 =	sadd.s32 $0x1, s25;
	s6 =	rddreg [dreg:$0xd]  }
0x379: {  	p1 =	sne.s32 s25, s6  }
.Ltmp18:
0x37a: {  	_ = 	snop;
	(pc) =	sbr.rel @p1 .LBB2_6-.Ltmp18, $4  }
.Ltmp19:
0x37b: {  	_ = 	snop;
	(pc) =	sbr.rel @!p1 .LBB2_31-.Ltmp19, $4  }
0x37c: {  	_ = 	snop  }
0x37d: {  	_ = 	snop  }
0x37e: {  	s15 =	rddreg [dreg:$0xc]  }
0x37f: {  	_ = 	snop  }
.LBB2_33:
0x380: {  	_ =	sfence.sel $0x180000  }
0x381: {  	[bflag:$0x0] =	sbarrier.arrive $0xFFFF  }
0x382: {  	_ =	strace $0x90000047  }
0x383: {  	s0 =	stileid.u32;
	[bflag:$0x2] =	sbarrier.arrive $0xFFFF  }
0x384: {  	p0 =	sne.s32 s0, $0x0;
	s0 =	rddreg [dreg:$0x7]  }
0x385: {  	s0 =	sadd.s32 @!p0 $0x100000, s0  }
0x386: {  	[sflag:s0] =	ssyncadd.tile.s32 @!p0 $0x1;
	_ =	shalt  }
.Lfunc_end2:
_tile_overlayer_lowered:
.L_overlay_start_2:
0x387: {  	(tag) =	ssettag $0x2  }
0x388: {  	s0 =	rddreg [dreg:$0x0];
	s2 =	stileid.u32  }
0x389: {  	s1 =	rddreg [dreg:$0x1];
	p0 =	sne.s32 s2, $0x0  }
0x38a: {  	s3 =	rddreg [dreg:$0x2];
	[bflag:$0x3] =	sbarrier.arrive $0xFFFF;
	s2 =	simm.s32 @!p0 $0x1C08  }
0x38b: {  	[timem:s3], [sflag:s2] =	dma.local @!p0 [hbm:s0], s1  }
0x38c: {  	s0 =	simm.s32 @!p0 $0x8  }
0x38d: {  	_ =	swait.ge @!p0 [sflag:s0], s1  }
0x38e: {  	s1 =	ssub.s32 @!p0 $0x0, s1;
	[sflag:s0] =	ssyncset.done @!p0 $0x0  }
0x38f: {  	[sflag:s0] =	ssyncadd.s32 @!p0 s1  }
0x390: {  	[bflag:$0x3] =	sbarrier.arrive $0xFFFF  }
0x391: {  	_ =	shalt  }

</sc_bundles>
